<compile_context>
chip_gen: v7x
topology: tpu7x:2x2x1
jax: 0.10.2.dev20260603
libtpu: 0.0.44.dev20260713+nightly
codegen_flags: <defaults>
</compile_context>

<pallas_src>
import functools

import jax
import jax.numpy as jnp
from jax import lax
from jax.experimental import pallas as pl
from jax.experimental.pallas import tpu as pltpu
from jax.experimental.pallas import tpu_sc as plsc

NNODES = 10000
NEDGES = 320000
IND = 128
HIDD = 256
OUTD = 128
NC = 2
NS = 16
DH = 128
NEP = 327680
EK = 128
NBLK = NEP // NS // EK
NPAD = 10240
ROWBLK = 1000

NROUND = 2
RSPAN = NPAD // NROUND
ACC_R = RSPAN + 128
ZPT = ACC_R // NS
WPT = RSPAN // NS


def _sc_mesh():
    return plsc.VectorSubcoreMesh(core_axis_name="c", subcore_axis_name="s")


@functools.partial(
    pl.kernel,
    out_type=jax.ShapeDtypeStruct((NC, NPAD, DH), jnp.float32),
    mesh=_sc_mesh(),
    scratch_types=[
        pltpu.VMEM((NBLK, EK), jnp.int32),
        pltpu.VMEM((NBLK, EK), jnp.int32),
        pltpu.VMEM((EK, DH), jnp.float32),
        pltpu.VMEM((EK, DH), jnp.float32),
        pltpu.VMEM_SHARED((ACC_R, DH), jnp.float32),
        pltpu.SemaphoreType.DMA,
        pltpu.SemaphoreType.DMA,
    ],
)
def _spmm_k(zeros_hbm, g_hbm, src_hbm, dstl_hbm, out_hbm,
            srcv, dstv, rows0, rows1, acc, sem0, sem1):
    c = lax.axis_index("c")
    s = lax.axis_index("s")
    wid = c * NS + s
    pltpu.sync_copy(src_hbm.at[wid], srcv)

    for r in range(NROUND):
        pltpu.sync_copy(zeros_hbm.at[pl.ds(s * ZPT, ZPT)],
                        acc.at[pl.ds(s * ZPT, ZPT)])
        pltpu.sync_copy(dstl_hbm.at[r, s], dstv)
        plsc.subcore_barrier()

        def gcopy(j, buf, sm):
            return pltpu.make_async_copy(g_hbm.at[srcv.at[j]], buf, sm)

        gcopy(0, rows0, sem0).start()
        gcopy(1, rows1, sem1).start()

        def body0(i, carry):
            j = i * 2
            gcopy(j, rows0, sem0).wait()
            pltpu.sync_copy(rows0, acc.at[dstv.at[j]], add=True)
            gcopy(j + 2, rows0, sem0).start()
            gcopy(j + 1, rows1, sem1).wait()
            pltpu.sync_copy(rows1, acc.at[dstv.at[j + 1]], add=True)
            gcopy(j + 3, rows1, sem1).start()
            return carry

        lax.fori_loop(0, NBLK // 2 - 1, body0, 0)
        gcopy(NBLK - 2, rows0, sem0).wait()
        pltpu.sync_copy(rows0, acc.at[dstv.at[NBLK - 2]], add=True)
        gcopy(NBLK - 1, rows1, sem1).wait()
        pltpu.sync_copy(rows1, acc.at[dstv.at[NBLK - 1]], add=True)
        plsc.subcore_barrier()
        pltpu.sync_copy(acc.at[pl.ds(s * WPT, WPT)],
                        out_hbm.at[c, pl.ds(r * RSPAN + s * WPT, WPT)])
        plsc.subcore_barrier()


def _tc1(x, W1, parts):
    def body(x_ref, w_ref, p_ref, g_ref, dv_ref):
        h = jnp.dot(x_ref[...], w_ref[...], preferred_element_type=jnp.float32)
        p = p_ref[...]
        deg = 1.0 + p[0, :, 0:1]
        dv = lax.rsqrt(deg)
        dv_ref[...] = dv
        g_ref[:, 0, :] = h[:, :DH] * dv
        g_ref[:, 1, :] = h[:, DH:] * dv

    return pl.pallas_call(
        body,
        grid=(NNODES // ROWBLK,),
        in_specs=[
            pl.BlockSpec((ROWBLK, IND), lambda i: (i, 0)),
            pl.BlockSpec((IND, HIDD), lambda i: (0, 0)),
            pl.BlockSpec((1, ROWBLK, DH), lambda i: (0, i, 0)),
        ],
        out_specs=(
            pl.BlockSpec((ROWBLK, NC, DH), lambda i: (i, 0, 0)),
            pl.BlockSpec((ROWBLK, 1), lambda i: (i, 0)),
        ),
        out_shape=(
            jax.ShapeDtypeStruct((NNODES, NC, DH), jnp.float32),
            jax.ShapeDtypeStruct((NNODES, 1), jnp.float32),
        ),
    )(x, W1, parts)


def _tc2(a, g, dinv, b1, W2):
    def body(a_ref, g_ref, dv_ref, b_ref, w_ref, o_ref):
        dv = dv_ref[...]
        b = b_ref[...]
        gg = g_ref[...]
        z0 = jnp.maximum(dv * (a_ref[0] + gg[:, 0, :]) + b[:DH][None, :], 0.0)
        z1 = jnp.maximum(dv * (a_ref[1] + gg[:, 1, :]) + b[DH:][None, :], 0.0)
        w = w_ref[...]
        h = jnp.dot(z0, w[:DH, :], preferred_element_type=jnp.float32)
        h = h + jnp.dot(z1, w[DH:, :], preferred_element_type=jnp.float32)
        o_ref[:, 0, :] = h[:, :DH] * dv
        o_ref[:, 1, :] = h[:, DH:] * dv

    return pl.pallas_call(
        body,
        grid=(NNODES // ROWBLK,),
        in_specs=[
            pl.BlockSpec((NC, ROWBLK, DH), lambda i: (0, i, 0)),
            pl.BlockSpec((ROWBLK, NC, DH), lambda i: (i, 0, 0)),
            pl.BlockSpec((ROWBLK, 1), lambda i: (i, 0)),
            pl.BlockSpec((HIDD,), lambda i: (0,)),
            pl.BlockSpec((HIDD, HIDD), lambda i: (0, 0)),
        ],
        out_specs=pl.BlockSpec((ROWBLK, NC, DH), lambda i: (i, 0, 0)),
        out_shape=jax.ShapeDtypeStruct((NNODES, NC, DH), jnp.float32),
    )(a, g, dinv, b1, W2)


def _tc3(a, g, dinv, b2, Wf, bf):
    def body(a_ref, g_ref, dv_ref, b_ref, wf_ref, bf_ref, o_ref):
        dv = dv_ref[...]
        b = b_ref[...]
        gg = g_ref[...]
        z0 = jnp.maximum(dv * (a_ref[0] + gg[:, 0, :]) + b[:DH][None, :], 0.0)
        z1 = jnp.maximum(dv * (a_ref[1] + gg[:, 1, :]) + b[DH:][None, :], 0.0)
        w = wf_ref[...]
        h = jnp.dot(z0, w[:DH, :], preferred_element_type=jnp.float32)
        h = h + jnp.dot(z1, w[DH:, :], preferred_element_type=jnp.float32)
        o_ref[...] = h + bf_ref[...][None, :]

    return pl.pallas_call(
        body,
        grid=(NNODES // ROWBLK,),
        in_specs=[
            pl.BlockSpec((NC, ROWBLK, DH), lambda i: (0, i, 0)),
            pl.BlockSpec((ROWBLK, NC, DH), lambda i: (i, 0, 0)),
            pl.BlockSpec((ROWBLK, 1), lambda i: (i, 0)),
            pl.BlockSpec((HIDD,), lambda i: (0,)),
            pl.BlockSpec((HIDD, OUTD), lambda i: (0, 0)),
            pl.BlockSpec((OUTD,), lambda i: (0,)),
        ],
        out_specs=pl.BlockSpec((ROWBLK, OUTD), lambda i: (i, 0)),
        out_shape=jax.ShapeDtypeStruct((NNODES, OUTD), jnp.float32),
    )(a, g, dinv, b2, Wf, bf)


def _gcn_dbg(x, src, dst, W, b, dinv):
    h = x @ W
    g = h * dinv[:, None]
    agg = jnp.zeros_like(g).at[dst].add(g[src])
    return dinv[:, None] * agg + dinv[:, None] * g + b


def kernel(x, edge_index, W1, b1, W2, b2, Wf, bf):
    src = edge_index[0].astype(jnp.int32)
    dst = edge_index[1].astype(jnp.int32)
    npad_e = NEP - NEDGES
    srcp = jnp.concatenate([src, jnp.zeros((npad_e,), jnp.int32)])
    dstp = jnp.concatenate(
        [dst, NPAD + (jnp.arange(npad_e, dtype=jnp.int32) & 127)])
    src2 = jnp.stack([2 * srcp, 2 * srcp + 1]).reshape(NC * NS, NBLK, EK)
    padrow = RSPAN + (jnp.arange(NEP, dtype=jnp.int32) & 127)
    dloc = []
    for r in range(NROUND):
        lo = r * RSPAN
        inr = (dstp >= lo) & (dstp < lo + RSPAN)
        dloc.append(jnp.where(inr, dstp - lo, padrow))
    dstl = jnp.stack(dloc).reshape(NROUND, NS, NBLK, EK)
    zeros_s = jnp.zeros((ACC_R, DH), jnp.float32)
    ones_t = jnp.ones((NNODES * NC, DH), jnp.float32)

    parts = _spmm_k(zeros_s, ones_t, src2, dstl)
    g1, dinv = _tc1(x, W1, parts)
    agg1 = _spmm_k(zeros_s, g1.reshape(NNODES * NC, DH), src2, dstl)
    g2 = _tc2(agg1, g1, dinv, b1, W2)
    agg2 = _spmm_k(zeros_s, g2.reshape(NNODES * NC, DH), src2, dstl)
    out = _tc3(agg2, g2, dinv, b2, Wf, bf)
    return out

# --- scband reference (transcript-rebuilt; emitter-appended) ---
"""Pipeline reference for scband-graph-dqn-61787399520995 (READ-ONLY COPY).

The authoritative reference and input builder live on the scoring server;
editing this copy changes nothing except your own understanding.
"""

import jax, jax.numpy as jnp
import numpy as np

N_NODES = 10000
N_EDGES = 320000
IN_DIM = 128
HID_DIM = 256
OUT_DIM = 128


def gcn_conv(x, src, dst, W, b):
    # PyG GCNConv: x' = D^{-1/2} (A + I) D^{-1/2} X W + b
    n = x.shape[0]
    loop = jnp.arange(n, dtype=src.dtype)
    src_sl = jnp.concatenate([src, loop])
    dst_sl = jnp.concatenate([dst, loop])
    h = x @ W
    deg = jnp.zeros((n,), dtype=h.dtype).at[dst_sl].add(1.0)
    dinv = jnp.where(deg > 0, jax.lax.rsqrt(deg), 0.0)
    norm = dinv[src_sl] * dinv[dst_sl]
    msg = h[src_sl] * norm[:, None]
    out = jnp.zeros((n, h.shape[1]), dtype=h.dtype).at[dst_sl].add(msg)
    return out + b


def setup_inputs(seed: int = 0) -> dict:
    key = jax.random.key(seed)
    k0, k1, k2, k3, k4 = jax.random.split(key, 5)
    x = jax.random.normal(k0, (N_NODES, IN_DIM), dtype=jnp.float32)
    edge_index = jax.random.randint(k1, (2, N_EDGES), 0, N_NODES, dtype=jnp.int64 if jax.config.jax_enable_x64 else jnp.int32)
    # glorot-style init for weights
    W1 = jax.random.normal(k2, (IN_DIM, HID_DIM), dtype=jnp.float32) * (1.0 / np.sqrt(IN_DIM))
    b1 = jnp.zeros((HID_DIM,), dtype=jnp.float32)
    W2 = jax.random.normal(k3, (HID_DIM, HID_DIM), dtype=jnp.float32) * (1.0 / np.sqrt(HID_DIM))
    b2 = jnp.zeros((HID_DIM,), dtype=jnp.float32)
    Wf = jax.random.normal(k4, (HID_DIM, OUT_DIM), dtype=jnp.float32) * (1.0 / np.sqrt(HID_DIM))
    bf = jnp.zeros((OUT_DIM,), dtype=jnp.float32)
    return {"x": x, "edge_index": edge_index, "W1": W1, "b1": b1, "W2": W2, "b2": b2, "Wf": Wf, "bf": bf}


def reference(x, edge_index, W1, b1, W2, b2, Wf, bf):
    src = edge_index[0]
    dst = edge_index[1]
    h = jax.nn.relu(gcn_conv(x, src, dst, W1, b1))
    h = jax.nn.relu(gcn_conv(h, src, dst, W2, b2))
    out = h @ Wf + bf
    return out

if __name__ == "__main__":
    import jax
    _d = setup_inputs()
    print(jax.jit(kernel)(*tuple(_d.values())))

</pallas_src>

<mosaic_0001>
#map = affine_map<(d0, d1) -> (0, 0)>
#map1 = affine_map<(d0, d1) -> (0, 0, 0)>
#map2 = affine_map<(d0, d1) -> (0, 0, 0, 0)>
module attributes {stable_mosaic.version = 14 : i64} {
  func.func @_spmm_k(%arg0: i32, %arg1: i32, %arg2: memref<5248x128xf32, #tpu.memory_space<hbm>>, %arg3: memref<20000x128xf32, #tpu.memory_space<hbm>>, %arg4: memref<32x160x128xi32, #tpu.memory_space<hbm>>, %arg5: memref<2x16x160x128xi32, #tpu.memory_space<hbm>>, %arg6: memref<2x10240x128xf32, #tpu.memory_space<hbm>>, %arg7: memref<160x128xi32, #tpu.memory_space<vmem>>, %arg8: memref<160x128xi32, #tpu.memory_space<vmem>>, %arg9: memref<128x128xf32, #tpu.memory_space<vmem>>, %arg10: memref<128x128xf32, #tpu.memory_space<vmem>>, %arg11: memref<5248x128xf32, #tpu.memory_space<vmem_shared>>, %arg12: memref<!tpu.dma_semaphore, #tpu.memory_space<semaphore_mem>>, %arg13: memref<!tpu.dma_semaphore, #tpu.memory_space<semaphore_mem>>) attributes {dimension_semantics = [#tpu.dimension_semantics<core_parallel>, #tpu.dimension_semantics<subcore_parallel>], iteration_bounds = array<i64: 2, 16>, scalar_prefetch = 0 : i64, scratch_operands = 7 : i64, tpu.core_type = #tpu.core_type<sc_vector_subcore>, window_params = [{transform_indices = #map}, {transform_indices = #map}, {transform_indices = #map1}, {transform_indices = #map2}, {transform_indices = #map1}]} {
    %mul3A = arith.constant 16 : i32
    %mul3A_0 = arith.muli %arg0, %mul3A : i32
    %add3A = arith.addi %mul3A_0, %arg1 : i32
    "tpu.region"() ({
      %run_scoped3A_96 = tpu.sem_alloc : memref<!tpu.dma_semaphore, #tpu.memory_space<semaphore_mem>>
      %dma_start3A_97 = arith.constant 0 : i32
      %dma_start3A_98 = arith.constant 0 : i32
      %dma_start3A_99 = tpu.memref_slice %arg4[%add3A, %dma_start3A_97, %dma_start3A_98] : memref<32x160x128xi32, #tpu.memory_space<hbm>> -> memref<1x160x128xi32, #tpu.memory_space<hbm>>
      %dma_start3A_100 = tpu.memref_squeeze %dma_start3A_99 : memref<1x160x128xi32, #tpu.memory_space<hbm>> -> memref<160x128xi32, #tpu.memory_space<hbm>>
      %dma_start3A_101 = arith.constant 0 : i32
      %dma_start3A_102 = arith.constant 0 : i32
      %dma_start3A_103 = tpu.memref_slice %arg4[%add3A, %dma_start3A_101, %dma_start3A_102] : memref<32x160x128xi32, #tpu.memory_space<hbm>> -> memref<1x160x128xi32, #tpu.memory_space<hbm>>
      %dma_start3A_104 = tpu.memref_squeeze %dma_start3A_103 : memref<1x160x128xi32, #tpu.memory_space<hbm>> -> memref<160x128xi32, #tpu.memory_space<hbm>>
      tpu.enqueue_dma source(%dma_start3A_104 : memref<160x128xi32, #tpu.memory_space<hbm>>) target(%arg7 : memref<160x128xi32, #tpu.memory_space<vmem>>) target_semaphore(%run_scoped3A_96 : memref<!tpu.dma_semaphore, #tpu.memory_space<semaphore_mem>>)
      %dma_wait3A_105 = arith.constant 0 : i32
      %dma_wait3A_106 = arith.constant 0 : i32
      %dma_wait3A_107 = tpu.memref_slice %arg4[%add3A, %dma_wait3A_105, %dma_wait3A_106] : memref<32x160x128xi32, #tpu.memory_space<hbm>> -> memref<1x160x128xi32, #tpu.memory_space<hbm>>
      %dma_wait3A_108 = tpu.memref_squeeze %dma_wait3A_107 : memref<1x160x128xi32, #tpu.memory_space<hbm>> -> memref<160x128xi32, #tpu.memory_space<hbm>>
      %dma_wait3A_109 = arith.constant 0 : i32
      %dma_wait3A_110 = arith.constant 0 : i32
      %dma_wait3A_111 = tpu.memref_slice %arg4[%add3A, %dma_wait3A_109, %dma_wait3A_110] : memref<32x160x128xi32, #tpu.memory_space<hbm>> -> memref<1x160x128xi32, #tpu.memory_space<hbm>>
      %dma_wait3A_112 = tpu.memref_squeeze %dma_wait3A_111 : memref<1x160x128xi32, #tpu.memory_space<hbm>> -> memref<160x128xi32, #tpu.memory_space<hbm>>
      tpu.wait_dma2 semaphore(%run_scoped3A_96 : memref<!tpu.dma_semaphore, #tpu.memory_space<semaphore_mem>>) src(%dma_wait3A_112 : memref<160x128xi32, #tpu.memory_space<hbm>>) dst(%arg7 : memref<160x128xi32, #tpu.memory_space<vmem>>)
      tpu.yield
    }) : () -> ()
    %mul3A_1 = arith.constant 328 : i32
    %mul3A_2 = arith.muli %arg1, %mul3A_1 : i32
    %mul3A_3 = arith.constant 328 : i32
    %mul3A_4 = arith.muli %arg1, %mul3A_3 : i32
    "tpu.region"() ({
      %run_scoped3A_96 = tpu.sem_alloc : memref<!tpu.dma_semaphore, #tpu.memory_space<semaphore_mem>>
      %dma_start3A_97 = arith.constant 0 : i32
      %dma_start3A_98 = tpu.memref_slice %arg11[%mul3A_4, %dma_start3A_97] : memref<5248x128xf32, #tpu.memory_space<vmem_shared>> -> memref<328x128xf32, #tpu.memory_space<vmem_shared>>
      %dma_start3A_99 = arith.constant 0 : i32
      %dma_start3A_100 = tpu.memref_slice %arg2[%mul3A_2, %dma_start3A_99] : memref<5248x128xf32, #tpu.memory_space<hbm>> -> memref<328x128xf32, #tpu.memory_space<hbm>>
      tpu.enqueue_dma source(%dma_start3A_100 : memref<328x128xf32, #tpu.memory_space<hbm>>) target(%dma_start3A_98 : memref<328x128xf32, #tpu.memory_space<vmem_shared>>) target_semaphore(%run_scoped3A_96 : memref<!tpu.dma_semaphore, #tpu.memory_space<semaphore_mem>>)
      %dma_wait3A_101 = arith.constant 0 : i32
      %dma_wait3A_102 = tpu.memref_slice %arg11[%mul3A_4, %dma_wait3A_101] : memref<5248x128xf32, #tpu.memory_space<vmem_shared>> -> memref<328x128xf32, #tpu.memory_space<vmem_shared>>
      %dma_wait3A_103 = arith.constant 0 : i32
      %dma_wait3A_104 = tpu.memref_slice %arg2[%mul3A_2, %dma_wait3A_103] : memref<5248x128xf32, #tpu.memory_space<hbm>> -> memref<328x128xf32, #tpu.memory_space<hbm>>
      tpu.wait_dma2 semaphore(%run_scoped3A_96 : memref<!tpu.dma_semaphore, #tpu.memory_space<semaphore_mem>>) src(%dma_wait3A_104 : memref<328x128xf32, #tpu.memory_space<hbm>>) dst(%dma_wait3A_102 : memref<328x128xf32, #tpu.memory_space<vmem_shared>>)
      tpu.yield
    }) : () -> ()
    %run_scoped3A = arith.constant 0 : i32
    "tpu.region"() ({
      %run_scoped3A_96 = tpu.sem_alloc : memref<!tpu.dma_semaphore, #tpu.memory_space<semaphore_mem>>
      %dma_start3A_97 = arith.constant 0 : i32
      %dma_start3A_98 = arith.constant 0 : i32
      %dma_start3A_99 = tpu.memref_slice %arg5[%run_scoped3A, %arg1, %dma_start3A_97, %dma_start3A_98] : memref<2x16x160x128xi32, #tpu.memory_space<hbm>> -> memref<1x1x160x128xi32, #tpu.memory_space<hbm>>
      %dma_start3A_100 = tpu.memref_squeeze %dma_start3A_99 : memref<1x1x160x128xi32, #tpu.memory_space<hbm>> -> memref<160x128xi32, #tpu.memory_space<hbm>>
      %dma_start3A_101 = arith.constant 0 : i32
      %dma_start3A_102 = arith.constant 0 : i32
      %dma_start3A_103 = tpu.memref_slice %arg5[%run_scoped3A, %arg1, %dma_start3A_101, %dma_start3A_102] : memref<2x16x160x128xi32, #tpu.memory_space<hbm>> -> memref<1x1x160x128xi32, #tpu.memory_space<hbm>>
      %dma_start3A_104 = tpu.memref_squeeze %dma_start3A_103 : memref<1x1x160x128xi32, #tpu.memory_space<hbm>> -> memref<160x128xi32, #tpu.memory_space<hbm>>
      tpu.enqueue_dma source(%dma_start3A_104 : memref<160x128xi32, #tpu.memory_space<hbm>>) target(%arg8 : memref<160x128xi32, #tpu.memory_space<vmem>>) target_semaphore(%run_scoped3A_96 : memref<!tpu.dma_semaphore, #tpu.memory_space<semaphore_mem>>)
      %dma_wait3A_105 = arith.constant 0 : i32
      %dma_wait3A_106 = arith.constant 0 : i32
      %dma_wait3A_107 = tpu.memref_slice %arg5[%run_scoped3A, %arg1, %dma_wait3A_105, %dma_wait3A_106] : memref<2x16x160x128xi32, #tpu.memory_space<hbm>> -> memref<1x1x160x128xi32, #tpu.memory_space<hbm>>
      %dma_wait3A_108 = tpu.memref_squeeze %dma_wait3A_107 : memref<1x1x160x128xi32, #tpu.memory_space<hbm>> -> memref<160x128xi32, #tpu.memory_space<hbm>>
      %dma_wait3A_109 = arith.constant 0 : i32
      %dma_wait3A_110 = arith.constant 0 : i32
      %dma_wait3A_111 = tpu.memref_slice %arg5[%run_scoped3A, %arg1, %dma_wait3A_109, %dma_wait3A_110] : memref<2x16x160x128xi32, #tpu.memory_space<hbm>> -> memref<1x1x160x128xi32, #tpu.memory_space<hbm>>
      %dma_wait3A_112 = tpu.memref_squeeze %dma_wait3A_111 : memref<1x1x160x128xi32, #tpu.memory_space<hbm>> -> memref<160x128xi32, #tpu.memory_space<hbm>>
      tpu.wait_dma2 semaphore(%run_scoped3A_96 : memref<!tpu.dma_semaphore, #tpu.memory_space<semaphore_mem>>) src(%dma_wait3A_112 : memref<160x128xi32, #tpu.memory_space<hbm>>) dst(%arg8 : memref<160x128xi32, #tpu.memory_space<vmem>>)
      tpu.yield
    }) : () -> ()
    %barrier3A = arith.constant 0 : index
    tpu.barrier barrier_id(%barrier3A)
    %dma_start3A = arith.constant 0 : i32
    %dma_start3A_5 = arith.constant 0 : i32
    %dma_start3A_6 = tpu.memref_slice %arg7[%dma_start3A, %dma_start3A_5] : memref<160x128xi32, #tpu.memory_space<vmem>> -> memref<1x128xi32, #tpu.memory_space<vmem>>
    %dma_start3A_7 = tpu.memref_squeeze %dma_start3A_6 : memref<1x128xi32, #tpu.memory_space<vmem>> -> memref<128xi32, #tpu.memory_space<vmem>>
    %dma_start3A_8 = arith.constant 0 : i32
    %dma_start3A_9 = arith.constant 0 : i32
    %dma_start3A_10 = tpu.memref_slice %arg3[%dma_start3A_8, %dma_start3A_9] : memref<20000x128xf32, #tpu.memory_space<hbm>> -> memref<20000x128xf32, #tpu.memory_space<hbm>>
    tpu.enqueue_indirect_dma source(%dma_start3A_10 : memref<20000x128xf32, #tpu.memory_space<hbm>>) target(%arg9 : memref<128x128xf32, #tpu.memory_space<vmem>>) offsets(%dma_start3A_7 : memref<128xi32, #tpu.memory_space<vmem>>) semaphore(%arg12 : memref<!tpu.dma_semaphore, #tpu.memory_space<semaphore_mem>>)
    %dma_start3A_11 = arith.constant 1 : i32
    %dma_start3A_12 = arith.constant 0 : i32
    %dma_start3A_13 = tpu.memref_slice %arg7[%dma_start3A_11, %dma_start3A_12] : memref<160x128xi32, #tpu.memory_space<vmem>> -> memref<1x128xi32, #tpu.memory_space<vmem>>
    %dma_start3A_14 = tpu.memref_squeeze %dma_start3A_13 : memref<1x128xi32, #tpu.memory_space<vmem>> -> memref<128xi32, #tpu.memory_space<vmem>>
    %dma_start3A_15 = arith.constant 0 : i32
    %dma_start3A_16 = arith.constant 0 : i32
    %dma_start3A_17 = tpu.memref_slice %arg3[%dma_start3A_15, %dma_start3A_16] : memref<20000x128xf32, #tpu.memory_space<hbm>> -> memref<20000x128xf32, #tpu.memory_space<hbm>>
    tpu.enqueue_indirect_dma source(%dma_start3A_17 : memref<20000x128xf32, #tpu.memory_space<hbm>>) target(%arg10 : memref<128x128xf32, #tpu.memory_space<vmem>>) offsets(%dma_start3A_14 : memref<128xi32, #tpu.memory_space<vmem>>) semaphore(%arg13 : memref<!tpu.dma_semaphore, #tpu.memory_space<semaphore_mem>>)
    %scan3A = arith.constant 0 : i32
    %scan3A_18 = arith.constant 0 : i32
    %scan3A_19 = arith.constant 79 : i32
    %scan3A_20 = arith.addi %scan3A_18, %scan3A_19 : i32
    %scan3A_21 = arith.constant 1 : i32
    scf.for %scan3A_96 = %scan3A_18 to %scan3A_20 step %scan3A_21  : i32 {
      %mul3A_97 = arith.constant 2 : i32
      %mul3A_98 = arith.muli %scan3A_96, %mul3A_97 : i32
      %dma_wait3A_99 = arith.constant 0 : i32
      %dma_wait3A_100 = tpu.memref_slice %arg7[%mul3A_98, %dma_wait3A_99] : memref<160x128xi32, #tpu.memory_space<vmem>> -> memref<1x128xi32, #tpu.memory_space<vmem>>
      %dma_wait3A_101 = tpu.memref_squeeze %dma_wait3A_100 : memref<1x128xi32, #tpu.memory_space<vmem>> -> memref<128xi32, #tpu.memory_space<vmem>>
      %dma_wait3A_102 = arith.constant 0 : i32
      %dma_wait3A_103 = arith.constant 0 : i32
      %dma_wait3A_104 = tpu.memref_slice %arg3[%dma_wait3A_102, %dma_wait3A_103] : memref<20000x128xf32, #tpu.memory_space<hbm>> -> memref<20000x128xf32, #tpu.memory_space<hbm>>
      tpu.wait_indirect_dma semaphore(%arg12 : memref<!tpu.dma_semaphore, #tpu.memory_space<semaphore_mem>>) src(%dma_wait3A_104 : memref<20000x128xf32, #tpu.memory_space<hbm>>) dst(%arg9 : memref<128x128xf32, #tpu.memory_space<vmem>>)
      "tpu.region"() ({
        %run_scoped3A_131 = tpu.sem_alloc : memref<!tpu.dma_semaphore, #tpu.memory_space<semaphore_mem>>
        %dma_start3A_132 = arith.constant 0 : i32
        %dma_start3A_133 = tpu.memref_slice %arg8[%mul3A_98, %dma_start3A_132] : memref<160x128xi32, #tpu.memory_space<vmem>> -> memref<1x128xi32, #tpu.memory_space<vmem>>
        %dma_start3A_134 = tpu.memref_squeeze %dma_start3A_133 : memref<1x128xi32, #tpu.memory_space<vmem>> -> memref<128xi32, #tpu.memory_space<vmem>>
        %dma_start3A_135 = arith.constant 0 : i32
        %dma_start3A_136 = arith.constant 0 : i32
        %dma_start3A_137 = tpu.memref_slice %arg11[%dma_start3A_135, %dma_start3A_136] : memref<5248x128xf32, #tpu.memory_space<vmem_shared>> -> memref<5248x128xf32, #tpu.memory_space<vmem_shared>>
        tpu.enqueue_indirect_dma source(%arg9 : memref<128x128xf32, #tpu.memory_space<vmem>>) target(%dma_start3A_137 : memref<5248x128xf32, #tpu.memory_space<vmem_shared>>) offsets(%dma_start3A_134 : memref<128xi32, #tpu.memory_space<vmem>>) semaphore(%run_scoped3A_131 : memref<!tpu.dma_semaphore, #tpu.memory_space<semaphore_mem>>) {add = true}
        %dma_wait3A_138 = arith.constant 0 : i32
        %dma_wait3A_139 = tpu.memref_slice %arg8[%mul3A_98, %dma_wait3A_138] : memref<160x128xi32, #tpu.memory_space<vmem>> -> memref<1x128xi32, #tpu.memory_space<vmem>>
        %dma_wait3A_140 = tpu.memref_squeeze %dma_wait3A_139 : memref<1x128xi32, #tpu.memory_space<vmem>> -> memref<128xi32, #tpu.memory_space<vmem>>
        %dma_wait3A_141 = arith.constant 0 : i32
        %dma_wait3A_142 = arith.constant 0 : i32
        %dma_wait3A_143 = tpu.memref_slice %arg11[%dma_wait3A_141, %dma_wait3A_142] : memref<5248x128xf32, #tpu.memory_space<vmem_shared>> -> memref<5248x128xf32, #tpu.memory_space<vmem_shared>>
        tpu.wait_indirect_dma semaphore(%run_scoped3A_131 : memref<!tpu.dma_semaphore, #tpu.memory_space<semaphore_mem>>) src(%arg9 : memref<128x128xf32, #tpu.memory_space<vmem>>) dst(%dma_wait3A_143 : memref<5248x128xf32, #tpu.memory_space<vmem_shared>>)
        tpu.yield
      }) : () -> ()
      %add3A_105 = arith.constant 2 : i32
      %add3A_106 = arith.addi %mul3A_98, %add3A_105 : i32
      %dma_start3A_107 = arith.constant 0 : i32
      %dma_start3A_108 = tpu.memref_slice %arg7[%add3A_106, %dma_start3A_107] : memref<160x128xi32, #tpu.memory_space<vmem>> -> memref<1x128xi32, #tpu.memory_space<vmem>>
      %dma_start3A_109 = tpu.memref_squeeze %dma_start3A_108 : memref<1x128xi32, #tpu.memory_space<vmem>> -> memref<128xi32, #tpu.memory_space<vmem>>
      %dma_start3A_110 = arith.constant 0 : i32
      %dma_start3A_111 = arith.constant 0 : i32
      %dma_start3A_112 = tpu.memref_slice %arg3[%dma_start3A_110, %dma_start3A_111] : memref<20000x128xf32, #tpu.memory_space<hbm>> -> memref<20000x128xf32, #tpu.memory_space<hbm>>
      tpu.enqueue_indirect_dma source(%dma_start3A_112 : memref<20000x128xf32, #tpu.memory_space<hbm>>) target(%arg9 : memref<128x128xf32, #tpu.memory_space<vmem>>) offsets(%dma_start3A_109 : memref<128xi32, #tpu.memory_space<vmem>>) semaphore(%arg12 : memref<!tpu.dma_semaphore, #tpu.memory_space<semaphore_mem>>)
      %add3A_113 = arith.constant 1 : i32
      %add3A_114 = arith.addi %mul3A_98, %add3A_113 : i32
      %dma_wait3A_115 = arith.constant 0 : i32
      %dma_wait3A_116 = tpu.memref_slice %arg7[%add3A_114, %dma_wait3A_115] : memref<160x128xi32, #tpu.memory_space<vmem>> -> memref<1x128xi32, #tpu.memory_space<vmem>>
      %dma_wait3A_117 = tpu.memref_squeeze %dma_wait3A_116 : memref<1x128xi32, #tpu.memory_space<vmem>> -> memref<128xi32, #tpu.memory_space<vmem>>
      %dma_wait3A_118 = arith.constant 0 : i32
      %dma_wait3A_119 = arith.constant 0 : i32
      %dma_wait3A_120 = tpu.memref_slice %arg3[%dma_wait3A_118, %dma_wait3A_119] : memref<20000x128xf32, #tpu.memory_space<hbm>> -> memref<20000x128xf32, #tpu.memory_space<hbm>>
      tpu.wait_indirect_dma semaphore(%arg13 : memref<!tpu.dma_semaphore, #tpu.memory_space<semaphore_mem>>) src(%dma_wait3A_120 : memref<20000x128xf32, #tpu.memory_space<hbm>>) dst(%arg10 : memref<128x128xf32, #tpu.memory_space<vmem>>)
      %add3A_121 = arith.constant 1 : i32
      %add3A_122 = arith.addi %mul3A_98, %add3A_121 : i32
      "tpu.region"() ({
        %run_scoped3A_131 = tpu.sem_alloc : memref<!tpu.dma_semaphore, #tpu.memory_space<semaphore_mem>>
        %dma_start3A_132 = arith.constant 0 : i32
        %dma_start3A_133 = tpu.memref_slice %arg8[%add3A_122, %dma_start3A_132] : memref<160x128xi32, #tpu.memory_space<vmem>> -> memref<1x128xi32, #tpu.memory_space<vmem>>
        %dma_start3A_134 = tpu.memref_squeeze %dma_start3A_133 : memref<1x128xi32, #tpu.memory_space<vmem>> -> memref<128xi32, #tpu.memory_space<vmem>>
        %dma_start3A_135 = arith.constant 0 : i32
        %dma_start3A_136 = arith.constant 0 : i32
        %dma_start3A_137 = tpu.memref_slice %arg11[%dma_start3A_135, %dma_start3A_136] : memref<5248x128xf32, #tpu.memory_space<vmem_shared>> -> memref<5248x128xf32, #tpu.memory_space<vmem_shared>>
        tpu.enqueue_indirect_dma source(%arg10 : memref<128x128xf32, #tpu.memory_space<vmem>>) target(%dma_start3A_137 : memref<5248x128xf32, #tpu.memory_space<vmem_shared>>) offsets(%dma_start3A_134 : memref<128xi32, #tpu.memory_space<vmem>>) semaphore(%run_scoped3A_131 : memref<!tpu.dma_semaphore, #tpu.memory_space<semaphore_mem>>) {add = true}
        %dma_wait3A_138 = arith.constant 0 : i32
        %dma_wait3A_139 = tpu.memref_slice %arg8[%add3A_122, %dma_wait3A_138] : memref<160x128xi32, #tpu.memory_space<vmem>> -> memref<1x128xi32, #tpu.memory_space<vmem>>
        %dma_wait3A_140 = tpu.memref_squeeze %dma_wait3A_139 : memref<1x128xi32, #tpu.memory_space<vmem>> -> memref<128xi32, #tpu.memory_space<vmem>>
        %dma_wait3A_141 = arith.constant 0 : i32
        %dma_wait3A_142 = arith.constant 0 : i32
        %dma_wait3A_143 = tpu.memref_slice %arg11[%dma_wait3A_141, %dma_wait3A_142] : memref<5248x128xf32, #tpu.memory_space<vmem_shared>> -> memref<5248x128xf32, #tpu.memory_space<vmem_shared>>
        tpu.wait_indirect_dma semaphore(%run_scoped3A_131 : memref<!tpu.dma_semaphore, #tpu.memory_space<semaphore_mem>>) src(%arg10 : memref<128x128xf32, #tpu.memory_space<vmem>>) dst(%dma_wait3A_143 : memref<5248x128xf32, #tpu.memory_space<vmem_shared>>)
        tpu.yield
      }) : () -> ()
      %add3A_123 = arith.constant 3 : i32
      %add3A_124 = arith.addi %mul3A_98, %add3A_123 : i32
      %dma_start3A_125 = arith.constant 0 : i32
      %dma_start3A_126 = tpu.memref_slice %arg7[%add3A_124, %dma_start3A_125] : memref<160x128xi32, #tpu.memory_space<vmem>> -> memref<1x128xi32, #tpu.memory_space<vmem>>
      %dma_start3A_127 = tpu.memref_squeeze %dma_start3A_126 : memref<1x128xi32, #tpu.memory_space<vmem>> -> memref<128xi32, #tpu.memory_space<vmem>>
      %dma_start3A_128 = arith.constant 0 : i32
      %dma_start3A_129 = arith.constant 0 : i32
      %dma_start3A_130 = tpu.memref_slice %arg3[%dma_start3A_128, %dma_start3A_129] : memref<20000x128xf32, #tpu.memory_space<hbm>> -> memref<20000x128xf32, #tpu.memory_space<hbm>>
      tpu.enqueue_indirect_dma source(%dma_start3A_130 : memref<20000x128xf32, #tpu.memory_space<hbm>>) target(%arg10 : memref<128x128xf32, #tpu.memory_space<vmem>>) offsets(%dma_start3A_127 : memref<128xi32, #tpu.memory_space<vmem>>) semaphore(%arg13 : memref<!tpu.dma_semaphore, #tpu.memory_space<semaphore_mem>>)
    }
    %scan3A_22 = arith.constant 79 : i32
    %dma_wait3A = arith.constant 158 : i32
    %dma_wait3A_23 = arith.constant 0 : i32
    %dma_wait3A_24 = tpu.memref_slice %arg7[%dma_wait3A, %dma_wait3A_23] : memref<160x128xi32, #tpu.memory_space<vmem>> -> memref<1x128xi32, #tpu.memory_space<vmem>>
    %dma_wait3A_25 = tpu.memref_squeeze %dma_wait3A_24 : memref<1x128xi32, #tpu.memory_space<vmem>> -> memref<128xi32, #tpu.memory_space<vmem>>
    %dma_wait3A_26 = arith.constant 0 : i32
    %dma_wait3A_27 = arith.constant 0 : i32
    %dma_wait3A_28 = tpu.memref_slice %arg3[%dma_wait3A_26, %dma_wait3A_27] : memref<20000x128xf32, #tpu.memory_space<hbm>> -> memref<20000x128xf32, #tpu.memory_space<hbm>>
    tpu.wait_indirect_dma semaphore(%arg12 : memref<!tpu.dma_semaphore, #tpu.memory_space<semaphore_mem>>) src(%dma_wait3A_28 : memref<20000x128xf32, #tpu.memory_space<hbm>>) dst(%arg9 : memref<128x128xf32, #tpu.memory_space<vmem>>)
    %run_scoped3A_29 = arith.constant 158 : i32
    "tpu.region"() ({
      %run_scoped3A_96 = tpu.sem_alloc : memref<!tpu.dma_semaphore, #tpu.memory_space<semaphore_mem>>
      %dma_start3A_97 = arith.constant 0 : i32
      %dma_start3A_98 = tpu.memref_slice %arg8[%run_scoped3A_29, %dma_start3A_97] : memref<160x128xi32, #tpu.memory_space<vmem>> -> memref<1x128xi32, #tpu.memory_space<vmem>>
      %dma_start3A_99 = tpu.memref_squeeze %dma_start3A_98 : memref<1x128xi32, #tpu.memory_space<vmem>> -> memref<128xi32, #tpu.memory_space<vmem>>
      %dma_start3A_100 = arith.constant 0 : i32
      %dma_start3A_101 = arith.constant 0 : i32
      %dma_start3A_102 = tpu.memref_slice %arg11[%dma_start3A_100, %dma_start3A_101] : memref<5248x128xf32, #tpu.memory_space<vmem_shared>> -> memref<5248x128xf32, #tpu.memory_space<vmem_shared>>
      tpu.enqueue_indirect_dma source(%arg9 : memref<128x128xf32, #tpu.memory_space<vmem>>) target(%dma_start3A_102 : memref<5248x128xf32, #tpu.memory_space<vmem_shared>>) offsets(%dma_start3A_99 : memref<128xi32, #tpu.memory_space<vmem>>) semaphore(%run_scoped3A_96 : memref<!tpu.dma_semaphore, #tpu.memory_space<semaphore_mem>>) {add = true}
      %dma_wait3A_103 = arith.constant 0 : i32
      %dma_wait3A_104 = tpu.memref_slice %arg8[%run_scoped3A_29, %dma_wait3A_103] : memref<160x128xi32, #tpu.memory_space<vmem>> -> memref<1x128xi32, #tpu.memory_space<vmem>>
      %dma_wait3A_105 = tpu.memref_squeeze %dma_wait3A_104 : memref<1x128xi32, #tpu.memory_space<vmem>> -> memref<128xi32, #tpu.memory_space<vmem>>
      %dma_wait3A_106 = arith.constant 0 : i32
      %dma_wait3A_107 = arith.constant 0 : i32
      %dma_wait3A_108 = tpu.memref_slice %arg11[%dma_wait3A_106, %dma_wait3A_107] : memref<5248x128xf32, #tpu.memory_space<vmem_shared>> -> memref<5248x128xf32, #tpu.memory_space<vmem_shared>>
      tpu.wait_indirect_dma semaphore(%run_scoped3A_96 : memref<!tpu.dma_semaphore, #tpu.memory_space<semaphore_mem>>) src(%arg9 : memref<128x128xf32, #tpu.memory_space<vmem>>) dst(%dma_wait3A_108 : memref<5248x128xf32, #tpu.memory_space<vmem_shared>>)
      tpu.yield
    }) : () -> ()
    %dma_wait3A_30 = arith.constant 159 : i32
    %dma_wait3A_31 = arith.constant 0 : i32
    %dma_wait3A_32 = tpu.memref_slice %arg7[%dma_wait3A_30, %dma_wait3A_31] : memref<160x128xi32, #tpu.memory_space<vmem>> -> memref<1x128xi32, #tpu.memory_space<vmem>>
    %dma_wait3A_33 = tpu.memref_squeeze %dma_wait3A_32 : memref<1x128xi32, #tpu.memory_space<vmem>> -> memref<128xi32, #tpu.memory_space<vmem>>
    %dma_wait3A_34 = arith.constant 0 : i32
    %dma_wait3A_35 = arith.constant 0 : i32
    %dma_wait3A_36 = tpu.memref_slice %arg3[%dma_wait3A_34, %dma_wait3A_35] : memref<20000x128xf32, #tpu.memory_space<hbm>> -> memref<20000x128xf32, #tpu.memory_space<hbm>>
    tpu.wait_indirect_dma semaphore(%arg13 : memref<!tpu.dma_semaphore, #tpu.memory_space<semaphore_mem>>) src(%dma_wait3A_36 : memref<20000x128xf32, #tpu.memory_space<hbm>>) dst(%arg10 : memref<128x128xf32, #tpu.memory_space<vmem>>)
    %run_scoped3A_37 = arith.constant 159 : i32
    "tpu.region"() ({
      %run_scoped3A_96 = tpu.sem_alloc : memref<!tpu.dma_semaphore, #tpu.memory_space<semaphore_mem>>
      %dma_start3A_97 = arith.constant 0 : i32
      %dma_start3A_98 = tpu.memref_slice %arg8[%run_scoped3A_37, %dma_start3A_97] : memref<160x128xi32, #tpu.memory_space<vmem>> -> memref<1x128xi32, #tpu.memory_space<vmem>>
      %dma_start3A_99 = tpu.memref_squeeze %dma_start3A_98 : memref<1x128xi32, #tpu.memory_space<vmem>> -> memref<128xi32, #tpu.memory_space<vmem>>
      %dma_start3A_100 = arith.constant 0 : i32
      %dma_start3A_101 = arith.constant 0 : i32
      %dma_start3A_102 = tpu.memref_slice %arg11[%dma_start3A_100, %dma_start3A_101] : memref<5248x128xf32, #tpu.memory_space<vmem_shared>> -> memref<5248x128xf32, #tpu.memory_space<vmem_shared>>
      tpu.enqueue_indirect_dma source(%arg10 : memref<128x128xf32, #tpu.memory_space<vmem>>) target(%dma_start3A_102 : memref<5248x128xf32, #tpu.memory_space<vmem_shared>>) offsets(%dma_start3A_99 : memref<128xi32, #tpu.memory_space<vmem>>) semaphore(%run_scoped3A_96 : memref<!tpu.dma_semaphore, #tpu.memory_space<semaphore_mem>>) {add = true}
      %dma_wait3A_103 = arith.constant 0 : i32
      %dma_wait3A_104 = tpu.memref_slice %arg8[%run_scoped3A_37, %dma_wait3A_103] : memref<160x128xi32, #tpu.memory_space<vmem>> -> memref<1x128xi32, #tpu.memory_space<vmem>>
      %dma_wait3A_105 = tpu.memref_squeeze %dma_wait3A_104 : memref<1x128xi32, #tpu.memory_space<vmem>> -> memref<128xi32, #tpu.memory_space<vmem>>
      %dma_wait3A_106 = arith.constant 0 : i32
      %dma_wait3A_107 = arith.constant 0 : i32
      %dma_wait3A_108 = tpu.memref_slice %arg11[%dma_wait3A_106, %dma_wait3A_107] : memref<5248x128xf32, #tpu.memory_space<vmem_shared>> -> memref<5248x128xf32, #tpu.memory_space<vmem_shared>>
      tpu.wait_indirect_dma semaphore(%run_scoped3A_96 : memref<!tpu.dma_semaphore, #tpu.memory_space<semaphore_mem>>) src(%arg10 : memref<128x128xf32, #tpu.memory_space<vmem>>) dst(%dma_wait3A_108 : memref<5248x128xf32, #tpu.memory_space<vmem_shared>>)
      tpu.yield
    }) : () -> ()
    %barrier3A_38 = arith.constant 0 : index
    tpu.barrier barrier_id(%barrier3A_38)
    %mul3A_39 = arith.constant 320 : i32
    %mul3A_40 = arith.muli %arg1, %mul3A_39 : i32
    %mul3A_41 = arith.constant 320 : i32
    %mul3A_42 = arith.muli %arg1, %mul3A_41 : i32
    %add3A_43 = arith.constant 0 : i32
    %add3A_44 = arith.addi %add3A_43, %mul3A_42 : i32
    "tpu.region"() ({
      %run_scoped3A_96 = tpu.sem_alloc : memref<!tpu.dma_semaphore, #tpu.memory_space<semaphore_mem>>
      %dma_start3A_97 = arith.constant 0 : i32
      %dma_start3A_98 = tpu.memref_slice %arg6[%arg0, %add3A_44, %dma_start3A_97] : memref<2x10240x128xf32, #tpu.memory_space<hbm>> -> memref<1x320x128xf32, #tpu.memory_space<hbm>>
      %dma_start3A_99 = tpu.memref_squeeze %dma_start3A_98 : memref<1x320x128xf32, #tpu.memory_space<hbm>> -> memref<320x128xf32, #tpu.memory_space<hbm>>
      %dma_start3A_100 = arith.constant 0 : i32
      %dma_start3A_101 = tpu.memref_slice %arg11[%mul3A_40, %dma_start3A_100] : memref<5248x128xf32, #tpu.memory_space<vmem_shared>> -> memref<320x128xf32, #tpu.memory_space<vmem_shared>>
      tpu.enqueue_dma source(%dma_start3A_101 : memref<320x128xf32, #tpu.memory_space<vmem_shared>>) target(%dma_start3A_99 : memref<320x128xf32, #tpu.memory_space<hbm>>) target_semaphore(%run_scoped3A_96 : memref<!tpu.dma_semaphore, #tpu.memory_space<semaphore_mem>>)
      %dma_wait3A_102 = arith.constant 0 : i32
      %dma_wait3A_103 = tpu.memref_slice %arg6[%arg0, %add3A_44, %dma_wait3A_102] : memref<2x10240x128xf32, #tpu.memory_space<hbm>> -> memref<1x320x128xf32, #tpu.memory_space<hbm>>
      %dma_wait3A_104 = tpu.memref_squeeze %dma_wait3A_103 : memref<1x320x128xf32, #tpu.memory_space<hbm>> -> memref<320x128xf32, #tpu.memory_space<hbm>>
      %dma_wait3A_105 = arith.constant 0 : i32
      %dma_wait3A_106 = tpu.memref_slice %arg11[%mul3A_40, %dma_wait3A_105] : memref<5248x128xf32, #tpu.memory_space<vmem_shared>> -> memref<320x128xf32, #tpu.memory_space<vmem_shared>>
      tpu.wait_dma2 semaphore(%run_scoped3A_96 : memref<!tpu.dma_semaphore, #tpu.memory_space<semaphore_mem>>) src(%dma_wait3A_106 : memref<320x128xf32, #tpu.memory_space<vmem_shared>>) dst(%dma_wait3A_104 : memref<320x128xf32, #tpu.memory_space<hbm>>)
      tpu.yield
    }) : () -> ()
    %barrier3A_45 = arith.constant 0 : index
    tpu.barrier barrier_id(%barrier3A_45)
    %mul3A_46 = arith.constant 328 : i32
    %mul3A_47 = arith.muli %arg1, %mul3A_46 : i32
    %mul3A_48 = arith.constant 328 : i32
    %mul3A_49 = arith.muli %arg1, %mul3A_48 : i32
    "tpu.region"() ({
      %run_scoped3A_96 = tpu.sem_alloc : memref<!tpu.dma_semaphore, #tpu.memory_space<semaphore_mem>>
      %dma_start3A_97 = arith.constant 0 : i32
      %dma_start3A_98 = tpu.memref_slice %arg11[%mul3A_49, %dma_start3A_97] : memref<5248x128xf32, #tpu.memory_space<vmem_shared>> -> memref<328x128xf32, #tpu.memory_space<vmem_shared>>
      %dma_start3A_99 = arith.constant 0 : i32
      %dma_start3A_100 = tpu.memref_slice %arg2[%mul3A_47, %dma_start3A_99] : memref<5248x128xf32, #tpu.memory_space<hbm>> -> memref<328x128xf32, #tpu.memory_space<hbm>>
      tpu.enqueue_dma source(%dma_start3A_100 : memref<328x128xf32, #tpu.memory_space<hbm>>) target(%dma_start3A_98 : memref<328x128xf32, #tpu.memory_space<vmem_shared>>) target_semaphore(%run_scoped3A_96 : memref<!tpu.dma_semaphore, #tpu.memory_space<semaphore_mem>>)
      %dma_wait3A_101 = arith.constant 0 : i32
      %dma_wait3A_102 = tpu.memref_slice %arg11[%mul3A_49, %dma_wait3A_101] : memref<5248x128xf32, #tpu.memory_space<vmem_shared>> -> memref<328x128xf32, #tpu.memory_space<vmem_shared>>
      %dma_wait3A_103 = arith.constant 0 : i32
      %dma_wait3A_104 = tpu.memref_slice %arg2[%mul3A_47, %dma_wait3A_103] : memref<5248x128xf32, #tpu.memory_space<hbm>> -> memref<328x128xf32, #tpu.memory_space<hbm>>
      tpu.wait_dma2 semaphore(%run_scoped3A_96 : memref<!tpu.dma_semaphore, #tpu.memory_space<semaphore_mem>>) src(%dma_wait3A_104 : memref<328x128xf32, #tpu.memory_space<hbm>>) dst(%dma_wait3A_102 : memref<328x128xf32, #tpu.memory_space<vmem_shared>>)
      tpu.yield
    }) : () -> ()
    %run_scoped3A_50 = arith.constant 1 : i32
    "tpu.region"() ({
      %run_scoped3A_96 = tpu.sem_alloc : memref<!tpu.dma_semaphore, #tpu.memory_space<semaphore_mem>>
      %dma_start3A_97 = arith.constant 0 : i32
      %dma_start3A_98 = arith.constant 0 : i32
      %dma_start3A_99 = tpu.memref_slice %arg5[%run_scoped3A_50, %arg1, %dma_start3A_97, %dma_start3A_98] : memref<2x16x160x128xi32, #tpu.memory_space<hbm>> -> memref<1x1x160x128xi32, #tpu.memory_space<hbm>>
      %dma_start3A_100 = tpu.memref_squeeze %dma_start3A_99 : memref<1x1x160x128xi32, #tpu.memory_space<hbm>> -> memref<160x128xi32, #tpu.memory_space<hbm>>
      %dma_start3A_101 = arith.constant 0 : i32
      %dma_start3A_102 = arith.constant 0 : i32
      %dma_start3A_103 = tpu.memref_slice %arg5[%run_scoped3A_50, %arg1, %dma_start3A_101, %dma_start3A_102] : memref<2x16x160x128xi32, #tpu.memory_space<hbm>> -> memref<1x1x160x128xi32, #tpu.memory_space<hbm>>
      %dma_start3A_104 = tpu.memref_squeeze %dma_start3A_103 : memref<1x1x160x128xi32, #tpu.memory_space<hbm>> -> memref<160x128xi32, #tpu.memory_space<hbm>>
      tpu.enqueue_dma source(%dma_start3A_104 : memref<160x128xi32, #tpu.memory_space<hbm>>) target(%arg8 : memref<160x128xi32, #tpu.memory_space<vmem>>) target_semaphore(%run_scoped3A_96 : memref<!tpu.dma_semaphore, #tpu.memory_space<semaphore_mem>>)
      %dma_wait3A_105 = arith.constant 0 : i32
      %dma_wait3A_106 = arith.constant 0 : i32
      %dma_wait3A_107 = tpu.memref_slice %arg5[%run_scoped3A_50, %arg1, %dma_wait3A_105, %dma_wait3A_106] : memref<2x16x160x128xi32, #tpu.memory_space<hbm>> -> memref<1x1x160x128xi32, #tpu.memory_space<hbm>>
      %dma_wait3A_108 = tpu.memref_squeeze %dma_wait3A_107 : memref<1x1x160x128xi32, #tpu.memory_space<hbm>> -> memref<160x128xi32, #tpu.memory_space<hbm>>
      %dma_wait3A_109 = arith.constant 0 : i32
      %dma_wait3A_110 = arith.constant 0 : i32
      %dma_wait3A_111 = tpu.memref_slice %arg5[%run_scoped3A_50, %arg1, %dma_wait3A_109, %dma_wait3A_110] : memref<2x16x160x128xi32, #tpu.memory_space<hbm>> -> memref<1x1x160x128xi32, #tpu.memory_space<hbm>>
      %dma_wait3A_112 = tpu.memref_squeeze %dma_wait3A_111 : memref<1x1x160x128xi32, #tpu.memory_space<hbm>> -> memref<160x128xi32, #tpu.memory_space<hbm>>
      tpu.wait_dma2 semaphore(%run_scoped3A_96 : memref<!tpu.dma_semaphore, #tpu.memory_space<semaphore_mem>>) src(%dma_wait3A_112 : memref<160x128xi32, #tpu.memory_space<hbm>>) dst(%arg8 : memref<160x128xi32, #tpu.memory_space<vmem>>)
      tpu.yield
    }) : () -> ()
    %barrier3A_51 = arith.constant 0 : index
    tpu.barrier barrier_id(%barrier3A_51)
    %dma_start3A_52 = arith.constant 0 : i32
    %dma_start3A_53 = arith.constant 0 : i32
    %dma_start3A_54 = tpu.memref_slice %arg7[%dma_start3A_52, %dma_start3A_53] : memref<160x128xi32, #tpu.memory_space<vmem>> -> memref<1x128xi32, #tpu.memory_space<vmem>>
    %dma_start3A_55 = tpu.memref_squeeze %dma_start3A_54 : memref<1x128xi32, #tpu.memory_space<vmem>> -> memref<128xi32, #tpu.memory_space<vmem>>
    %dma_start3A_56 = arith.constant 0 : i32
    %dma_start3A_57 = arith.constant 0 : i32
    %dma_start3A_58 = tpu.memref_slice %arg3[%dma_start3A_56, %dma_start3A_57] : memref<20000x128xf32, #tpu.memory_space<hbm>> -> memref<20000x128xf32, #tpu.memory_space<hbm>>
    tpu.enqueue_indirect_dma source(%dma_start3A_58 : memref<20000x128xf32, #tpu.memory_space<hbm>>) target(%arg9 : memref<128x128xf32, #tpu.memory_space<vmem>>) offsets(%dma_start3A_55 : memref<128xi32, #tpu.memory_space<vmem>>) semaphore(%arg12 : memref<!tpu.dma_semaphore, #tpu.memory_space<semaphore_mem>>)
    %dma_start3A_59 = arith.constant 1 : i32
    %dma_start3A_60 = arith.constant 0 : i32
    %dma_start3A_61 = tpu.memref_slice %arg7[%dma_start3A_59, %dma_start3A_60] : memref<160x128xi32, #tpu.memory_space<vmem>> -> memref<1x128xi32, #tpu.memory_space<vmem>>
    %dma_start3A_62 = tpu.memref_squeeze %dma_start3A_61 : memref<1x128xi32, #tpu.memory_space<vmem>> -> memref<128xi32, #tpu.memory_space<vmem>>
    %dma_start3A_63 = arith.constant 0 : i32
    %dma_start3A_64 = arith.constant 0 : i32
    %dma_start3A_65 = tpu.memref_slice %arg3[%dma_start3A_63, %dma_start3A_64] : memref<20000x128xf32, #tpu.memory_space<hbm>> -> memref<20000x128xf32, #tpu.memory_space<hbm>>
    tpu.enqueue_indirect_dma source(%dma_start3A_65 : memref<20000x128xf32, #tpu.memory_space<hbm>>) target(%arg10 : memref<128x128xf32, #tpu.memory_space<vmem>>) offsets(%dma_start3A_62 : memref<128xi32, #tpu.memory_space<vmem>>) semaphore(%arg13 : memref<!tpu.dma_semaphore, #tpu.memory_space<semaphore_mem>>)
    %scan3A_66 = arith.constant 0 : i32
    %scan3A_67 = arith.constant 0 : i32
    %scan3A_68 = arith.constant 79 : i32
    %scan3A_69 = arith.addi %scan3A_67, %scan3A_68 : i32
    %scan3A_70 = arith.constant 1 : i32
    scf.for %scan3A_96 = %scan3A_67 to %scan3A_69 step %scan3A_70  : i32 {
      %mul3A_97 = arith.constant 2 : i32
      %mul3A_98 = arith.muli %scan3A_96, %mul3A_97 : i32
      %dma_wait3A_99 = arith.constant 0 : i32
      %dma_wait3A_100 = tpu.memref_slice %arg7[%mul3A_98, %dma_wait3A_99] : memref<160x128xi32, #tpu.memory_space<vmem>> -> memref<1x128xi32, #tpu.memory_space<vmem>>
      %dma_wait3A_101 = tpu.memref_squeeze %dma_wait3A_100 : memref<1x128xi32, #tpu.memory_space<vmem>> -> memref<128xi32, #tpu.memory_space<vmem>>
      %dma_wait3A_102 = arith.constant 0 : i32
      %dma_wait3A_103 = arith.constant 0 : i32
      %dma_wait3A_104 = tpu.memref_slice %arg3[%dma_wait3A_102, %dma_wait3A_103] : memref<20000x128xf32, #tpu.memory_space<hbm>> -> memref<20000x128xf32, #tpu.memory_space<hbm>>
      tpu.wait_indirect_dma semaphore(%arg12 : memref<!tpu.dma_semaphore, #tpu.memory_space<semaphore_mem>>) src(%dma_wait3A_104 : memref<20000x128xf32, #tpu.memory_space<hbm>>) dst(%arg9 : memref<128x128xf32, #tpu.memory_space<vmem>>)
      "tpu.region"() ({
        %run_scoped3A_131 = tpu.sem_alloc : memref<!tpu.dma_semaphore, #tpu.memory_space<semaphore_mem>>
        %dma_start3A_132 = arith.constant 0 : i32
        %dma_start3A_133 = tpu.memref_slice %arg8[%mul3A_98, %dma_start3A_132] : memref<160x128xi32, #tpu.memory_space<vmem>> -> memref<1x128xi32, #tpu.memory_space<vmem>>
        %dma_start3A_134 = tpu.memref_squeeze %dma_start3A_133 : memref<1x128xi32, #tpu.memory_space<vmem>> -> memref<128xi32, #tpu.memory_space<vmem>>
        %dma_start3A_135 = arith.constant 0 : i32
        %dma_start3A_136 = arith.constant 0 : i32
        %dma_start3A_137 = tpu.memref_slice %arg11[%dma_start3A_135, %dma_start3A_136] : memref<5248x128xf32, #tpu.memory_space<vmem_shared>> -> memref<5248x128xf32, #tpu.memory_space<vmem_shared>>
        tpu.enqueue_indirect_dma source(%arg9 : memref<128x128xf32, #tpu.memory_space<vmem>>) target(%dma_start3A_137 : memref<5248x128xf32, #tpu.memory_space<vmem_shared>>) offsets(%dma_start3A_134 : memref<128xi32, #tpu.memory_space<vmem>>) semaphore(%run_scoped3A_131 : memref<!tpu.dma_semaphore, #tpu.memory_space<semaphore_mem>>) {add = true}
        %dma_wait3A_138 = arith.constant 0 : i32
        %dma_wait3A_139 = tpu.memref_slice %arg8[%mul3A_98, %dma_wait3A_138] : memref<160x128xi32, #tpu.memory_space<vmem>> -> memref<1x128xi32, #tpu.memory_space<vmem>>
        %dma_wait3A_140 = tpu.memref_squeeze %dma_wait3A_139 : memref<1x128xi32, #tpu.memory_space<vmem>> -> memref<128xi32, #tpu.memory_space<vmem>>
        %dma_wait3A_141 = arith.constant 0 : i32
        %dma_wait3A_142 = arith.constant 0 : i32
        %dma_wait3A_143 = tpu.memref_slice %arg11[%dma_wait3A_141, %dma_wait3A_142] : memref<5248x128xf32, #tpu.memory_space<vmem_shared>> -> memref<5248x128xf32, #tpu.memory_space<vmem_shared>>
        tpu.wait_indirect_dma semaphore(%run_scoped3A_131 : memref<!tpu.dma_semaphore, #tpu.memory_space<semaphore_mem>>) src(%arg9 : memref<128x128xf32, #tpu.memory_space<vmem>>) dst(%dma_wait3A_143 : memref<5248x128xf32, #tpu.memory_space<vmem_shared>>)
        tpu.yield
      }) : () -> ()
      %add3A_105 = arith.constant 2 : i32
      %add3A_106 = arith.addi %mul3A_98, %add3A_105 : i32
      %dma_start3A_107 = arith.constant 0 : i32
      %dma_start3A_108 = tpu.memref_slice %arg7[%add3A_106, %dma_start3A_107] : memref<160x128xi32, #tpu.memory_space<vmem>> -> memref<1x128xi32, #tpu.memory_space<vmem>>
      %dma_start3A_109 = tpu.memref_squeeze %dma_start3A_108 : memref<1x128xi32, #tpu.memory_space<vmem>> -> memref<128xi32, #tpu.memory_space<vmem>>
      %dma_start3A_110 = arith.constant 0 : i32
      %dma_start3A_111 = arith.constant 0 : i32
      %dma_start3A_112 = tpu.memref_slice %arg3[%dma_start3A_110, %dma_start3A_111] : memref<20000x128xf32, #tpu.memory_space<hbm>> -> memref<20000x128xf32, #tpu.memory_space<hbm>>
      tpu.enqueue_indirect_dma source(%dma_start3A_112 : memref<20000x128xf32, #tpu.memory_space<hbm>>) target(%arg9 : memref<128x128xf32, #tpu.memory_space<vmem>>) offsets(%dma_start3A_109 : memref<128xi32, #tpu.memory_space<vmem>>) semaphore(%arg12 : memref<!tpu.dma_semaphore, #tpu.memory_space<semaphore_mem>>)
      %add3A_113 = arith.constant 1 : i32
      %add3A_114 = arith.addi %mul3A_98, %add3A_113 : i32
      %dma_wait3A_115 = arith.constant 0 : i32
      %dma_wait3A_116 = tpu.memref_slice %arg7[%add3A_114, %dma_wait3A_115] : memref<160x128xi32, #tpu.memory_space<vmem>> -> memref<1x128xi32, #tpu.memory_space<vmem>>
      %dma_wait3A_117 = tpu.memref_squeeze %dma_wait3A_116 : memref<1x128xi32, #tpu.memory_space<vmem>> -> memref<128xi32, #tpu.memory_space<vmem>>
      %dma_wait3A_118 = arith.constant 0 : i32
      %dma_wait3A_119 = arith.constant 0 : i32
      %dma_wait3A_120 = tpu.memref_slice %arg3[%dma_wait3A_118, %dma_wait3A_119] : memref<20000x128xf32, #tpu.memory_space<hbm>> -> memref<20000x128xf32, #tpu.memory_space<hbm>>
      tpu.wait_indirect_dma semaphore(%arg13 : memref<!tpu.dma_semaphore, #tpu.memory_space<semaphore_mem>>) src(%dma_wait3A_120 : memref<20000x128xf32, #tpu.memory_space<hbm>>) dst(%arg10 : memref<128x128xf32, #tpu.memory_space<vmem>>)
      %add3A_121 = arith.constant 1 : i32
      %add3A_122 = arith.addi %mul3A_98, %add3A_121 : i32
      "tpu.region"() ({
        %run_scoped3A_131 = tpu.sem_alloc : memref<!tpu.dma_semaphore, #tpu.memory_space<semaphore_mem>>
        %dma_start3A_132 = arith.constant 0 : i32
        %dma_start3A_133 = tpu.memref_slice %arg8[%add3A_122, %dma_start3A_132] : memref<160x128xi32, #tpu.memory_space<vmem>> -> memref<1x128xi32, #tpu.memory_space<vmem>>
        %dma_start3A_134 = tpu.memref_squeeze %dma_start3A_133 : memref<1x128xi32, #tpu.memory_space<vmem>> -> memref<128xi32, #tpu.memory_space<vmem>>
        %dma_start3A_135 = arith.constant 0 : i32
        %dma_start3A_136 = arith.constant 0 : i32
        %dma_start3A_137 = tpu.memref_slice %arg11[%dma_start3A_135, %dma_start3A_136] : memref<5248x128xf32, #tpu.memory_space<vmem_shared>> -> memref<5248x128xf32, #tpu.memory_space<vmem_shared>>
        tpu.enqueue_indirect_dma source(%arg10 : memref<128x128xf32, #tpu.memory_space<vmem>>) target(%dma_start3A_137 : memref<5248x128xf32, #tpu.memory_space<vmem_shared>>) offsets(%dma_start3A_134 : memref<128xi32, #tpu.memory_space<vmem>>) semaphore(%run_scoped3A_131 : memref<!tpu.dma_semaphore, #tpu.memory_space<semaphore_mem>>) {add = true}
        %dma_wait3A_138 = arith.constant 0 : i32
        %dma_wait3A_139 = tpu.memref_slice %arg8[%add3A_122, %dma_wait3A_138] : memref<160x128xi32, #tpu.memory_space<vmem>> -> memref<1x128xi32, #tpu.memory_space<vmem>>
        %dma_wait3A_140 = tpu.memref_squeeze %dma_wait3A_139 : memref<1x128xi32, #tpu.memory_space<vmem>> -> memref<128xi32, #tpu.memory_space<vmem>>
        %dma_wait3A_141 = arith.constant 0 : i32
        %dma_wait3A_142 = arith.constant 0 : i32
        %dma_wait3A_143 = tpu.memref_slice %arg11[%dma_wait3A_141, %dma_wait3A_142] : memref<5248x128xf32, #tpu.memory_space<vmem_shared>> -> memref<5248x128xf32, #tpu.memory_space<vmem_shared>>
        tpu.wait_indirect_dma semaphore(%run_scoped3A_131 : memref<!tpu.dma_semaphore, #tpu.memory_space<semaphore_mem>>) src(%arg10 : memref<128x128xf32, #tpu.memory_space<vmem>>) dst(%dma_wait3A_143 : memref<5248x128xf32, #tpu.memory_space<vmem_shared>>)
        tpu.yield
      }) : () -> ()
      %add3A_123 = arith.constant 3 : i32
      %add3A_124 = arith.addi %mul3A_98, %add3A_123 : i32
      %dma_start3A_125 = arith.constant 0 : i32
      %dma_start3A_126 = tpu.memref_slice %arg7[%add3A_124, %dma_start3A_125] : memref<160x128xi32, #tpu.memory_space<vmem>> -> memref<1x128xi32, #tpu.memory_space<vmem>>
      %dma_start3A_127 = tpu.memref_squeeze %dma_start3A_126 : memref<1x128xi32, #tpu.memory_space<vmem>> -> memref<128xi32, #tpu.memory_space<vmem>>
      %dma_start3A_128 = arith.constant 0 : i32
      %dma_start3A_129 = arith.constant 0 : i32
      %dma_start3A_130 = tpu.memref_slice %arg3[%dma_start3A_128, %dma_start3A_129] : memref<20000x128xf32, #tpu.memory_space<hbm>> -> memref<20000x128xf32, #tpu.memory_space<hbm>>
      tpu.enqueue_indirect_dma source(%dma_start3A_130 : memref<20000x128xf32, #tpu.memory_space<hbm>>) target(%arg10 : memref<128x128xf32, #tpu.memory_space<vmem>>) offsets(%dma_start3A_127 : memref<128xi32, #tpu.memory_space<vmem>>) semaphore(%arg13 : memref<!tpu.dma_semaphore, #tpu.memory_space<semaphore_mem>>)
    }
    %scan3A_71 = arith.constant 79 : i32
    %dma_wait3A_72 = arith.constant 158 : i32
    %dma_wait3A_73 = arith.constant 0 : i32
    %dma_wait3A_74 = tpu.memref_slice %arg7[%dma_wait3A_72, %dma_wait3A_73] : memref<160x128xi32, #tpu.memory_space<vmem>> -> memref<1x128xi32, #tpu.memory_space<vmem>>
    %dma_wait3A_75 = tpu.memref_squeeze %dma_wait3A_74 : memref<1x128xi32, #tpu.memory_space<vmem>> -> memref<128xi32, #tpu.memory_space<vmem>>
    %dma_wait3A_76 = arith.constant 0 : i32
    %dma_wait3A_77 = arith.constant 0 : i32
    %dma_wait3A_78 = tpu.memref_slice %arg3[%dma_wait3A_76, %dma_wait3A_77] : memref<20000x128xf32, #tpu.memory_space<hbm>> -> memref<20000x128xf32, #tpu.memory_space<hbm>>
    tpu.wait_indirect_dma semaphore(%arg12 : memref<!tpu.dma_semaphore, #tpu.memory_space<semaphore_mem>>) src(%dma_wait3A_78 : memref<20000x128xf32, #tpu.memory_space<hbm>>) dst(%arg9 : memref<128x128xf32, #tpu.memory_space<vmem>>)
    %run_scoped3A_79 = arith.constant 158 : i32
    "tpu.region"() ({
      %run_scoped3A_96 = tpu.sem_alloc : memref<!tpu.dma_semaphore, #tpu.memory_space<semaphore_mem>>
      %dma_start3A_97 = arith.constant 0 : i32
      %dma_start3A_98 = tpu.memref_slice %arg8[%run_scoped3A_79, %dma_start3A_97] : memref<160x128xi32, #tpu.memory_space<vmem>> -> memref<1x128xi32, #tpu.memory_space<vmem>>
      %dma_start3A_99 = tpu.memref_squeeze %dma_start3A_98 : memref<1x128xi32, #tpu.memory_space<vmem>> -> memref<128xi32, #tpu.memory_space<vmem>>
      %dma_start3A_100 = arith.constant 0 : i32
      %dma_start3A_101 = arith.constant 0 : i32
      %dma_start3A_102 = tpu.memref_slice %arg11[%dma_start3A_100, %dma_start3A_101] : memref<5248x128xf32, #tpu.memory_space<vmem_shared>> -> memref<5248x128xf32, #tpu.memory_space<vmem_shared>>
      tpu.enqueue_indirect_dma source(%arg9 : memref<128x128xf32, #tpu.memory_space<vmem>>) target(%dma_start3A_102 : memref<5248x128xf32, #tpu.memory_space<vmem_shared>>) offsets(%dma_start3A_99 : memref<128xi32, #tpu.memory_space<vmem>>) semaphore(%run_scoped3A_96 : memref<!tpu.dma_semaphore, #tpu.memory_space<semaphore_mem>>) {add = true}
      %dma_wait3A_103 = arith.constant 0 : i32
      %dma_wait3A_104 = tpu.memref_slice %arg8[%run_scoped3A_79, %dma_wait3A_103] : memref<160x128xi32, #tpu.memory_space<vmem>> -> memref<1x128xi32, #tpu.memory_space<vmem>>
      %dma_wait3A_105 = tpu.memref_squeeze %dma_wait3A_104 : memref<1x128xi32, #tpu.memory_space<vmem>> -> memref<128xi32, #tpu.memory_space<vmem>>
      %dma_wait3A_106 = arith.constant 0 : i32
      %dma_wait3A_107 = arith.constant 0 : i32
      %dma_wait3A_108 = tpu.memref_slice %arg11[%dma_wait3A_106, %dma_wait3A_107] : memref<5248x128xf32, #tpu.memory_space<vmem_shared>> -> memref<5248x128xf32, #tpu.memory_space<vmem_shared>>
      tpu.wait_indirect_dma semaphore(%run_scoped3A_96 : memref<!tpu.dma_semaphore, #tpu.memory_space<semaphore_mem>>) src(%arg9 : memref<128x128xf32, #tpu.memory_space<vmem>>) dst(%dma_wait3A_108 : memref<5248x128xf32, #tpu.memory_space<vmem_shared>>)
      tpu.yield
    }) : () -> ()
    %dma_wait3A_80 = arith.constant 159 : i32
    %dma_wait3A_81 = arith.constant 0 : i32
    %dma_wait3A_82 = tpu.memref_slice %arg7[%dma_wait3A_80, %dma_wait3A_81] : memref<160x128xi32, #tpu.memory_space<vmem>> -> memref<1x128xi32, #tpu.memory_space<vmem>>
    %dma_wait3A_83 = tpu.memref_squeeze %dma_wait3A_82 : memref<1x128xi32, #tpu.memory_space<vmem>> -> memref<128xi32, #tpu.memory_space<vmem>>
    %dma_wait3A_84 = arith.constant 0 : i32
    %dma_wait3A_85 = arith.constant 0 : i32
    %dma_wait3A_86 = tpu.memref_slice %arg3[%dma_wait3A_84, %dma_wait3A_85] : memref<20000x128xf32, #tpu.memory_space<hbm>> -> memref<20000x128xf32, #tpu.memory_space<hbm>>
    tpu.wait_indirect_dma semaphore(%arg13 : memref<!tpu.dma_semaphore, #tpu.memory_space<semaphore_mem>>) src(%dma_wait3A_86 : memref<20000x128xf32, #tpu.memory_space<hbm>>) dst(%arg10 : memref<128x128xf32, #tpu.memory_space<vmem>>)
    %run_scoped3A_87 = arith.constant 159 : i32
    "tpu.region"() ({
      %run_scoped3A_96 = tpu.sem_alloc : memref<!tpu.dma_semaphore, #tpu.memory_space<semaphore_mem>>
      %dma_start3A_97 = arith.constant 0 : i32
      %dma_start3A_98 = tpu.memref_slice %arg8[%run_scoped3A_87, %dma_start3A_97] : memref<160x128xi32, #tpu.memory_space<vmem>> -> memref<1x128xi32, #tpu.memory_space<vmem>>
      %dma_start3A_99 = tpu.memref_squeeze %dma_start3A_98 : memref<1x128xi32, #tpu.memory_space<vmem>> -> memref<128xi32, #tpu.memory_space<vmem>>
      %dma_start3A_100 = arith.constant 0 : i32
      %dma_start3A_101 = arith.constant 0 : i32
      %dma_start3A_102 = tpu.memref_slice %arg11[%dma_start3A_100, %dma_start3A_101] : memref<5248x128xf32, #tpu.memory_space<vmem_shared>> -> memref<5248x128xf32, #tpu.memory_space<vmem_shared>>
      tpu.enqueue_indirect_dma source(%arg10 : memref<128x128xf32, #tpu.memory_space<vmem>>) target(%dma_start3A_102 : memref<5248x128xf32, #tpu.memory_space<vmem_shared>>) offsets(%dma_start3A_99 : memref<128xi32, #tpu.memory_space<vmem>>) semaphore(%run_scoped3A_96 : memref<!tpu.dma_semaphore, #tpu.memory_space<semaphore_mem>>) {add = true}
      %dma_wait3A_103 = arith.constant 0 : i32
      %dma_wait3A_104 = tpu.memref_slice %arg8[%run_scoped3A_87, %dma_wait3A_103] : memref<160x128xi32, #tpu.memory_space<vmem>> -> memref<1x128xi32, #tpu.memory_space<vmem>>
      %dma_wait3A_105 = tpu.memref_squeeze %dma_wait3A_104 : memref<1x128xi32, #tpu.memory_space<vmem>> -> memref<128xi32, #tpu.memory_space<vmem>>
      %dma_wait3A_106 = arith.constant 0 : i32
      %dma_wait3A_107 = arith.constant 0 : i32
      %dma_wait3A_108 = tpu.memref_slice %arg11[%dma_wait3A_106, %dma_wait3A_107] : memref<5248x128xf32, #tpu.memory_space<vmem_shared>> -> memref<5248x128xf32, #tpu.memory_space<vmem_shared>>
      tpu.wait_indirect_dma semaphore(%run_scoped3A_96 : memref<!tpu.dma_semaphore, #tpu.memory_space<semaphore_mem>>) src(%arg10 : memref<128x128xf32, #tpu.memory_space<vmem>>) dst(%dma_wait3A_108 : memref<5248x128xf32, #tpu.memory_space<vmem_shared>>)
      tpu.yield
    }) : () -> ()
    %barrier3A_88 = arith.constant 0 : index
    tpu.barrier barrier_id(%barrier3A_88)
    %mul3A_89 = arith.constant 320 : i32
    %mul3A_90 = arith.muli %arg1, %mul3A_89 : i32
    %mul3A_91 = arith.constant 320 : i32
    %mul3A_92 = arith.muli %arg1, %mul3A_91 : i32
    %add3A_93 = arith.constant 5120 : i32
    %add3A_94 = arith.addi %add3A_93, %mul3A_92 : i32
    "tpu.region"() ({
      %run_scoped3A_96 = tpu.sem_alloc : memref<!tpu.dma_semaphore, #tpu.memory_space<semaphore_mem>>
      %dma_start3A_97 = arith.constant 0 : i32
      %dma_start3A_98 = tpu.memref_slice %arg6[%arg0, %add3A_94, %dma_start3A_97] : memref<2x10240x128xf32, #tpu.memory_space<hbm>> -> memref<1x320x128xf32, #tpu.memory_space<hbm>>
      %dma_start3A_99 = tpu.memref_squeeze %dma_start3A_98 : memref<1x320x128xf32, #tpu.memory_space<hbm>> -> memref<320x128xf32, #tpu.memory_space<hbm>>
      %dma_start3A_100 = arith.constant 0 : i32
      %dma_start3A_101 = tpu.memref_slice %arg11[%mul3A_90, %dma_start3A_100] : memref<5248x128xf32, #tpu.memory_space<vmem_shared>> -> memref<320x128xf32, #tpu.memory_space<vmem_shared>>
      tpu.enqueue_dma source(%dma_start3A_101 : memref<320x128xf32, #tpu.memory_space<vmem_shared>>) target(%dma_start3A_99 : memref<320x128xf32, #tpu.memory_space<hbm>>) target_semaphore(%run_scoped3A_96 : memref<!tpu.dma_semaphore, #tpu.memory_space<semaphore_mem>>)
      %dma_wait3A_102 = arith.constant 0 : i32
      %dma_wait3A_103 = tpu.memref_slice %arg6[%arg0, %add3A_94, %dma_wait3A_102] : memref<2x10240x128xf32, #tpu.memory_space<hbm>> -> memref<1x320x128xf32, #tpu.memory_space<hbm>>
      %dma_wait3A_104 = tpu.memref_squeeze %dma_wait3A_103 : memref<1x320x128xf32, #tpu.memory_space<hbm>> -> memref<320x128xf32, #tpu.memory_space<hbm>>
      %dma_wait3A_105 = arith.constant 0 : i32
      %dma_wait3A_106 = tpu.memref_slice %arg11[%mul3A_90, %dma_wait3A_105] : memref<5248x128xf32, #tpu.memory_space<vmem_shared>> -> memref<320x128xf32, #tpu.memory_space<vmem_shared>>
      tpu.wait_dma2 semaphore(%run_scoped3A_96 : memref<!tpu.dma_semaphore, #tpu.memory_space<semaphore_mem>>) src(%dma_wait3A_106 : memref<320x128xf32, #tpu.memory_space<vmem_shared>>) dst(%dma_wait3A_104 : memref<320x128xf32, #tpu.memory_space<hbm>>)
      tpu.yield
    }) : () -> ()
    %barrier3A_95 = arith.constant 0 : index
    tpu.barrier barrier_id(%barrier3A_95)
    return
  }
}

#map = affine_map<(d0, d1) -> (0, 0)>
#map1 = affine_map<(d0, d1) -> (0, 0, 0)>
#map2 = affine_map<(d0, d1) -> (0, 0, 0, 0)>
module attributes {stable_mosaic.version = 14 : i64} {
  func.func @_spmm_k(%arg0: i32, %arg1: i32, %arg2: memref<5248x128xf32, #tpu.memory_space<hbm>>, %arg3: memref<20000x128xf32, #tpu.memory_space<hbm>>, %arg4: memref<32x160x128xi32, #tpu.memory_space<hbm>>, %arg5: memref<2x16x160x128xi32, #tpu.memory_space<hbm>>, %arg6: memref<2x10240x128xf32, #tpu.memory_space<hbm>>, %arg7: memref<160x128xi32, #tpu.memory_space<vmem>>, %arg8: memref<160x128xi32, #tpu.memory_space<vmem>>, %arg9: memref<128x128xf32, #tpu.memory_space<vmem>>, %arg10: memref<128x128xf32, #tpu.memory_space<vmem>>, %arg11: memref<5248x128xf32, #tpu.memory_space<vmem_shared>>, %arg12: memref<!tpu.dma_semaphore, #tpu.memory_space<semaphore_mem>>, %arg13: memref<!tpu.dma_semaphore, #tpu.memory_space<semaphore_mem>>) attributes {dimension_semantics = [#tpu.dimension_semantics<core_parallel>, #tpu.dimension_semantics<subcore_parallel>], iteration_bounds = array<i64: 2, 16>, scalar_prefetch = 0 : i64, scratch_operands = 7 : i64, tpu.core_type = #tpu.core_type<sc_vector_subcore>, window_params = [{transform_indices = #map}, {transform_indices = #map}, {transform_indices = #map1}, {transform_indices = #map2}, {transform_indices = #map1}]} {
    %mul3A = arith.constant 16 : i32
    %mul3A_0 = arith.muli %arg0, %mul3A : i32
    %add3A = arith.addi %mul3A_0, %arg1 : i32
    "tpu.region"() ({
      %run_scoped3A_96 = tpu.sem_alloc : memref<!tpu.dma_semaphore, #tpu.memory_space<semaphore_mem>>
      %dma_start3A_97 = arith.constant 0 : i32
      %dma_start3A_98 = arith.constant 0 : i32
      %dma_start3A_99 = tpu.memref_slice %arg4[%add3A, %dma_start3A_97, %dma_start3A_98] : memref<32x160x128xi32, #tpu.memory_space<hbm>> -> memref<1x160x128xi32, #tpu.memory_space<hbm>>
      %dma_start3A_100 = tpu.memref_squeeze %dma_start3A_99 : memref<1x160x128xi32, #tpu.memory_space<hbm>> -> memref<160x128xi32, #tpu.memory_space<hbm>>
      %dma_start3A_101 = arith.constant 0 : i32
      %dma_start3A_102 = arith.constant 0 : i32
      %dma_start3A_103 = tpu.memref_slice %arg4[%add3A, %dma_start3A_101, %dma_start3A_102] : memref<32x160x128xi32, #tpu.memory_space<hbm>> -> memref<1x160x128xi32, #tpu.memory_space<hbm>>
      %dma_start3A_104 = tpu.memref_squeeze %dma_start3A_103 : memref<1x160x128xi32, #tpu.memory_space<hbm>> -> memref<160x128xi32, #tpu.memory_space<hbm>>
      tpu.enqueue_dma source(%dma_start3A_104 : memref<160x128xi32, #tpu.memory_space<hbm>>) target(%arg7 : memref<160x128xi32, #tpu.memory_space<vmem>>) target_semaphore(%run_scoped3A_96 : memref<!tpu.dma_semaphore, #tpu.memory_space<semaphore_mem>>)
      %dma_wait3A_105 = arith.constant 0 : i32
      %dma_wait3A_106 = arith.constant 0 : i32
      %dma_wait3A_107 = tpu.memref_slice %arg4[%add3A, %dma_wait3A_105, %dma_wait3A_106] : memref<32x160x128xi32, #tpu.memory_space<hbm>> -> memref<1x160x128xi32, #tpu.memory_space<hbm>>
      %dma_wait3A_108 = tpu.memref_squeeze %dma_wait3A_107 : memref<1x160x128xi32, #tpu.memory_space<hbm>> -> memref<160x128xi32, #tpu.memory_space<hbm>>
      %dma_wait3A_109 = arith.constant 0 : i32
      %dma_wait3A_110 = arith.constant 0 : i32
      %dma_wait3A_111 = tpu.memref_slice %arg4[%add3A, %dma_wait3A_109, %dma_wait3A_110] : memref<32x160x128xi32, #tpu.memory_space<hbm>> -> memref<1x160x128xi32, #tpu.memory_space<hbm>>
      %dma_wait3A_112 = tpu.memref_squeeze %dma_wait3A_111 : memref<1x160x128xi32, #tpu.memory_space<hbm>> -> memref<160x128xi32, #tpu.memory_space<hbm>>
      tpu.wait_dma2 semaphore(%run_scoped3A_96 : memref<!tpu.dma_semaphore, #tpu.memory_space<semaphore_mem>>) src(%dma_wait3A_112 : memref<160x128xi32, #tpu.memory_space<hbm>>) dst(%arg7 : memref<160x128xi32, #tpu.memory_space<vmem>>)
      tpu.yield
    }) : () -> ()
    %mul3A_1 = arith.constant 328 : i32
    %mul3A_2 = arith.muli %arg1, %mul3A_1 : i32
    %mul3A_3 = arith.constant 328 : i32
    %mul3A_4 = arith.muli %arg1, %mul3A_3 : i32
    "tpu.region"() ({
      %run_scoped3A_96 = tpu.sem_alloc : memref<!tpu.dma_semaphore, #tpu.memory_space<semaphore_mem>>
      %dma_start3A_97 = arith.constant 0 : i32
      %dma_start3A_98 = tpu.memref_slice %arg11[%mul3A_4, %dma_start3A_97] : memref<5248x128xf32, #tpu.memory_space<vmem_shared>> -> memref<328x128xf32, #tpu.memory_space<vmem_shared>>
      %dma_start3A_99 = arith.constant 0 : i32
      %dma_start3A_100 = tpu.memref_slice %arg2[%mul3A_2, %dma_start3A_99] : memref<5248x128xf32, #tpu.memory_space<hbm>> -> memref<328x128xf32, #tpu.memory_space<hbm>>
      tpu.enqueue_dma source(%dma_start3A_100 : memref<328x128xf32, #tpu.memory_space<hbm>>) target(%dma_start3A_98 : memref<328x128xf32, #tpu.memory_space<vmem_shared>>) target_semaphore(%run_scoped3A_96 : memref<!tpu.dma_semaphore, #tpu.memory_space<semaphore_mem>>)
      %dma_wait3A_101 = arith.constant 0 : i32
      %dma_wait3A_102 = tpu.memref_slice %arg11[%mul3A_4, %dma_wait3A_101] : memref<5248x128xf32, #tpu.memory_space<vmem_shared>> -> memref<328x128xf32, #tpu.memory_space<vmem_shared>>
      %dma_wait3A_103 = arith.constant 0 : i32
      %dma_wait3A_104 = tpu.memref_slice %arg2[%mul3A_2, %dma_wait3A_103] : memref<5248x128xf32, #tpu.memory_space<hbm>> -> memref<328x128xf32, #tpu.memory_space<hbm>>
      tpu.wait_dma2 semaphore(%run_scoped3A_96 : memref<!tpu.dma_semaphore, #tpu.memory_space<semaphore_mem>>) src(%dma_wait3A_104 : memref<328x128xf32, #tpu.memory_space<hbm>>) dst(%dma_wait3A_102 : memref<328x128xf32, #tpu.memory_space<vmem_shared>>)
      tpu.yield
    }) : () -> ()
    %run_scoped3A = arith.constant 0 : i32
    "tpu.region"() ({
      %run_scoped3A_96 = tpu.sem_alloc : memref<!tpu.dma_semaphore, #tpu.memory_space<semaphore_mem>>
      %dma_start3A_97 = arith.constant 0 : i32
      %dma_start3A_98 = arith.constant 0 : i32
      %dma_start3A_99 = tpu.memref_slice %arg5[%run_scoped3A, %arg1, %dma_start3A_97, %dma_start3A_98] : memref<2x16x160x128xi32, #tpu.memory_space<hbm>> -> memref<1x1x160x128xi32, #tpu.memory_space<hbm>>
      %dma_start3A_100 = tpu.memref_squeeze %dma_start3A_99 : memref<1x1x160x128xi32, #tpu.memory_space<hbm>> -> memref<160x128xi32, #tpu.memory_space<hbm>>
      %dma_start3A_101 = arith.constant 0 : i32
      %dma_start3A_102 = arith.constant 0 : i32
      %dma_start3A_103 = tpu.memref_slice %arg5[%run_scoped3A, %arg1, %dma_start3A_101, %dma_start3A_102] : memref<2x16x160x128xi32, #tpu.memory_space<hbm>> -> memref<1x1x160x128xi32, #tpu.memory_space<hbm>>
      %dma_start3A_104 = tpu.memref_squeeze %dma_start3A_103 : memref<1x1x160x128xi32, #tpu.memory_space<hbm>> -> memref<160x128xi32, #tpu.memory_space<hbm>>
      tpu.enqueue_dma source(%dma_start3A_104 : memref<160x128xi32, #tpu.memory_space<hbm>>) target(%arg8 : memref<160x128xi32, #tpu.memory_space<vmem>>) target_semaphore(%run_scoped3A_96 : memref<!tpu.dma_semaphore, #tpu.memory_space<semaphore_mem>>)
      %dma_wait3A_105 = arith.constant 0 : i32
      %dma_wait3A_106 = arith.constant 0 : i32
      %dma_wait3A_107 = tpu.memref_slice %arg5[%run_scoped3A, %arg1, %dma_wait3A_105, %dma_wait3A_106] : memref<2x16x160x128xi32, #tpu.memory_space<hbm>> -> memref<1x1x160x128xi32, #tpu.memory_space<hbm>>
      %dma_wait3A_108 = tpu.memref_squeeze %dma_wait3A_107 : memref<1x1x160x128xi32, #tpu.memory_space<hbm>> -> memref<160x128xi32, #tpu.memory_space<hbm>>
      %dma_wait3A_109 = arith.constant 0 : i32
      %dma_wait3A_110 = arith.constant 0 : i32
      %dma_wait3A_111 = tpu.memref_slice %arg5[%run_scoped3A, %arg1, %dma_wait3A_109, %dma_wait3A_110] : memref<2x16x160x128xi32, #tpu.memory_space<hbm>> -> memref<1x1x160x128xi32, #tpu.memory_space<hbm>>
      %dma_wait3A_112 = tpu.memref_squeeze %dma_wait3A_111 : memref<1x1x160x128xi32, #tpu.memory_space<hbm>> -> memref<160x128xi32, #tpu.memory_space<hbm>>
      tpu.wait_dma2 semaphore(%run_scoped3A_96 : memref<!tpu.dma_semaphore, #tpu.memory_space<semaphore_mem>>) src(%dma_wait3A_112 : memref<160x128xi32, #tpu.memory_space<hbm>>) dst(%arg8 : memref<160x128xi32, #tpu.memory_space<vmem>>)
      tpu.yield
    }) : () -> ()
    %barrier3A = arith.constant 0 : index
    tpu.barrier barrier_id(%barrier3A)
    %dma_start3A = arith.constant 0 : i32
    %dma_start3A_5 = arith.constant 0 : i32
    %dma_start3A_6 = tpu.memref_slice %arg7[%dma_start3A, %dma_start3A_5] : memref<160x128xi32, #tpu.memory_space<vmem>> -> memref<1x128xi32, #tpu.memory_space<vmem>>
    %dma_start3A_7 = tpu.memref_squeeze %dma_start3A_6 : memref<1x128xi32, #tpu.memory_space<vmem>> -> memref<128xi32, #tpu.memory_space<vmem>>
    %dma_start3A_8 = arith.constant 0 : i32
    %dma_start3A_9 = arith.constant 0 : i32
    %dma_start3A_10 = tpu.memref_slice %arg3[%dma_start3A_8, %dma_start3A_9] : memref<20000x128xf32, #tpu.memory_space<hbm>> -> memref<20000x128xf32, #tpu.memory_space<hbm>>
    tpu.enqueue_indirect_dma source(%dma_start3A_10 : memref<20000x128xf32, #tpu.memory_space<hbm>>) target(%arg9 : memref<128x128xf32, #tpu.memory_space<vmem>>) offsets(%dma_start3A_7 : memref<128xi32, #tpu.memory_space<vmem>>) semaphore(%arg12 : memref<!tpu.dma_semaphore, #tpu.memory_space<semaphore_mem>>)
    %dma_start3A_11 = arith.constant 1 : i32
    %dma_start3A_12 = arith.constant 0 : i32
    %dma_start3A_13 = tpu.memref_slice %arg7[%dma_start3A_11, %dma_start3A_12] : memref<160x128xi32, #tpu.memory_space<vmem>> -> memref<1x128xi32, #tpu.memory_space<vmem>>
    %dma_start3A_14 = tpu.memref_squeeze %dma_start3A_13 : memref<1x128xi32, #tpu.memory_space<vmem>> -> memref<128xi32, #tpu.memory_space<vmem>>
    %dma_start3A_15 = arith.constant 0 : i32
    %dma_start3A_16 = arith.constant 0 : i32
    %dma_start3A_17 = tpu.memref_slice %arg3[%dma_start3A_15, %dma_start3A_16] : memref<20000x128xf32, #tpu.memory_space<hbm>> -> memref<20000x128xf32, #tpu.memory_space<hbm>>
    tpu.enqueue_indirect_dma source(%dma_start3A_17 : memref<20000x128xf32, #tpu.memory_space<hbm>>) target(%arg10 : memref<128x128xf32, #tpu.memory_space<vmem>>) offsets(%dma_start3A_14 : memref<128xi32, #tpu.memory_space<vmem>>) semaphore(%arg13 : memref<!tpu.dma_semaphore, #tpu.memory_space<semaphore_mem>>)
    %scan3A = arith.constant 0 : i32
    %scan3A_18 = arith.constant 0 : i32
    %scan3A_19 = arith.constant 79 : i32
    %scan3A_20 = arith.addi %scan3A_18, %scan3A_19 : i32
    %scan3A_21 = arith.constant 1 : i32
    scf.for %scan3A_96 = %scan3A_18 to %scan3A_20 step %scan3A_21  : i32 {
      %mul3A_97 = arith.constant 2 : i32
      %mul3A_98 = arith.muli %scan3A_96, %mul3A_97 : i32
      %dma_wait3A_99 = arith.constant 0 : i32
      %dma_wait3A_100 = tpu.memref_slice %arg7[%mul3A_98, %dma_wait3A_99] : memref<160x128xi32, #tpu.memory_space<vmem>> -> memref<1x128xi32, #tpu.memory_space<vmem>>
      %dma_wait3A_101 = tpu.memref_squeeze %dma_wait3A_100 : memref<1x128xi32, #tpu.memory_space<vmem>> -> memref<128xi32, #tpu.memory_space<vmem>>
      %dma_wait3A_102 = arith.constant 0 : i32
      %dma_wait3A_103 = arith.constant 0 : i32
      %dma_wait3A_104 = tpu.memref_slice %arg3[%dma_wait3A_102, %dma_wait3A_103] : memref<20000x128xf32, #tpu.memory_space<hbm>> -> memref<20000x128xf32, #tpu.memory_space<hbm>>
      tpu.wait_indirect_dma semaphore(%arg12 : memref<!tpu.dma_semaphore, #tpu.memory_space<semaphore_mem>>) src(%dma_wait3A_104 : memref<20000x128xf32, #tpu.memory_space<hbm>>) dst(%arg9 : memref<128x128xf32, #tpu.memory_space<vmem>>)
      "tpu.region"() ({
        %run_scoped3A_131 = tpu.sem_alloc : memref<!tpu.dma_semaphore, #tpu.memory_space<semaphore_mem>>
        %dma_start3A_132 = arith.constant 0 : i32
        %dma_start3A_133 = tpu.memref_slice %arg8[%mul3A_98, %dma_start3A_132] : memref<160x128xi32, #tpu.memory_space<vmem>> -> memref<1x128xi32, #tpu.memory_space<vmem>>
        %dma_start3A_134 = tpu.memref_squeeze %dma_start3A_133 : memref<1x128xi32, #tpu.memory_space<vmem>> -> memref<128xi32, #tpu.memory_space<vmem>>
        %dma_start3A_135 = arith.constant 0 : i32
        %dma_start3A_136 = arith.constant 0 : i32
        %dma_start3A_137 = tpu.memref_slice %arg11[%dma_start3A_135, %dma_start3A_136] : memref<5248x128xf32, #tpu.memory_space<vmem_shared>> -> memref<5248x128xf32, #tpu.memory_space<vmem_shared>>
        tpu.enqueue_indirect_dma source(%arg9 : memref<128x128xf32, #tpu.memory_space<vmem>>) target(%dma_start3A_137 : memref<5248x128xf32, #tpu.memory_space<vmem_shared>>) offsets(%dma_start3A_134 : memref<128xi32, #tpu.memory_space<vmem>>) semaphore(%run_scoped3A_131 : memref<!tpu.dma_semaphore, #tpu.memory_space<semaphore_mem>>) {add = true}
        %dma_wait3A_138 = arith.constant 0 : i32
        %dma_wait3A_139 = tpu.memref_slice %arg8[%mul3A_98, %dma_wait3A_138] : memref<160x128xi32, #tpu.memory_space<vmem>> -> memref<1x128xi32, #tpu.memory_space<vmem>>
        %dma_wait3A_140 = tpu.memref_squeeze %dma_wait3A_139 : memref<1x128xi32, #tpu.memory_space<vmem>> -> memref<128xi32, #tpu.memory_space<vmem>>
        %dma_wait3A_141 = arith.constant 0 : i32
        %dma_wait3A_142 = arith.constant 0 : i32
        %dma_wait3A_143 = tpu.memref_slice %arg11[%dma_wait3A_141, %dma_wait3A_142] : memref<5248x128xf32, #tpu.memory_space<vmem_shared>> -> memref<5248x128xf32, #tpu.memory_space<vmem_shared>>
        tpu.wait_indirect_dma semaphore(%run_scoped3A_131 : memref<!tpu.dma_semaphore, #tpu.memory_space<semaphore_mem>>) src(%arg9 : memref<128x128xf32, #tpu.memory_space<vmem>>) dst(%dma_wait3A_143 : memref<5248x128xf32, #tpu.memory_space<vmem_shared>>)
        tpu.yield
      }) : () -> ()
      %add3A_105 = arith.constant 2 : i32
      %add3A_106 = arith.addi %mul3A_98, %add3A_105 : i32
      %dma_start3A_107 = arith.constant 0 : i32
      %dma_start3A_108 = tpu.memref_slice %arg7[%add3A_106, %dma_start3A_107] : memref<160x128xi32, #tpu.memory_space<vmem>> -> memref<1x128xi32, #tpu.memory_space<vmem>>
      %dma_start3A_109 = tpu.memref_squeeze %dma_start3A_108 : memref<1x128xi32, #tpu.memory_space<vmem>> -> memref<128xi32, #tpu.memory_space<vmem>>
      %dma_start3A_110 = arith.constant 0 : i32
      %dma_start3A_111 = arith.constant 0 : i32
      %dma_start3A_112 = tpu.memref_slice %arg3[%dma_start3A_110, %dma_start3A_111] : memref<20000x128xf32, #tpu.memory_space<hbm>> -> memref<20000x128xf32, #tpu.memory_space<hbm>>
      tpu.enqueue_indirect_dma source(%dma_start3A_112 : memref<20000x128xf32, #tpu.memory_space<hbm>>) target(%arg9 : memref<128x128xf32, #tpu.memory_space<vmem>>) offsets(%dma_start3A_109 : memref<128xi32, #tpu.memory_space<vmem>>) semaphore(%arg12 : memref<!tpu.dma_semaphore, #tpu.memory_space<semaphore_mem>>)
      %add3A_113 = arith.constant 1 : i32
      %add3A_114 = arith.addi %mul3A_98, %add3A_113 : i32
      %dma_wait3A_115 = arith.constant 0 : i32
      %dma_wait3A_116 = tpu.memref_slice %arg7[%add3A_114, %dma_wait3A_115] : memref<160x128xi32, #tpu.memory_space<vmem>> -> memref<1x128xi32, #tpu.memory_space<vmem>>
      %dma_wait3A_117 = tpu.memref_squeeze %dma_wait3A_116 : memref<1x128xi32, #tpu.memory_space<vmem>> -> memref<128xi32, #tpu.memory_space<vmem>>
      %dma_wait3A_118 = arith.constant 0 : i32
      %dma_wait3A_119 = arith.constant 0 : i32
      %dma_wait3A_120 = tpu.memref_slice %arg3[%dma_wait3A_118, %dma_wait3A_119] : memref<20000x128xf32, #tpu.memory_space<hbm>> -> memref<20000x128xf32, #tpu.memory_space<hbm>>
      tpu.wait_indirect_dma semaphore(%arg13 : memref<!tpu.dma_semaphore, #tpu.memory_space<semaphore_mem>>) src(%dma_wait3A_120 : memref<20000x128xf32, #tpu.memory_space<hbm>>) dst(%arg10 : memref<128x128xf32, #tpu.memory_space<vmem>>)
      %add3A_121 = arith.constant 1 : i32
      %add3A_122 = arith.addi %mul3A_98, %add3A_121 : i32
      "tpu.region"() ({
        %run_scoped3A_131 = tpu.sem_alloc : memref<!tpu.dma_semaphore, #tpu.memory_space<semaphore_mem>>
        %dma_start3A_132 = arith.constant 0 : i32
        %dma_start3A_133 = tpu.memref_slice %arg8[%add3A_122, %dma_start3A_132] : memref<160x128xi32, #tpu.memory_space<vmem>> -> memref<1x128xi32, #tpu.memory_space<vmem>>
        %dma_start3A_134 = tpu.memref_squeeze %dma_start3A_133 : memref<1x128xi32, #tpu.memory_space<vmem>> -> memref<128xi32, #tpu.memory_space<vmem>>
        %dma_start3A_135 = arith.constant 0 : i32
        %dma_start3A_136 = arith.constant 0 : i32
        %dma_start3A_137 = tpu.memref_slice %arg11[%dma_start3A_135, %dma_start3A_136] : memref<5248x128xf32, #tpu.memory_space<vmem_shared>> -> memref<5248x128xf32, #tpu.memory_space<vmem_shared>>
        tpu.enqueue_indirect_dma source(%arg10 : memref<128x128xf32, #tpu.memory_space<vmem>>) target(%dma_start3A_137 : memref<5248x128xf32, #tpu.memory_space<vmem_shared>>) offsets(%dma_start3A_134 : memref<128xi32, #tpu.memory_space<vmem>>) semaphore(%run_scoped3A_131 : memref<!tpu.dma_semaphore, #tpu.memory_space<semaphore_mem>>) {add = true}
        %dma_wait3A_138 = arith.constant 0 : i32
        %dma_wait3A_139 = tpu.memref_slice %arg8[%add3A_122, %dma_wait3A_138] : memref<160x128xi32, #tpu.memory_space<vmem>> -> memref<1x128xi32, #tpu.memory_space<vmem>>
        %dma_wait3A_140 = tpu.memref_squeeze %dma_wait3A_139 : memref<1x128xi32, #tpu.memory_space<vmem>> -> memref<128xi32, #tpu.memory_space<vmem>>
        %dma_wait3A_141 = arith.constant 0 : i32
        %dma_wait3A_142 = arith.constant 0 : i32
        %dma_wait3A_143 = tpu.memref_slice %arg11[%dma_wait3A_141, %dma_wait3A_142] : memref<5248x128xf32, #tpu.memory_space<vmem_shared>> -> memref<5248x128xf32, #tpu.memory_space<vmem_shared>>
        tpu.wait_indirect_dma semaphore(%run_scoped3A_131 : memref<!tpu.dma_semaphore, #tpu.memory_space<semaphore_mem>>) src(%arg10 : memref<128x128xf32, #tpu.memory_space<vmem>>) dst(%dma_wait3A_143 : memref<5248x128xf32, #tpu.memory_space<vmem_shared>>)
        tpu.yield
      }) : () -> ()
      %add3A_123 = arith.constant 3 : i32
      %add3A_124 = arith.addi %mul3A_98, %add3A_123 : i32
      %dma_start3A_125 = arith.constant 0 : i32
      %dma_start3A_126 = tpu.memref_slice %arg7[%add3A_124, %dma_start3A_125] : memref<160x128xi32, #tpu.memory_space<vmem>> -> memref<1x128xi32, #tpu.memory_space<vmem>>
      %dma_start3A_127 = tpu.memref_squeeze %dma_start3A_126 : memref<1x128xi32, #tpu.memory_space<vmem>> -> memref<128xi32, #tpu.memory_space<vmem>>
      %dma_start3A_128 = arith.constant 0 : i32
      %dma_start3A_129 = arith.constant 0 : i32
      %dma_start3A_130 = tpu.memref_slice %arg3[%dma_start3A_128, %dma_start3A_129] : memref<20000x128xf32, #tpu.memory_space<hbm>> -> memref<20000x128xf32, #tpu.memory_space<hbm>>
      tpu.enqueue_indirect_dma source(%dma_start3A_130 : memref<20000x128xf32, #tpu.memory_space<hbm>>) target(%arg10 : memref<128x128xf32, #tpu.memory_space<vmem>>) offsets(%dma_start3A_127 : memref<128xi32, #tpu.memory_space<vmem>>) semaphore(%arg13 : memref<!tpu.dma_semaphore, #tpu.memory_space<semaphore_mem>>)
    }
    %scan3A_22 = arith.constant 79 : i32
    %dma_wait3A = arith.constant 158 : i32
    %dma_wait3A_23 = arith.constant 0 : i32
    %dma_wait3A_24 = tpu.memref_slice %arg7[%dma_wait3A, %dma_wait3A_23] : memref<160x128xi32, #tpu.memory_space<vmem>> -> memref<1x128xi32, #tpu.memory_space<vmem>>
    %dma_wait3A_25 = tpu.memref_squeeze %dma_wait3A_24 : memref<1x128xi32, #tpu.memory_space<vmem>> -> memref<128xi32, #tpu.memory_space<vmem>>
    %dma_wait3A_26 = arith.constant 0 : i32
    %dma_wait3A_27 = arith.constant 0 : i32
    %dma_wait3A_28 = tpu.memref_slice %arg3[%dma_wait3A_26, %dma_wait3A_27] : memref<20000x128xf32, #tpu.memory_space<hbm>> -> memref<20000x128xf32, #tpu.memory_space<hbm>>
    tpu.wait_indirect_dma semaphore(%arg12 : memref<!tpu.dma_semaphore, #tpu.memory_space<semaphore_mem>>) src(%dma_wait3A_28 : memref<20000x128xf32, #tpu.memory_space<hbm>>) dst(%arg9 : memref<128x128xf32, #tpu.memory_space<vmem>>)
    %run_scoped3A_29 = arith.constant 158 : i32
    "tpu.region"() ({
      %run_scoped3A_96 = tpu.sem_alloc : memref<!tpu.dma_semaphore, #tpu.memory_space<semaphore_mem>>
      %dma_start3A_97 = arith.constant 0 : i32
      %dma_start3A_98 = tpu.memref_slice %arg8[%run_scoped3A_29, %dma_start3A_97] : memref<160x128xi32, #tpu.memory_space<vmem>> -> memref<1x128xi32, #tpu.memory_space<vmem>>
      %dma_start3A_99 = tpu.memref_squeeze %dma_start3A_98 : memref<1x128xi32, #tpu.memory_space<vmem>> -> memref<128xi32, #tpu.memory_space<vmem>>
      %dma_start3A_100 = arith.constant 0 : i32
      %dma_start3A_101 = arith.constant 0 : i32
      %dma_start3A_102 = tpu.memref_slice %arg11[%dma_start3A_100, %dma_start3A_101] : memref<5248x128xf32, #tpu.memory_space<vmem_shared>> -> memref<5248x128xf32, #tpu.memory_space<vmem_shared>>
      tpu.enqueue_indirect_dma source(%arg9 : memref<128x128xf32, #tpu.memory_space<vmem>>) target(%dma_start3A_102 : memref<5248x128xf32, #tpu.memory_space<vmem_shared>>) offsets(%dma_start3A_99 : memref<128xi32, #tpu.memory_space<vmem>>) semaphore(%run_scoped3A_96 : memref<!tpu.dma_semaphore, #tpu.memory_space<semaphore_mem>>) {add = true}
      %dma_wait3A_103 = arith.constant 0 : i32
      %dma_wait3A_104 = tpu.memref_slice %arg8[%run_scoped3A_29, %dma_wait3A_103] : memref<160x128xi32, #tpu.memory_space<vmem>> -> memref<1x128xi32, #tpu.memory_space<vmem>>
      %dma_wait3A_105 = tpu.memref_squeeze %dma_wait3A_104 : memref<1x128xi32, #tpu.memory_space<vmem>> -> memref<128xi32, #tpu.memory_space<vmem>>
      %dma_wait3A_106 = arith.constant 0 : i32
      %dma_wait3A_107 = arith.constant 0 : i32
      %dma_wait3A_108 = tpu.memref_slice %arg11[%dma_wait3A_106, %dma_wait3A_107] : memref<5248x128xf32, #tpu.memory_space<vmem_shared>> -> memref<5248x128xf32, #tpu.memory_space<vmem_shared>>
      tpu.wait_indirect_dma semaphore(%run_scoped3A_96 : memref<!tpu.dma_semaphore, #tpu.memory_space<semaphore_mem>>) src(%arg9 : memref<128x128xf32, #tpu.memory_space<vmem>>) dst(%dma_wait3A_108 : memref<5248x128xf32, #tpu.memory_space<vmem_shared>>)
      tpu.yield
    }) : () -> ()
    %dma_wait3A_30 = arith.constant 159 : i32
    %dma_wait3A_31 = arith.constant 0 : i32
    %dma_wait3A_32 = tpu.memref_slice %arg7[%dma_wait3A_30, %dma_wait3A_31] : memref<160x128xi32, #tpu.memory_space<vmem>> -> memref<1x128xi32, #tpu.memory_space<vmem>>
    %dma_wait3A_33 = tpu.memref_squeeze %dma_wait3A_32 : memref<1x128xi32, #tpu.memory_space<vmem>> -> memref<128xi32, #tpu.memory_space<vmem>>
    %dma_wait3A_34 = arith.constant 0 : i32
    %dma_wait3A_35 = arith.constant 0 : i32
    %dma_wait3A_36 = tpu.memref_slice %arg3[%dma_wait3A_34, %dma_wait3A_35] : memref<20000x128xf32, #tpu.memory_space<hbm>> -> memref<20000x128xf32, #tpu.memory_space<hbm>>
    tpu.wait_indirect_dma semaphore(%arg13 : memref<!tpu.dma_semaphore, #tpu.memory_space<semaphore_mem>>) src(%dma_wait3A_36 : memref<20000x128xf32, #tpu.memory_space<hbm>>) dst(%arg10 : memref<128x128xf32, #tpu.memory_space<vmem>>)
    %run_scoped3A_37 = arith.constant 159 : i32
    "tpu.region"() ({
      %run_scoped3A_96 = tpu.sem_alloc : memref<!tpu.dma_semaphore, #tpu.memory_space<semaphore_mem>>
      %dma_start3A_97 = arith.constant 0 : i32
      %dma_start3A_98 = tpu.memref_slice %arg8[%run_scoped3A_37, %dma_start3A_97] : memref<160x128xi32, #tpu.memory_space<vmem>> -> memref<1x128xi32, #tpu.memory_space<vmem>>
      %dma_start3A_99 = tpu.memref_squeeze %dma_start3A_98 : memref<1x128xi32, #tpu.memory_space<vmem>> -> memref<128xi32, #tpu.memory_space<vmem>>
      %dma_start3A_100 = arith.constant 0 : i32
      %dma_start3A_101 = arith.constant 0 : i32
      %dma_start3A_102 = tpu.memref_slice %arg11[%dma_start3A_100, %dma_start3A_101] : memref<5248x128xf32, #tpu.memory_space<vmem_shared>> -> memref<5248x128xf32, #tpu.memory_space<vmem_shared>>
      tpu.enqueue_indirect_dma source(%arg10 : memref<128x128xf32, #tpu.memory_space<vmem>>) target(%dma_start3A_102 : memref<5248x128xf32, #tpu.memory_space<vmem_shared>>) offsets(%dma_start3A_99 : memref<128xi32, #tpu.memory_space<vmem>>) semaphore(%run_scoped3A_96 : memref<!tpu.dma_semaphore, #tpu.memory_space<semaphore_mem>>) {add = true}
      %dma_wait3A_103 = arith.constant 0 : i32
      %dma_wait3A_104 = tpu.memref_slice %arg8[%run_scoped3A_37, %dma_wait3A_103] : memref<160x128xi32, #tpu.memory_space<vmem>> -> memref<1x128xi32, #tpu.memory_space<vmem>>
      %dma_wait3A_105 = tpu.memref_squeeze %dma_wait3A_104 : memref<1x128xi32, #tpu.memory_space<vmem>> -> memref<128xi32, #tpu.memory_space<vmem>>
      %dma_wait3A_106 = arith.constant 0 : i32
      %dma_wait3A_107 = arith.constant 0 : i32
      %dma_wait3A_108 = tpu.memref_slice %arg11[%dma_wait3A_106, %dma_wait3A_107] : memref<5248x128xf32, #tpu.memory_space<vmem_shared>> -> memref<5248x128xf32, #tpu.memory_space<vmem_shared>>
      tpu.wait_indirect_dma semaphore(%run_scoped3A_96 : memref<!tpu.dma_semaphore, #tpu.memory_space<semaphore_mem>>) src(%arg10 : memref<128x128xf32, #tpu.memory_space<vmem>>) dst(%dma_wait3A_108 : memref<5248x128xf32, #tpu.memory_space<vmem_shared>>)
      tpu.yield
    }) : () -> ()
    %barrier3A_38 = arith.constant 0 : index
    tpu.barrier barrier_id(%barrier3A_38)
    %mul3A_39 = arith.constant 320 : i32
    %mul3A_40 = arith.muli %arg1, %mul3A_39 : i32
    %mul3A_41 = arith.constant 320 : i32
    %mul3A_42 = arith.muli %arg1, %mul3A_41 : i32
    %add3A_43 = arith.constant 0 : i32
    %add3A_44 = arith.addi %add3A_43, %mul3A_42 : i32
    "tpu.region"() ({
      %run_scoped3A_96 = tpu.sem_alloc : memref<!tpu.dma_semaphore, #tpu.memory_space<semaphore_mem>>
      %dma_start3A_97 = arith.constant 0 : i32
      %dma_start3A_98 = tpu.memref_slice %arg6[%arg0, %add3A_44, %dma_start3A_97] : memref<2x10240x128xf32, #tpu.memory_space<hbm>> -> memref<1x320x128xf32, #tpu.memory_space<hbm>>
      %dma_start3A_99 = tpu.memref_squeeze %dma_start3A_98 : memref<1x320x128xf32, #tpu.memory_space<hbm>> -> memref<320x128xf32, #tpu.memory_space<hbm>>
      %dma_start3A_100 = arith.constant 0 : i32
      %dma_start3A_101 = tpu.memref_slice %arg11[%mul3A_40, %dma_start3A_100] : memref<5248x128xf32, #tpu.memory_space<vmem_shared>> -> memref<320x128xf32, #tpu.memory_space<vmem_shared>>
      tpu.enqueue_dma source(%dma_start3A_101 : memref<320x128xf32, #tpu.memory_space<vmem_shared>>) target(%dma_start3A_99 : memref<320x128xf32, #tpu.memory_space<hbm>>) target_semaphore(%run_scoped3A_96 : memref<!tpu.dma_semaphore, #tpu.memory_space<semaphore_mem>>)
      %dma_wait3A_102 = arith.constant 0 : i32
      %dma_wait3A_103 = tpu.memref_slice %arg6[%arg0, %add3A_44, %dma_wait3A_102] : memref<2x10240x128xf32, #tpu.memory_space<hbm>> -> memref<1x320x128xf32, #tpu.memory_space<hbm>>
      %dma_wait3A_104 = tpu.memref_squeeze %dma_wait3A_103 : memref<1x320x128xf32, #tpu.memory_space<hbm>> -> memref<320x128xf32, #tpu.memory_space<hbm>>
      %dma_wait3A_105 = arith.constant 0 : i32
      %dma_wait3A_106 = tpu.memref_slice %arg11[%mul3A_40, %dma_wait3A_105] : memref<5248x128xf32, #tpu.memory_space<vmem_shared>> -> memref<320x128xf32, #tpu.memory_space<vmem_shared>>
      tpu.wait_dma2 semaphore(%run_scoped3A_96 : memref<!tpu.dma_semaphore, #tpu.memory_space<semaphore_mem>>) src(%dma_wait3A_106 : memref<320x128xf32, #tpu.memory_space<vmem_shared>>) dst(%dma_wait3A_104 : memref<320x128xf32, #tpu.memory_space<hbm>>)
      tpu.yield
    }) : () -> ()
    %barrier3A_45 = arith.constant 0 : index
    tpu.barrier barrier_id(%barrier3A_45)
    %mul3A_46 = arith.constant 328 : i32
    %mul3A_47 = arith.muli %arg1, %mul3A_46 : i32
    %mul3A_48 = arith.constant 328 : i32
    %mul3A_49 = arith.muli %arg1, %mul3A_48 : i32
    "tpu.region"() ({
      %run_scoped3A_96 = tpu.sem_alloc : memref<!tpu.dma_semaphore, #tpu.memory_space<semaphore_mem>>
      %dma_start3A_97 = arith.constant 0 : i32
      %dma_start3A_98 = tpu.memref_slice %arg11[%mul3A_49, %dma_start3A_97] : memref<5248x128xf32, #tpu.memory_space<vmem_shared>> -> memref<328x128xf32, #tpu.memory_space<vmem_shared>>
      %dma_start3A_99 = arith.constant 0 : i32
      %dma_start3A_100 = tpu.memref_slice %arg2[%mul3A_47, %dma_start3A_99] : memref<5248x128xf32, #tpu.memory_space<hbm>> -> memref<328x128xf32, #tpu.memory_space<hbm>>
      tpu.enqueue_dma source(%dma_start3A_100 : memref<328x128xf32, #tpu.memory_space<hbm>>) target(%dma_start3A_98 : memref<328x128xf32, #tpu.memory_space<vmem_shared>>) target_semaphore(%run_scoped3A_96 : memref<!tpu.dma_semaphore, #tpu.memory_space<semaphore_mem>>)
      %dma_wait3A_101 = arith.constant 0 : i32
      %dma_wait3A_102 = tpu.memref_slice %arg11[%mul3A_49, %dma_wait3A_101] : memref<5248x128xf32, #tpu.memory_space<vmem_shared>> -> memref<328x128xf32, #tpu.memory_space<vmem_shared>>
      %dma_wait3A_103 = arith.constant 0 : i32
      %dma_wait3A_104 = tpu.memref_slice %arg2[%mul3A_47, %dma_wait3A_103] : memref<5248x128xf32, #tpu.memory_space<hbm>> -> memref<328x128xf32, #tpu.memory_space<hbm>>
      tpu.wait_dma2 semaphore(%run_scoped3A_96 : memref<!tpu.dma_semaphore, #tpu.memory_space<semaphore_mem>>) src(%dma_wait3A_104 : memref<328x128xf32, #tpu.memory_space<hbm>>) dst(%dma_wait3A_102 : memref<328x128xf32, #tpu.memory_space<vmem_shared>>)
      tpu.yield
    }) : () -> ()
    %run_scoped3A_50 = arith.constant 1 : i32
    "tpu.region"() ({
      %run_scoped3A_96 = tpu.sem_alloc : memref<!tpu.dma_semaphore, #tpu.memory_space<semaphore_mem>>
      %dma_start3A_97 = arith.constant 0 : i32
      %dma_start3A_98 = arith.constant 0 : i32
      %dma_start3A_99 = tpu.memref_slice %arg5[%run_scoped3A_50, %arg1, %dma_start3A_97, %dma_start3A_98] : memref<2x16x160x128xi32, #tpu.memory_space<hbm>> -> memref<1x1x160x128xi32, #tpu.memory_space<hbm>>
      %dma_start3A_100 = tpu.memref_squeeze %dma_start3A_99 : memref<1x1x160x128xi32, #tpu.memory_space<hbm>> -> memref<160x128xi32, #tpu.memory_space<hbm>>
      %dma_start3A_101 = arith.constant 0 : i32
      %dma_start3A_102 = arith.constant 0 : i32
      %dma_start3A_103 = tpu.memref_slice %arg5[%run_scoped3A_50, %arg1, %dma_start3A_101, %dma_start3A_102] : memref<2x16x160x128xi32, #tpu.memory_space<hbm>> -> memref<1x1x160x128xi32, #tpu.memory_space<hbm>>
      %dma_start3A_104 = tpu.memref_squeeze %dma_start3A_103 : memref<1x1x160x128xi32, #tpu.memory_space<hbm>> -> memref<160x128xi32, #tpu.memory_space<hbm>>
      tpu.enqueue_dma source(%dma_start3A_104 : memref<160x128xi32, #tpu.memory_space<hbm>>) target(%arg8 : memref<160x128xi32, #tpu.memory_space<vmem>>) target_semaphore(%run_scoped3A_96 : memref<!tpu.dma_semaphore, #tpu.memory_space<semaphore_mem>>)
      %dma_wait3A_105 = arith.constant 0 : i32
      %dma_wait3A_106 = arith.constant 0 : i32
      %dma_wait3A_107 = tpu.memref_slice %arg5[%run_scoped3A_50, %arg1, %dma_wait3A_105, %dma_wait3A_106] : memref<2x16x160x128xi32, #tpu.memory_space<hbm>> -> memref<1x1x160x128xi32, #tpu.memory_space<hbm>>
      %dma_wait3A_108 = tpu.memref_squeeze %dma_wait3A_107 : memref<1x1x160x128xi32, #tpu.memory_space<hbm>> -> memref<160x128xi32, #tpu.memory_space<hbm>>
      %dma_wait3A_109 = arith.constant 0 : i32
      %dma_wait3A_110 = arith.constant 0 : i32
      %dma_wait3A_111 = tpu.memref_slice %arg5[%run_scoped3A_50, %arg1, %dma_wait3A_109, %dma_wait3A_110] : memref<2x16x160x128xi32, #tpu.memory_space<hbm>> -> memref<1x1x160x128xi32, #tpu.memory_space<hbm>>
      %dma_wait3A_112 = tpu.memref_squeeze %dma_wait3A_111 : memref<1x1x160x128xi32, #tpu.memory_space<hbm>> -> memref<160x128xi32, #tpu.memory_space<hbm>>
      tpu.wait_dma2 semaphore(%run_scoped3A_96 : memref<!tpu.dma_semaphore, #tpu.memory_space<semaphore_mem>>) src(%dma_wait3A_112 : memref<160x128xi32, #tpu.memory_space<hbm>>) dst(%arg8 : memref<160x128xi32, #tpu.memory_space<vmem>>)
      tpu.yield
    }) : () -> ()
    %barrier3A_51 = arith.constant 0 : index
    tpu.barrier barrier_id(%barrier3A_51)
    %dma_start3A_52 = arith.constant 0 : i32
    %dma_start3A_53 = arith.constant 0 : i32
    %dma_start3A_54 = tpu.memref_slice %arg7[%dma_start3A_52, %dma_start3A_53] : memref<160x128xi32, #tpu.memory_space<vmem>> -> memref<1x128xi32, #tpu.memory_space<vmem>>
    %dma_start3A_55 = tpu.memref_squeeze %dma_start3A_54 : memref<1x128xi32, #tpu.memory_space<vmem>> -> memref<128xi32, #tpu.memory_space<vmem>>
    %dma_start3A_56 = arith.constant 0 : i32
    %dma_start3A_57 = arith.constant 0 : i32
    %dma_start3A_58 = tpu.memref_slice %arg3[%dma_start3A_56, %dma_start3A_57] : memref<20000x128xf32, #tpu.memory_space<hbm>> -> memref<20000x128xf32, #tpu.memory_space<hbm>>
    tpu.enqueue_indirect_dma source(%dma_start3A_58 : memref<20000x128xf32, #tpu.memory_space<hbm>>) target(%arg9 : memref<128x128xf32, #tpu.memory_space<vmem>>) offsets(%dma_start3A_55 : memref<128xi32, #tpu.memory_space<vmem>>) semaphore(%arg12 : memref<!tpu.dma_semaphore, #tpu.memory_space<semaphore_mem>>)
    %dma_start3A_59 = arith.constant 1 : i32
    %dma_start3A_60 = arith.constant 0 : i32
    %dma_start3A_61 = tpu.memref_slice %arg7[%dma_start3A_59, %dma_start3A_60] : memref<160x128xi32, #tpu.memory_space<vmem>> -> memref<1x128xi32, #tpu.memory_space<vmem>>
    %dma_start3A_62 = tpu.memref_squeeze %dma_start3A_61 : memref<1x128xi32, #tpu.memory_space<vmem>> -> memref<128xi32, #tpu.memory_space<vmem>>
    %dma_start3A_63 = arith.constant 0 : i32
    %dma_start3A_64 = arith.constant 0 : i32
    %dma_start3A_65 = tpu.memref_slice %arg3[%dma_start3A_63, %dma_start3A_64] : memref<20000x128xf32, #tpu.memory_space<hbm>> -> memref<20000x128xf32, #tpu.memory_space<hbm>>
    tpu.enqueue_indirect_dma source(%dma_start3A_65 : memref<20000x128xf32, #tpu.memory_space<hbm>>) target(%arg10 : memref<128x128xf32, #tpu.memory_space<vmem>>) offsets(%dma_start3A_62 : memref<128xi32, #tpu.memory_space<vmem>>) semaphore(%arg13 : memref<!tpu.dma_semaphore, #tpu.memory_space<semaphore_mem>>)
    %scan3A_66 = arith.constant 0 : i32
    %scan3A_67 = arith.constant 0 : i32
    %scan3A_68 = arith.constant 79 : i32
    %scan3A_69 = arith.addi %scan3A_67, %scan3A_68 : i32
    %scan3A_70 = arith.constant 1 : i32
    scf.for %scan3A_96 = %scan3A_67 to %scan3A_69 step %scan3A_70  : i32 {
      %mul3A_97 = arith.constant 2 : i32
      %mul3A_98 = arith.muli %scan3A_96, %mul3A_97 : i32
      %dma_wait3A_99 = arith.constant 0 : i32
      %dma_wait3A_100 = tpu.memref_slice %arg7[%mul3A_98, %dma_wait3A_99] : memref<160x128xi32, #tpu.memory_space<vmem>> -> memref<1x128xi32, #tpu.memory_space<vmem>>
      %dma_wait3A_101 = tpu.memref_squeeze %dma_wait3A_100 : memref<1x128xi32, #tpu.memory_space<vmem>> -> memref<128xi32, #tpu.memory_space<vmem>>
      %dma_wait3A_102 = arith.constant 0 : i32
      %dma_wait3A_103 = arith.constant 0 : i32
      %dma_wait3A_104 = tpu.memref_slice %arg3[%dma_wait3A_102, %dma_wait3A_103] : memref<20000x128xf32, #tpu.memory_space<hbm>> -> memref<20000x128xf32, #tpu.memory_space<hbm>>
      tpu.wait_indirect_dma semaphore(%arg12 : memref<!tpu.dma_semaphore, #tpu.memory_space<semaphore_mem>>) src(%dma_wait3A_104 : memref<20000x128xf32, #tpu.memory_space<hbm>>) dst(%arg9 : memref<128x128xf32, #tpu.memory_space<vmem>>)
      "tpu.region"() ({
        %run_scoped3A_131 = tpu.sem_alloc : memref<!tpu.dma_semaphore, #tpu.memory_space<semaphore_mem>>
        %dma_start3A_132 = arith.constant 0 : i32
        %dma_start3A_133 = tpu.memref_slice %arg8[%mul3A_98, %dma_start3A_132] : memref<160x128xi32, #tpu.memory_space<vmem>> -> memref<1x128xi32, #tpu.memory_space<vmem>>
        %dma_start3A_134 = tpu.memref_squeeze %dma_start3A_133 : memref<1x128xi32, #tpu.memory_space<vmem>> -> memref<128xi32, #tpu.memory_space<vmem>>
        %dma_start3A_135 = arith.constant 0 : i32
        %dma_start3A_136 = arith.constant 0 : i32
        %dma_start3A_137 = tpu.memref_slice %arg11[%dma_start3A_135, %dma_start3A_136] : memref<5248x128xf32, #tpu.memory_space<vmem_shared>> -> memref<5248x128xf32, #tpu.memory_space<vmem_shared>>
        tpu.enqueue_indirect_dma source(%arg9 : memref<128x128xf32, #tpu.memory_space<vmem>>) target(%dma_start3A_137 : memref<5248x128xf32, #tpu.memory_space<vmem_shared>>) offsets(%dma_start3A_134 : memref<128xi32, #tpu.memory_space<vmem>>) semaphore(%run_scoped3A_131 : memref<!tpu.dma_semaphore, #tpu.memory_space<semaphore_mem>>) {add = true}
        %dma_wait3A_138 = arith.constant 0 : i32
        %dma_wait3A_139 = tpu.memref_slice %arg8[%mul3A_98, %dma_wait3A_138] : memref<160x128xi32, #tpu.memory_space<vmem>> -> memref<1x128xi32, #tpu.memory_space<vmem>>
        %dma_wait3A_140 = tpu.memref_squeeze %dma_wait3A_139 : memref<1x128xi32, #tpu.memory_space<vmem>> -> memref<128xi32, #tpu.memory_space<vmem>>
        %dma_wait3A_141 = arith.constant 0 : i32
        %dma_wait3A_142 = arith.constant 0 : i32
        %dma_wait3A_143 = tpu.memref_slice %arg11[%dma_wait3A_141, %dma_wait3A_142] : memref<5248x128xf32, #tpu.memory_space<vmem_shared>> -> memref<5248x128xf32, #tpu.memory_space<vmem_shared>>
        tpu.wait_indirect_dma semaphore(%run_scoped3A_131 : memref<!tpu.dma_semaphore, #tpu.memory_space<semaphore_mem>>) src(%arg9 : memref<128x128xf32, #tpu.memory_space<vmem>>) dst(%dma_wait3A_143 : memref<5248x128xf32, #tpu.memory_space<vmem_shared>>)
        tpu.yield
      }) : () -> ()
      %add3A_105 = arith.constant 2 : i32
      %add3A_106 = arith.addi %mul3A_98, %add3A_105 : i32
      %dma_start3A_107 = arith.constant 0 : i32
      %dma_start3A_108 = tpu.memref_slice %arg7[%add3A_106, %dma_start3A_107] : memref<160x128xi32, #tpu.memory_space<vmem>> -> memref<1x128xi32, #tpu.memory_space<vmem>>
      %dma_start3A_109 = tpu.memref_squeeze %dma_start3A_108 : memref<1x128xi32, #tpu.memory_space<vmem>> -> memref<128xi32, #tpu.memory_space<vmem>>
      %dma_start3A_110 = arith.constant 0 : i32
      %dma_start3A_111 = arith.constant 0 : i32
      %dma_start3A_112 = tpu.memref_slice %arg3[%dma_start3A_110, %dma_start3A_111] : memref<20000x128xf32, #tpu.memory_space<hbm>> -> memref<20000x128xf32, #tpu.memory_space<hbm>>
      tpu.enqueue_indirect_dma source(%dma_start3A_112 : memref<20000x128xf32, #tpu.memory_space<hbm>>) target(%arg9 : memref<128x128xf32, #tpu.memory_space<vmem>>) offsets(%dma_start3A_109 : memref<128xi32, #tpu.memory_space<vmem>>) semaphore(%arg12 : memref<!tpu.dma_semaphore, #tpu.memory_space<semaphore_mem>>)
      %add3A_113 = arith.constant 1 : i32
      %add3A_114 = arith.addi %mul3A_98, %add3A_113 : i32
      %dma_wait3A_115 = arith.constant 0 : i32
      %dma_wait3A_116 = tpu.memref_slice %arg7[%add3A_114, %dma_wait3A_115] : memref<160x128xi32, #tpu.memory_space<vmem>> -> memref<1x128xi32, #tpu.memory_space<vmem>>
      %dma_wait3A_117 = tpu.memref_squeeze %dma_wait3A_116 : memref<1x128xi32, #tpu.memory_space<vmem>> -> memref<128xi32, #tpu.memory_space<vmem>>
      %dma_wait3A_118 = arith.constant 0 : i32
      %dma_wait3A_119 = arith.constant 0 : i32
      %dma_wait3A_120 = tpu.memref_slice %arg3[%dma_wait3A_118, %dma_wait3A_119] : memref<20000x128xf32, #tpu.memory_space<hbm>> -> memref<20000x128xf32, #tpu.memory_space<hbm>>
      tpu.wait_indirect_dma semaphore(%arg13 : memref<!tpu.dma_semaphore, #tpu.memory_space<semaphore_mem>>) src(%dma_wait3A_120 : memref<20000x128xf32, #tpu.memory_space<hbm>>) dst(%arg10 : memref<128x128xf32, #tpu.memory_space<vmem>>)
      %add3A_121 = arith.constant 1 : i32
      %add3A_122 = arith.addi %mul3A_98, %add3A_121 : i32
      "tpu.region"() ({
        %run_scoped3A_131 = tpu.sem_alloc : memref<!tpu.dma_semaphore, #tpu.memory_space<semaphore_mem>>
        %dma_start3A_132 = arith.constant 0 : i32
        %dma_start3A_133 = tpu.memref_slice %arg8[%add3A_122, %dma_start3A_132] : memref<160x128xi32, #tpu.memory_space<vmem>> -> memref<1x128xi32, #tpu.memory_space<vmem>>
        %dma_start3A_134 = tpu.memref_squeeze %dma_start3A_133 : memref<1x128xi32, #tpu.memory_space<vmem>> -> memref<128xi32, #tpu.memory_space<vmem>>
        %dma_start3A_135 = arith.constant 0 : i32
        %dma_start3A_136 = arith.constant 0 : i32
        %dma_start3A_137 = tpu.memref_slice %arg11[%dma_start3A_135, %dma_start3A_136] : memref<5248x128xf32, #tpu.memory_space<vmem_shared>> -> memref<5248x128xf32, #tpu.memory_space<vmem_shared>>
        tpu.enqueue_indirect_dma source(%arg10 : memref<128x128xf32, #tpu.memory_space<vmem>>) target(%dma_start3A_137 : memref<5248x128xf32, #tpu.memory_space<vmem_shared>>) offsets(%dma_start3A_134 : memref<128xi32, #tpu.memory_space<vmem>>) semaphore(%run_scoped3A_131 : memref<!tpu.dma_semaphore, #tpu.memory_space<semaphore_mem>>) {add = true}
        %dma_wait3A_138 = arith.constant 0 : i32
        %dma_wait3A_139 = tpu.memref_slice %arg8[%add3A_122, %dma_wait3A_138] : memref<160x128xi32, #tpu.memory_space<vmem>> -> memref<1x128xi32, #tpu.memory_space<vmem>>
        %dma_wait3A_140 = tpu.memref_squeeze %dma_wait3A_139 : memref<1x128xi32, #tpu.memory_space<vmem>> -> memref<128xi32, #tpu.memory_space<vmem>>
        %dma_wait3A_141 = arith.constant 0 : i32
        %dma_wait3A_142 = arith.constant 0 : i32
        %dma_wait3A_143 = tpu.memref_slice %arg11[%dma_wait3A_141, %dma_wait3A_142] : memref<5248x128xf32, #tpu.memory_space<vmem_shared>> -> memref<5248x128xf32, #tpu.memory_space<vmem_shared>>
        tpu.wait_indirect_dma semaphore(%run_scoped3A_131 : memref<!tpu.dma_semaphore, #tpu.memory_space<semaphore_mem>>) src(%arg10 : memref<128x128xf32, #tpu.memory_space<vmem>>) dst(%dma_wait3A_143 : memref<5248x128xf32, #tpu.memory_space<vmem_shared>>)
        tpu.yield
      }) : () -> ()
      %add3A_123 = arith.constant 3 : i32
      %add3A_124 = arith.addi %mul3A_98, %add3A_123 : i32
      %dma_start3A_125 = arith.constant 0 : i32
      %dma_start3A_126 = tpu.memref_slice %arg7[%add3A_124, %dma_start3A_125] : memref<160x128xi32, #tpu.memory_space<vmem>> -> memref<1x128xi32, #tpu.memory_space<vmem>>
      %dma_start3A_127 = tpu.memref_squeeze %dma_start3A_126 : memref<1x128xi32, #tpu.memory_space<vmem>> -> memref<128xi32, #tpu.memory_space<vmem>>
      %dma_start3A_128 = arith.constant 0 : i32
      %dma_start3A_129 = arith.constant 0 : i32
      %dma_start3A_130 = tpu.memref_slice %arg3[%dma_start3A_128, %dma_start3A_129] : memref<20000x128xf32, #tpu.memory_space<hbm>> -> memref<20000x128xf32, #tpu.memory_space<hbm>>
      tpu.enqueue_indirect_dma source(%dma_start3A_130 : memref<20000x128xf32, #tpu.memory_space<hbm>>) target(%arg10 : memref<128x128xf32, #tpu.memory_space<vmem>>) offsets(%dma_start3A_127 : memref<128xi32, #tpu.memory_space<vmem>>) semaphore(%arg13 : memref<!tpu.dma_semaphore, #tpu.memory_space<semaphore_mem>>)
    }
    %scan3A_71 = arith.constant 79 : i32
    %dma_wait3A_72 = arith.constant 158 : i32
    %dma_wait3A_73 = arith.constant 0 : i32
    %dma_wait3A_74 = tpu.memref_slice %arg7[%dma_wait3A_72, %dma_wait3A_73] : memref<160x128xi32, #tpu.memory_space<vmem>> -> memref<1x128xi32, #tpu.memory_space<vmem>>
    %dma_wait3A_75 = tpu.memref_squeeze %dma_wait3A_74 : memref<1x128xi32, #tpu.memory_space<vmem>> -> memref<128xi32, #tpu.memory_space<vmem>>
    %dma_wait3A_76 = arith.constant 0 : i32
    %dma_wait3A_77 = arith.constant 0 : i32
    %dma_wait3A_78 = tpu.memref_slice %arg3[%dma_wait3A_76, %dma_wait3A_77] : memref<20000x128xf32, #tpu.memory_space<hbm>> -> memref<20000x128xf32, #tpu.memory_space<hbm>>
    tpu.wait_indirect_dma semaphore(%arg12 : memref<!tpu.dma_semaphore, #tpu.memory_space<semaphore_mem>>) src(%dma_wait3A_78 : memref<20000x128xf32, #tpu.memory_space<hbm>>) dst(%arg9 : memref<128x128xf32, #tpu.memory_space<vmem>>)
    %run_scoped3A_79 = arith.constant 158 : i32
    "tpu.region"() ({
      %run_scoped3A_96 = tpu.sem_alloc : memref<!tpu.dma_semaphore, #tpu.memory_space<semaphore_mem>>
      %dma_start3A_97 = arith.constant 0 : i32
      %dma_start3A_98 = tpu.memref_slice %arg8[%run_scoped3A_79, %dma_start3A_97] : memref<160x128xi32, #tpu.memory_space<vmem>> -> memref<1x128xi32, #tpu.memory_space<vmem>>
      %dma_start3A_99 = tpu.memref_squeeze %dma_start3A_98 : memref<1x128xi32, #tpu.memory_space<vmem>> -> memref<128xi32, #tpu.memory_space<vmem>>
      %dma_start3A_100 = arith.constant 0 : i32
      %dma_start3A_101 = arith.constant 0 : i32
      %dma_start3A_102 = tpu.memref_slice %arg11[%dma_start3A_100, %dma_start3A_101] : memref<5248x128xf32, #tpu.memory_space<vmem_shared>> -> memref<5248x128xf32, #tpu.memory_space<vmem_shared>>
      tpu.enqueue_indirect_dma source(%arg9 : memref<128x128xf32, #tpu.memory_space<vmem>>) target(%dma_start3A_102 : memref<5248x128xf32, #tpu.memory_space<vmem_shared>>) offsets(%dma_start3A_99 : memref<128xi32, #tpu.memory_space<vmem>>) semaphore(%run_scoped3A_96 : memref<!tpu.dma_semaphore, #tpu.memory_space<semaphore_mem>>) {add = true}
      %dma_wait3A_103 = arith.constant 0 : i32
      %dma_wait3A_104 = tpu.memref_slice %arg8[%run_scoped3A_79, %dma_wait3A_103] : memref<160x128xi32, #tpu.memory_space<vmem>> -> memref<1x128xi32, #tpu.memory_space<vmem>>
      %dma_wait3A_105 = tpu.memref_squeeze %dma_wait3A_104 : memref<1x128xi32, #tpu.memory_space<vmem>> -> memref<128xi32, #tpu.memory_space<vmem>>
      %dma_wait3A_106 = arith.constant 0 : i32
      %dma_wait3A_107 = arith.constant 0 : i32
      %dma_wait3A_108 = tpu.memref_slice %arg11[%dma_wait3A_106, %dma_wait3A_107] : memref<5248x128xf32, #tpu.memory_space<vmem_shared>> -> memref<5248x128xf32, #tpu.memory_space<vmem_shared>>
      tpu.wait_indirect_dma semaphore(%run_scoped3A_96 : memref<!tpu.dma_semaphore, #tpu.memory_space<semaphore_mem>>) src(%arg9 : memref<128x128xf32, #tpu.memory_space<vmem>>) dst(%dma_wait3A_108 : memref<5248x128xf32, #tpu.memory_space<vmem_shared>>)
      tpu.yield
    }) : () -> ()
    %dma_wait3A_80 = arith.constant 159 : i32
    %dma_wait3A_81 = arith.constant 0 : i32
    %dma_wait3A_82 = tpu.memref_slice %arg7[%dma_wait3A_80, %dma_wait3A_81] : memref<160x128xi32, #tpu.memory_space<vmem>> -> memref<1x128xi32, #tpu.memory_space<vmem>>
    %dma_wait3A_83 = tpu.memref_squeeze %dma_wait3A_82 : memref<1x128xi32, #tpu.memory_space<vmem>> -> memref<128xi32, #tpu.memory_space<vmem>>
    %dma_wait3A_84 = arith.constant 0 : i32
    %dma_wait3A_85 = arith.constant 0 : i32
    %dma_wait3A_86 = tpu.memref_slice %arg3[%dma_wait3A_84, %dma_wait3A_85] : memref<20000x128xf32, #tpu.memory_space<hbm>> -> memref<20000x128xf32, #tpu.memory_space<hbm>>
    tpu.wait_indirect_dma semaphore(%arg13 : memref<!tpu.dma_semaphore, #tpu.memory_space<semaphore_mem>>) src(%dma_wait3A_86 : memref<20000x128xf32, #tpu.memory_space<hbm>>) dst(%arg10 : memref<128x128xf32, #tpu.memory_space<vmem>>)
    %run_scoped3A_87 = arith.constant 159 : i32
    "tpu.region"() ({
      %run_scoped3A_96 = tpu.sem_alloc : memref<!tpu.dma_semaphore, #tpu.memory_space<semaphore_mem>>
      %dma_start3A_97 = arith.constant 0 : i32
      %dma_start3A_98 = tpu.memref_slice %arg8[%run_scoped3A_87, %dma_start3A_97] : memref<160x128xi32, #tpu.memory_space<vmem>> -> memref<1x128xi32, #tpu.memory_space<vmem>>
      %dma_start3A_99 = tpu.memref_squeeze %dma_start3A_98 : memref<1x128xi32, #tpu.memory_space<vmem>> -> memref<128xi32, #tpu.memory_space<vmem>>
      %dma_start3A_100 = arith.constant 0 : i32
      %dma_start3A_101 = arith.constant 0 : i32
      %dma_start3A_102 = tpu.memref_slice %arg11[%dma_start3A_100, %dma_start3A_101] : memref<5248x128xf32, #tpu.memory_space<vmem_shared>> -> memref<5248x128xf32, #tpu.memory_space<vmem_shared>>
      tpu.enqueue_indirect_dma source(%arg10 : memref<128x128xf32, #tpu.memory_space<vmem>>) target(%dma_start3A_102 : memref<5248x128xf32, #tpu.memory_space<vmem_shared>>) offsets(%dma_start3A_99 : memref<128xi32, #tpu.memory_space<vmem>>) semaphore(%run_scoped3A_96 : memref<!tpu.dma_semaphore, #tpu.memory_space<semaphore_mem>>) {add = true}
      %dma_wait3A_103 = arith.constant 0 : i32
      %dma_wait3A_104 = tpu.memref_slice %arg8[%run_scoped3A_87, %dma_wait3A_103] : memref<160x128xi32, #tpu.memory_space<vmem>> -> memref<1x128xi32, #tpu.memory_space<vmem>>
      %dma_wait3A_105 = tpu.memref_squeeze %dma_wait3A_104 : memref<1x128xi32, #tpu.memory_space<vmem>> -> memref<128xi32, #tpu.memory_space<vmem>>
      %dma_wait3A_106 = arith.constant 0 : i32
      %dma_wait3A_107 = arith.constant 0 : i32
      %dma_wait3A_108 = tpu.memref_slice %arg11[%dma_wait3A_106, %dma_wait3A_107] : memref<5248x128xf32, #tpu.memory_space<vmem_shared>> -> memref<5248x128xf32, #tpu.memory_space<vmem_shared>>
      tpu.wait_indirect_dma semaphore(%run_scoped3A_96 : memref<!tpu.dma_semaphore, #tpu.memory_space<semaphore_mem>>) src(%arg10 : memref<128x128xf32, #tpu.memory_space<vmem>>) dst(%dma_wait3A_108 : memref<5248x128xf32, #tpu.memory_space<vmem_shared>>)
      tpu.yield
    }) : () -> ()
    %barrier3A_88 = arith.constant 0 : index
    tpu.barrier barrier_id(%barrier3A_88)
    %mul3A_89 = arith.constant 320 : i32
    %mul3A_90 = arith.muli %arg1, %mul3A_89 : i32
    %mul3A_91 = arith.constant 320 : i32
    %mul3A_92 = arith.muli %arg1, %mul3A_91 : i32
    %add3A_93 = arith.constant 5120 : i32
    %add3A_94 = arith.addi %add3A_93, %mul3A_92 : i32
    "tpu.region"() ({
      %run_scoped3A_96 = tpu.sem_alloc : memref<!tpu.dma_semaphore, #tpu.memory_space<semaphore_mem>>
      %dma_start3A_97 = arith.constant 0 : i32
      %dma_start3A_98 = tpu.memref_slice %arg6[%arg0, %add3A_94, %dma_start3A_97] : memref<2x10240x128xf32, #tpu.memory_space<hbm>> -> memref<1x320x128xf32, #tpu.memory_space<hbm>>
      %dma_start3A_99 = tpu.memref_squeeze %dma_start3A_98 : memref<1x320x128xf32, #tpu.memory_space<hbm>> -> memref<320x128xf32, #tpu.memory_space<hbm>>
      %dma_start3A_100 = arith.constant 0 : i32
      %dma_start3A_101 = tpu.memref_slice %arg11[%mul3A_90, %dma_start3A_100] : memref<5248x128xf32, #tpu.memory_space<vmem_shared>> -> memref<320x128xf32, #tpu.memory_space<vmem_shared>>
      tpu.enqueue_dma source(%dma_start3A_101 : memref<320x128xf32, #tpu.memory_space<vmem_shared>>) target(%dma_start3A_99 : memref<320x128xf32, #tpu.memory_space<hbm>>) target_semaphore(%run_scoped3A_96 : memref<!tpu.dma_semaphore, #tpu.memory_space<semaphore_mem>>)
      %dma_wait3A_102 = arith.constant 0 : i32
      %dma_wait3A_103 = tpu.memref_slice %arg6[%arg0, %add3A_94, %dma_wait3A_102] : memref<2x10240x128xf32, #tpu.memory_space<hbm>> -> memref<1x320x128xf32, #tpu.memory_space<hbm>>
      %dma_wait3A_104 = tpu.memref_squeeze %dma_wait3A_103 : memref<1x320x128xf32, #tpu.memory_space<hbm>> -> memref<320x128xf32, #tpu.memory_space<hbm>>
      %dma_wait3A_105 = arith.constant 0 : i32
      %dma_wait3A_106 = tpu.memref_slice %arg11[%mul3A_90, %dma_wait3A_105] : memref<5248x128xf32, #tpu.memory_space<vmem_shared>> -> memref<320x128xf32, #tpu.memory_space<vmem_shared>>
      tpu.wait_dma2 semaphore(%run_scoped3A_96 : memref<!tpu.dma_semaphore, #tpu.memory_space<semaphore_mem>>) src(%dma_wait3A_106 : memref<320x128xf32, #tpu.memory_space<vmem_shared>>) dst(%dma_wait3A_104 : memref<320x128xf32, #tpu.memory_space<hbm>>)
      tpu.yield
    }) : () -> ()
    %barrier3A_95 = arith.constant 0 : index
    tpu.barrier barrier_id(%barrier3A_95)
    return
  }
}

#map = affine_map<(d0, d1) -> (0, 0)>
#map1 = affine_map<(d0, d1) -> (0, 0, 0)>
#map2 = affine_map<(d0, d1) -> (0, 0, 0, 0)>
module attributes {stable_mosaic.version = 14 : i64} {
  func.func @_spmm_k(%arg0: i32, %arg1: i32, %arg2: memref<5248x128xf32, #tpu.memory_space<hbm>>, %arg3: memref<20000x128xf32, #tpu.memory_space<hbm>>, %arg4: memref<32x160x128xi32, #tpu.memory_space<hbm>>, %arg5: memref<2x16x160x128xi32, #tpu.memory_space<hbm>>, %arg6: memref<2x10240x128xf32, #tpu.memory_space<hbm>>, %arg7: memref<160x128xi32, #tpu.memory_space<vmem>>, %arg8: memref<160x128xi32, #tpu.memory_space<vmem>>, %arg9: memref<128x128xf32, #tpu.memory_space<vmem>>, %arg10: memref<128x128xf32, #tpu.memory_space<vmem>>, %arg11: memref<5248x128xf32, #tpu.memory_space<vmem_shared>>, %arg12: memref<!tpu.dma_semaphore, #tpu.memory_space<semaphore_mem>>, %arg13: memref<!tpu.dma_semaphore, #tpu.memory_space<semaphore_mem>>) attributes {dimension_semantics = [#tpu.dimension_semantics<core_parallel>, #tpu.dimension_semantics<subcore_parallel>], iteration_bounds = array<i64: 2, 16>, scalar_prefetch = 0 : i64, scratch_operands = 7 : i64, tpu.core_type = #tpu.core_type<sc_vector_subcore>, window_params = [{transform_indices = #map}, {transform_indices = #map}, {transform_indices = #map1}, {transform_indices = #map2}, {transform_indices = #map1}]} {
    %mul3A = arith.constant 16 : i32
    %mul3A_0 = arith.muli %arg0, %mul3A : i32
    %add3A = arith.addi %mul3A_0, %arg1 : i32
    "tpu.region"() ({
      %run_scoped3A_96 = tpu.sem_alloc : memref<!tpu.dma_semaphore, #tpu.memory_space<semaphore_mem>>
      %dma_start3A_97 = arith.constant 0 : i32
      %dma_start3A_98 = arith.constant 0 : i32
      %dma_start3A_99 = tpu.memref_slice %arg4[%add3A, %dma_start3A_97, %dma_start3A_98] : memref<32x160x128xi32, #tpu.memory_space<hbm>> -> memref<1x160x128xi32, #tpu.memory_space<hbm>>
      %dma_start3A_100 = tpu.memref_squeeze %dma_start3A_99 : memref<1x160x128xi32, #tpu.memory_space<hbm>> -> memref<160x128xi32, #tpu.memory_space<hbm>>
      %dma_start3A_101 = arith.constant 0 : i32
      %dma_start3A_102 = arith.constant 0 : i32
      %dma_start3A_103 = tpu.memref_slice %arg4[%add3A, %dma_start3A_101, %dma_start3A_102] : memref<32x160x128xi32, #tpu.memory_space<hbm>> -> memref<1x160x128xi32, #tpu.memory_space<hbm>>
      %dma_start3A_104 = tpu.memref_squeeze %dma_start3A_103 : memref<1x160x128xi32, #tpu.memory_space<hbm>> -> memref<160x128xi32, #tpu.memory_space<hbm>>
      tpu.enqueue_dma source(%dma_start3A_104 : memref<160x128xi32, #tpu.memory_space<hbm>>) target(%arg7 : memref<160x128xi32, #tpu.memory_space<vmem>>) target_semaphore(%run_scoped3A_96 : memref<!tpu.dma_semaphore, #tpu.memory_space<semaphore_mem>>)
      %dma_wait3A_105 = arith.constant 0 : i32
      %dma_wait3A_106 = arith.constant 0 : i32
      %dma_wait3A_107 = tpu.memref_slice %arg4[%add3A, %dma_wait3A_105, %dma_wait3A_106] : memref<32x160x128xi32, #tpu.memory_space<hbm>> -> memref<1x160x128xi32, #tpu.memory_space<hbm>>
      %dma_wait3A_108 = tpu.memref_squeeze %dma_wait3A_107 : memref<1x160x128xi32, #tpu.memory_space<hbm>> -> memref<160x128xi32, #tpu.memory_space<hbm>>
      %dma_wait3A_109 = arith.constant 0 : i32
      %dma_wait3A_110 = arith.constant 0 : i32
      %dma_wait3A_111 = tpu.memref_slice %arg4[%add3A, %dma_wait3A_109, %dma_wait3A_110] : memref<32x160x128xi32, #tpu.memory_space<hbm>> -> memref<1x160x128xi32, #tpu.memory_space<hbm>>
      %dma_wait3A_112 = tpu.memref_squeeze %dma_wait3A_111 : memref<1x160x128xi32, #tpu.memory_space<hbm>> -> memref<160x128xi32, #tpu.memory_space<hbm>>
      tpu.wait_dma2 semaphore(%run_scoped3A_96 : memref<!tpu.dma_semaphore, #tpu.memory_space<semaphore_mem>>) src(%dma_wait3A_112 : memref<160x128xi32, #tpu.memory_space<hbm>>) dst(%arg7 : memref<160x128xi32, #tpu.memory_space<vmem>>)
      tpu.yield
    }) : () -> ()
    %mul3A_1 = arith.constant 328 : i32
    %mul3A_2 = arith.muli %arg1, %mul3A_1 : i32
    %mul3A_3 = arith.constant 328 : i32
    %mul3A_4 = arith.muli %arg1, %mul3A_3 : i32
    "tpu.region"() ({
      %run_scoped3A_96 = tpu.sem_alloc : memref<!tpu.dma_semaphore, #tpu.memory_space<semaphore_mem>>
      %dma_start3A_97 = arith.constant 0 : i32
      %dma_start3A_98 = tpu.memref_slice %arg11[%mul3A_4, %dma_start3A_97] : memref<5248x128xf32, #tpu.memory_space<vmem_shared>> -> memref<328x128xf32, #tpu.memory_space<vmem_shared>>
      %dma_start3A_99 = arith.constant 0 : i32
      %dma_start3A_100 = tpu.memref_slice %arg2[%mul3A_2, %dma_start3A_99] : memref<5248x128xf32, #tpu.memory_space<hbm>> -> memref<328x128xf32, #tpu.memory_space<hbm>>
      tpu.enqueue_dma source(%dma_start3A_100 : memref<328x128xf32, #tpu.memory_space<hbm>>) target(%dma_start3A_98 : memref<328x128xf32, #tpu.memory_space<vmem_shared>>) target_semaphore(%run_scoped3A_96 : memref<!tpu.dma_semaphore, #tpu.memory_space<semaphore_mem>>)
      %dma_wait3A_101 = arith.constant 0 : i32
      %dma_wait3A_102 = tpu.memref_slice %arg11[%mul3A_4, %dma_wait3A_101] : memref<5248x128xf32, #tpu.memory_space<vmem_shared>> -> memref<328x128xf32, #tpu.memory_space<vmem_shared>>
      %dma_wait3A_103 = arith.constant 0 : i32
      %dma_wait3A_104 = tpu.memref_slice %arg2[%mul3A_2, %dma_wait3A_103] : memref<5248x128xf32, #tpu.memory_space<hbm>> -> memref<328x128xf32, #tpu.memory_space<hbm>>
      tpu.wait_dma2 semaphore(%run_scoped3A_96 : memref<!tpu.dma_semaphore, #tpu.memory_space<semaphore_mem>>) src(%dma_wait3A_104 : memref<328x128xf32, #tpu.memory_space<hbm>>) dst(%dma_wait3A_102 : memref<328x128xf32, #tpu.memory_space<vmem_shared>>)
      tpu.yield
    }) : () -> ()
    %run_scoped3A = arith.constant 0 : i32
    "tpu.region"() ({
      %run_scoped3A_96 = tpu.sem_alloc : memref<!tpu.dma_semaphore, #tpu.memory_space<semaphore_mem>>
      %dma_start3A_97 = arith.constant 0 : i32
      %dma_start3A_98 = arith.constant 0 : i32
      %dma_start3A_99 = tpu.memref_slice %arg5[%run_scoped3A, %arg1, %dma_start3A_97, %dma_start3A_98] : memref<2x16x160x128xi32, #tpu.memory_space<hbm>> -> memref<1x1x160x128xi32, #tpu.memory_space<hbm>>
      %dma_start3A_100 = tpu.memref_squeeze %dma_start3A_99 : memref<1x1x160x128xi32, #tpu.memory_space<hbm>> -> memref<160x128xi32, #tpu.memory_space<hbm>>
      %dma_start3A_101 = arith.constant 0 : i32
      %dma_start3A_102 = arith.constant 0 : i32
      %dma_start3A_103 = tpu.memref_slice %arg5[%run_scoped3A, %arg1, %dma_start3A_101, %dma_start3A_102] : memref<2x16x160x128xi32, #tpu.memory_space<hbm>> -> memref<1x1x160x128xi32, #tpu.memory_space<hbm>>
      %dma_start3A_104 = tpu.memref_squeeze %dma_start3A_103 : memref<1x1x160x128xi32, #tpu.memory_space<hbm>> -> memref<160x128xi32, #tpu.memory_space<hbm>>
      tpu.enqueue_dma source(%dma_start3A_104 : memref<160x128xi32, #tpu.memory_space<hbm>>) target(%arg8 : memref<160x128xi32, #tpu.memory_space<vmem>>) target_semaphore(%run_scoped3A_96 : memref<!tpu.dma_semaphore, #tpu.memory_space<semaphore_mem>>)
      %dma_wait3A_105 = arith.constant 0 : i32
      %dma_wait3A_106 = arith.constant 0 : i32
      %dma_wait3A_107 = tpu.memref_slice %arg5[%run_scoped3A, %arg1, %dma_wait3A_105, %dma_wait3A_106] : memref<2x16x160x128xi32, #tpu.memory_space<hbm>> -> memref<1x1x160x128xi32, #tpu.memory_space<hbm>>
      %dma_wait3A_108 = tpu.memref_squeeze %dma_wait3A_107 : memref<1x1x160x128xi32, #tpu.memory_space<hbm>> -> memref<160x128xi32, #tpu.memory_space<hbm>>
      %dma_wait3A_109 = arith.constant 0 : i32
      %dma_wait3A_110 = arith.constant 0 : i32
      %dma_wait3A_111 = tpu.memref_slice %arg5[%run_scoped3A, %arg1, %dma_wait3A_109, %dma_wait3A_110] : memref<2x16x160x128xi32, #tpu.memory_space<hbm>> -> memref<1x1x160x128xi32, #tpu.memory_space<hbm>>
      %dma_wait3A_112 = tpu.memref_squeeze %dma_wait3A_111 : memref<1x1x160x128xi32, #tpu.memory_space<hbm>> -> memref<160x128xi32, #tpu.memory_space<hbm>>
      tpu.wait_dma2 semaphore(%run_scoped3A_96 : memref<!tpu.dma_semaphore, #tpu.memory_space<semaphore_mem>>) src(%dma_wait3A_112 : memref<160x128xi32, #tpu.memory_space<hbm>>) dst(%arg8 : memref<160x128xi32, #tpu.memory_space<vmem>>)
      tpu.yield
    }) : () -> ()
    %barrier3A = arith.constant 0 : index
    tpu.barrier barrier_id(%barrier3A)
    %dma_start3A = arith.constant 0 : i32
    %dma_start3A_5 = arith.constant 0 : i32
    %dma_start3A_6 = tpu.memref_slice %arg7[%dma_start3A, %dma_start3A_5] : memref<160x128xi32, #tpu.memory_space<vmem>> -> memref<1x128xi32, #tpu.memory_space<vmem>>
    %dma_start3A_7 = tpu.memref_squeeze %dma_start3A_6 : memref<1x128xi32, #tpu.memory_space<vmem>> -> memref<128xi32, #tpu.memory_space<vmem>>
    %dma_start3A_8 = arith.constant 0 : i32
    %dma_start3A_9 = arith.constant 0 : i32
    %dma_start3A_10 = tpu.memref_slice %arg3[%dma_start3A_8, %dma_start3A_9] : memref<20000x128xf32, #tpu.memory_space<hbm>> -> memref<20000x128xf32, #tpu.memory_space<hbm>>
    tpu.enqueue_indirect_dma source(%dma_start3A_10 : memref<20000x128xf32, #tpu.memory_space<hbm>>) target(%arg9 : memref<128x128xf32, #tpu.memory_space<vmem>>) offsets(%dma_start3A_7 : memref<128xi32, #tpu.memory_space<vmem>>) semaphore(%arg12 : memref<!tpu.dma_semaphore, #tpu.memory_space<semaphore_mem>>)
    %dma_start3A_11 = arith.constant 1 : i32
    %dma_start3A_12 = arith.constant 0 : i32
    %dma_start3A_13 = tpu.memref_slice %arg7[%dma_start3A_11, %dma_start3A_12] : memref<160x128xi32, #tpu.memory_space<vmem>> -> memref<1x128xi32, #tpu.memory_space<vmem>>
    %dma_start3A_14 = tpu.memref_squeeze %dma_start3A_13 : memref<1x128xi32, #tpu.memory_space<vmem>> -> memref<128xi32, #tpu.memory_space<vmem>>
    %dma_start3A_15 = arith.constant 0 : i32
    %dma_start3A_16 = arith.constant 0 : i32
    %dma_start3A_17 = tpu.memref_slice %arg3[%dma_start3A_15, %dma_start3A_16] : memref<20000x128xf32, #tpu.memory_space<hbm>> -> memref<20000x128xf32, #tpu.memory_space<hbm>>
    tpu.enqueue_indirect_dma source(%dma_start3A_17 : memref<20000x128xf32, #tpu.memory_space<hbm>>) target(%arg10 : memref<128x128xf32, #tpu.memory_space<vmem>>) offsets(%dma_start3A_14 : memref<128xi32, #tpu.memory_space<vmem>>) semaphore(%arg13 : memref<!tpu.dma_semaphore, #tpu.memory_space<semaphore_mem>>)
    %scan3A = arith.constant 0 : i32
    %scan3A_18 = arith.constant 0 : i32
    %scan3A_19 = arith.constant 79 : i32
    %scan3A_20 = arith.addi %scan3A_18, %scan3A_19 : i32
    %scan3A_21 = arith.constant 1 : i32
    scf.for %scan3A_96 = %scan3A_18 to %scan3A_20 step %scan3A_21  : i32 {
      %mul3A_97 = arith.constant 2 : i32
      %mul3A_98 = arith.muli %scan3A_96, %mul3A_97 : i32
      %dma_wait3A_99 = arith.constant 0 : i32
      %dma_wait3A_100 = tpu.memref_slice %arg7[%mul3A_98, %dma_wait3A_99] : memref<160x128xi32, #tpu.memory_space<vmem>> -> memref<1x128xi32, #tpu.memory_space<vmem>>
      %dma_wait3A_101 = tpu.memref_squeeze %dma_wait3A_100 : memref<1x128xi32, #tpu.memory_space<vmem>> -> memref<128xi32, #tpu.memory_space<vmem>>
      %dma_wait3A_102 = arith.constant 0 : i32
      %dma_wait3A_103 = arith.constant 0 : i32
      %dma_wait3A_104 = tpu.memref_slice %arg3[%dma_wait3A_102, %dma_wait3A_103] : memref<20000x128xf32, #tpu.memory_space<hbm>> -> memref<20000x128xf32, #tpu.memory_space<hbm>>
      tpu.wait_indirect_dma semaphore(%arg12 : memref<!tpu.dma_semaphore, #tpu.memory_space<semaphore_mem>>) src(%dma_wait3A_104 : memref<20000x128xf32, #tpu.memory_space<hbm>>) dst(%arg9 : memref<128x128xf32, #tpu.memory_space<vmem>>)
      "tpu.region"() ({
        %run_scoped3A_131 = tpu.sem_alloc : memref<!tpu.dma_semaphore, #tpu.memory_space<semaphore_mem>>
        %dma_start3A_132 = arith.constant 0 : i32
        %dma_start3A_133 = tpu.memref_slice %arg8[%mul3A_98, %dma_start3A_132] : memref<160x128xi32, #tpu.memory_space<vmem>> -> memref<1x128xi32, #tpu.memory_space<vmem>>
        %dma_start3A_134 = tpu.memref_squeeze %dma_start3A_133 : memref<1x128xi32, #tpu.memory_space<vmem>> -> memref<128xi32, #tpu.memory_space<vmem>>
        %dma_start3A_135 = arith.constant 0 : i32
        %dma_start3A_136 = arith.constant 0 : i32
        %dma_start3A_137 = tpu.memref_slice %arg11[%dma_start3A_135, %dma_start3A_136] : memref<5248x128xf32, #tpu.memory_space<vmem_shared>> -> memref<5248x128xf32, #tpu.memory_space<vmem_shared>>
        tpu.enqueue_indirect_dma source(%arg9 : memref<128x128xf32, #tpu.memory_space<vmem>>) target(%dma_start3A_137 : memref<5248x128xf32, #tpu.memory_space<vmem_shared>>) offsets(%dma_start3A_134 : memref<128xi32, #tpu.memory_space<vmem>>) semaphore(%run_scoped3A_131 : memref<!tpu.dma_semaphore, #tpu.memory_space<semaphore_mem>>) {add = true}
        %dma_wait3A_138 = arith.constant 0 : i32
        %dma_wait3A_139 = tpu.memref_slice %arg8[%mul3A_98, %dma_wait3A_138] : memref<160x128xi32, #tpu.memory_space<vmem>> -> memref<1x128xi32, #tpu.memory_space<vmem>>
        %dma_wait3A_140 = tpu.memref_squeeze %dma_wait3A_139 : memref<1x128xi32, #tpu.memory_space<vmem>> -> memref<128xi32, #tpu.memory_space<vmem>>
        %dma_wait3A_141 = arith.constant 0 : i32
        %dma_wait3A_142 = arith.constant 0 : i32
        %dma_wait3A_143 = tpu.memref_slice %arg11[%dma_wait3A_141, %dma_wait3A_142] : memref<5248x128xf32, #tpu.memory_space<vmem_shared>> -> memref<5248x128xf32, #tpu.memory_space<vmem_shared>>
        tpu.wait_indirect_dma semaphore(%run_scoped3A_131 : memref<!tpu.dma_semaphore, #tpu.memory_space<semaphore_mem>>) src(%arg9 : memref<128x128xf32, #tpu.memory_space<vmem>>) dst(%dma_wait3A_143 : memref<5248x128xf32, #tpu.memory_space<vmem_shared>>)
        tpu.yield
      }) : () -> ()
      %add3A_105 = arith.constant 2 : i32
      %add3A_106 = arith.addi %mul3A_98, %add3A_105 : i32
      %dma_start3A_107 = arith.constant 0 : i32
      %dma_start3A_108 = tpu.memref_slice %arg7[%add3A_106, %dma_start3A_107] : memref<160x128xi32, #tpu.memory_space<vmem>> -> memref<1x128xi32, #tpu.memory_space<vmem>>
      %dma_start3A_109 = tpu.memref_squeeze %dma_start3A_108 : memref<1x128xi32, #tpu.memory_space<vmem>> -> memref<128xi32, #tpu.memory_space<vmem>>
      %dma_start3A_110 = arith.constant 0 : i32
      %dma_start3A_111 = arith.constant 0 : i32
      %dma_start3A_112 = tpu.memref_slice %arg3[%dma_start3A_110, %dma_start3A_111] : memref<20000x128xf32, #tpu.memory_space<hbm>> -> memref<20000x128xf32, #tpu.memory_space<hbm>>
      tpu.enqueue_indirect_dma source(%dma_start3A_112 : memref<20000x128xf32, #tpu.memory_space<hbm>>) target(%arg9 : memref<128x128xf32, #tpu.memory_space<vmem>>) offsets(%dma_start3A_109 : memref<128xi32, #tpu.memory_space<vmem>>) semaphore(%arg12 : memref<!tpu.dma_semaphore, #tpu.memory_space<semaphore_mem>>)
      %add3A_113 = arith.constant 1 : i32
      %add3A_114 = arith.addi %mul3A_98, %add3A_113 : i32
      %dma_wait3A_115 = arith.constant 0 : i32
      %dma_wait3A_116 = tpu.memref_slice %arg7[%add3A_114, %dma_wait3A_115] : memref<160x128xi32, #tpu.memory_space<vmem>> -> memref<1x128xi32, #tpu.memory_space<vmem>>
      %dma_wait3A_117 = tpu.memref_squeeze %dma_wait3A_116 : memref<1x128xi32, #tpu.memory_space<vmem>> -> memref<128xi32, #tpu.memory_space<vmem>>
      %dma_wait3A_118 = arith.constant 0 : i32
      %dma_wait3A_119 = arith.constant 0 : i32
      %dma_wait3A_120 = tpu.memref_slice %arg3[%dma_wait3A_118, %dma_wait3A_119] : memref<20000x128xf32, #tpu.memory_space<hbm>> -> memref<20000x128xf32, #tpu.memory_space<hbm>>
      tpu.wait_indirect_dma semaphore(%arg13 : memref<!tpu.dma_semaphore, #tpu.memory_space<semaphore_mem>>) src(%dma_wait3A_120 : memref<20000x128xf32, #tpu.memory_space<hbm>>) dst(%arg10 : memref<128x128xf32, #tpu.memory_space<vmem>>)
      %add3A_121 = arith.constant 1 : i32
      %add3A_122 = arith.addi %mul3A_98, %add3A_121 : i32
      "tpu.region"() ({
        %run_scoped3A_131 = tpu.sem_alloc : memref<!tpu.dma_semaphore, #tpu.memory_space<semaphore_mem>>
        %dma_start3A_132 = arith.constant 0 : i32
        %dma_start3A_133 = tpu.memref_slice %arg8[%add3A_122, %dma_start3A_132] : memref<160x128xi32, #tpu.memory_space<vmem>> -> memref<1x128xi32, #tpu.memory_space<vmem>>
        %dma_start3A_134 = tpu.memref_squeeze %dma_start3A_133 : memref<1x128xi32, #tpu.memory_space<vmem>> -> memref<128xi32, #tpu.memory_space<vmem>>
        %dma_start3A_135 = arith.constant 0 : i32
        %dma_start3A_136 = arith.constant 0 : i32
        %dma_start3A_137 = tpu.memref_slice %arg11[%dma_start3A_135, %dma_start3A_136] : memref<5248x128xf32, #tpu.memory_space<vmem_shared>> -> memref<5248x128xf32, #tpu.memory_space<vmem_shared>>
        tpu.enqueue_indirect_dma source(%arg10 : memref<128x128xf32, #tpu.memory_space<vmem>>) target(%dma_start3A_137 : memref<5248x128xf32, #tpu.memory_space<vmem_shared>>) offsets(%dma_start3A_134 : memref<128xi32, #tpu.memory_space<vmem>>) semaphore(%run_scoped3A_131 : memref<!tpu.dma_semaphore, #tpu.memory_space<semaphore_mem>>) {add = true}
        %dma_wait3A_138 = arith.constant 0 : i32
        %dma_wait3A_139 = tpu.memref_slice %arg8[%add3A_122, %dma_wait3A_138] : memref<160x128xi32, #tpu.memory_space<vmem>> -> memref<1x128xi32, #tpu.memory_space<vmem>>
        %dma_wait3A_140 = tpu.memref_squeeze %dma_wait3A_139 : memref<1x128xi32, #tpu.memory_space<vmem>> -> memref<128xi32, #tpu.memory_space<vmem>>
        %dma_wait3A_141 = arith.constant 0 : i32
        %dma_wait3A_142 = arith.constant 0 : i32
        %dma_wait3A_143 = tpu.memref_slice %arg11[%dma_wait3A_141, %dma_wait3A_142] : memref<5248x128xf32, #tpu.memory_space<vmem_shared>> -> memref<5248x128xf32, #tpu.memory_space<vmem_shared>>
        tpu.wait_indirect_dma semaphore(%run_scoped3A_131 : memref<!tpu.dma_semaphore, #tpu.memory_space<semaphore_mem>>) src(%arg10 : memref<128x128xf32, #tpu.memory_space<vmem>>) dst(%dma_wait3A_143 : memref<5248x128xf32, #tpu.memory_space<vmem_shared>>)
        tpu.yield
      }) : () -> ()
      %add3A_123 = arith.constant 3 : i32
      %add3A_124 = arith.addi %mul3A_98, %add3A_123 : i32
      %dma_start3A_125 = arith.constant 0 : i32
      %dma_start3A_126 = tpu.memref_slice %arg7[%add3A_124, %dma_start3A_125] : memref<160x128xi32, #tpu.memory_space<vmem>> -> memref<1x128xi32, #tpu.memory_space<vmem>>
      %dma_start3A_127 = tpu.memref_squeeze %dma_start3A_126 : memref<1x128xi32, #tpu.memory_space<vmem>> -> memref<128xi32, #tpu.memory_space<vmem>>
      %dma_start3A_128 = arith.constant 0 : i32
      %dma_start3A_129 = arith.constant 0 : i32
      %dma_start3A_130 = tpu.memref_slice %arg3[%dma_start3A_128, %dma_start3A_129] : memref<20000x128xf32, #tpu.memory_space<hbm>> -> memref<20000x128xf32, #tpu.memory_space<hbm>>
      tpu.enqueue_indirect_dma source(%dma_start3A_130 : memref<20000x128xf32, #tpu.memory_space<hbm>>) target(%arg10 : memref<128x128xf32, #tpu.memory_space<vmem>>) offsets(%dma_start3A_127 : memref<128xi32, #tpu.memory_space<vmem>>) semaphore(%arg13 : memref<!tpu.dma_semaphore, #tpu.memory_space<semaphore_mem>>)
    }
    %scan3A_22 = arith.constant 79 : i32
    %dma_wait3A = arith.constant 158 : i32
    %dma_wait3A_23 = arith.constant 0 : i32
    %dma_wait3A_24 = tpu.memref_slice %arg7[%dma_wait3A, %dma_wait3A_23] : memref<160x128xi32, #tpu.memory_space<vmem>> -> memref<1x128xi32, #tpu.memory_space<vmem>>
    %dma_wait3A_25 = tpu.memref_squeeze %dma_wait3A_24 : memref<1x128xi32, #tpu.memory_space<vmem>> -> memref<128xi32, #tpu.memory_space<vmem>>
    %dma_wait3A_26 = arith.constant 0 : i32
    %dma_wait3A_27 = arith.constant 0 : i32
    %dma_wait3A_28 = tpu.memref_slice %arg3[%dma_wait3A_26, %dma_wait3A_27] : memref<20000x128xf32, #tpu.memory_space<hbm>> -> memref<20000x128xf32, #tpu.memory_space<hbm>>
    tpu.wait_indirect_dma semaphore(%arg12 : memref<!tpu.dma_semaphore, #tpu.memory_space<semaphore_mem>>) src(%dma_wait3A_28 : memref<20000x128xf32, #tpu.memory_space<hbm>>) dst(%arg9 : memref<128x128xf32, #tpu.memory_space<vmem>>)
    %run_scoped3A_29 = arith.constant 158 : i32
    "tpu.region"() ({
      %run_scoped3A_96 = tpu.sem_alloc : memref<!tpu.dma_semaphore, #tpu.memory_space<semaphore_mem>>
      %dma_start3A_97 = arith.constant 0 : i32
      %dma_start3A_98 = tpu.memref_slice %arg8[%run_scoped3A_29, %dma_start3A_97] : memref<160x128xi32, #tpu.memory_space<vmem>> -> memref<1x128xi32, #tpu.memory_space<vmem>>
      %dma_start3A_99 = tpu.memref_squeeze %dma_start3A_98 : memref<1x128xi32, #tpu.memory_space<vmem>> -> memref<128xi32, #tpu.memory_space<vmem>>
      %dma_start3A_100 = arith.constant 0 : i32
      %dma_start3A_101 = arith.constant 0 : i32
      %dma_start3A_102 = tpu.memref_slice %arg11[%dma_start3A_100, %dma_start3A_101] : memref<5248x128xf32, #tpu.memory_space<vmem_shared>> -> memref<5248x128xf32, #tpu.memory_space<vmem_shared>>
      tpu.enqueue_indirect_dma source(%arg9 : memref<128x128xf32, #tpu.memory_space<vmem>>) target(%dma_start3A_102 : memref<5248x128xf32, #tpu.memory_space<vmem_shared>>) offsets(%dma_start3A_99 : memref<128xi32, #tpu.memory_space<vmem>>) semaphore(%run_scoped3A_96 : memref<!tpu.dma_semaphore, #tpu.memory_space<semaphore_mem>>) {add = true}
      %dma_wait3A_103 = arith.constant 0 : i32
      %dma_wait3A_104 = tpu.memref_slice %arg8[%run_scoped3A_29, %dma_wait3A_103] : memref<160x128xi32, #tpu.memory_space<vmem>> -> memref<1x128xi32, #tpu.memory_space<vmem>>
      %dma_wait3A_105 = tpu.memref_squeeze %dma_wait3A_104 : memref<1x128xi32, #tpu.memory_space<vmem>> -> memref<128xi32, #tpu.memory_space<vmem>>
      %dma_wait3A_106 = arith.constant 0 : i32
      %dma_wait3A_107 = arith.constant 0 : i32
      %dma_wait3A_108 = tpu.memref_slice %arg11[%dma_wait3A_106, %dma_wait3A_107] : memref<5248x128xf32, #tpu.memory_space<vmem_shared>> -> memref<5248x128xf32, #tpu.memory_space<vmem_shared>>
      tpu.wait_indirect_dma semaphore(%run_scoped3A_96 : memref<!tpu.dma_semaphore, #tpu.memory_space<semaphore_mem>>) src(%arg9 : memref<128x128xf32, #tpu.memory_space<vmem>>) dst(%dma_wait3A_108 : memref<5248x128xf32, #tpu.memory_space<vmem_shared>>)
      tpu.yield
    }) : () -> ()
    %dma_wait3A_30 = arith.constant 159 : i32
    %dma_wait3A_31 = arith.constant 0 : i32
    %dma_wait3A_32 = tpu.memref_slice %arg7[%dma_wait3A_30, %dma_wait3A_31] : memref<160x128xi32, #tpu.memory_space<vmem>> -> memref<1x128xi32, #tpu.memory_space<vmem>>
    %dma_wait3A_33 = tpu.memref_squeeze %dma_wait3A_32 : memref<1x128xi32, #tpu.memory_space<vmem>> -> memref<128xi32, #tpu.memory_space<vmem>>
    %dma_wait3A_34 = arith.constant 0 : i32
    %dma_wait3A_35 = arith.constant 0 : i32
    %dma_wait3A_36 = tpu.memref_slice %arg3[%dma_wait3A_34, %dma_wait3A_35] : memref<20000x128xf32, #tpu.memory_space<hbm>> -> memref<20000x128xf32, #tpu.memory_space<hbm>>
    tpu.wait_indirect_dma semaphore(%arg13 : memref<!tpu.dma_semaphore, #tpu.memory_space<semaphore_mem>>) src(%dma_wait3A_36 : memref<20000x128xf32, #tpu.memory_space<hbm>>) dst(%arg10 : memref<128x128xf32, #tpu.memory_space<vmem>>)
    %run_scoped3A_37 = arith.constant 159 : i32
    "tpu.region"() ({
      %run_scoped3A_96 = tpu.sem_alloc : memref<!tpu.dma_semaphore, #tpu.memory_space<semaphore_mem>>
      %dma_start3A_97 = arith.constant 0 : i32
      %dma_start3A_98 = tpu.memref_slice %arg8[%run_scoped3A_37, %dma_start3A_97] : memref<160x128xi32, #tpu.memory_space<vmem>> -> memref<1x128xi32, #tpu.memory_space<vmem>>
      %dma_start3A_99 = tpu.memref_squeeze %dma_start3A_98 : memref<1x128xi32, #tpu.memory_space<vmem>> -> memref<128xi32, #tpu.memory_space<vmem>>
      %dma_start3A_100 = arith.constant 0 : i32
      %dma_start3A_101 = arith.constant 0 : i32
      %dma_start3A_102 = tpu.memref_slice %arg11[%dma_start3A_100, %dma_start3A_101] : memref<5248x128xf32, #tpu.memory_space<vmem_shared>> -> memref<5248x128xf32, #tpu.memory_space<vmem_shared>>
      tpu.enqueue_indirect_dma source(%arg10 : memref<128x128xf32, #tpu.memory_space<vmem>>) target(%dma_start3A_102 : memref<5248x128xf32, #tpu.memory_space<vmem_shared>>) offsets(%dma_start3A_99 : memref<128xi32, #tpu.memory_space<vmem>>) semaphore(%run_scoped3A_96 : memref<!tpu.dma_semaphore, #tpu.memory_space<semaphore_mem>>) {add = true}
      %dma_wait3A_103 = arith.constant 0 : i32
      %dma_wait3A_104 = tpu.memref_slice %arg8[%run_scoped3A_37, %dma_wait3A_103] : memref<160x128xi32, #tpu.memory_space<vmem>> -> memref<1x128xi32, #tpu.memory_space<vmem>>
      %dma_wait3A_105 = tpu.memref_squeeze %dma_wait3A_104 : memref<1x128xi32, #tpu.memory_space<vmem>> -> memref<128xi32, #tpu.memory_space<vmem>>
      %dma_wait3A_106 = arith.constant 0 : i32
      %dma_wait3A_107 = arith.constant 0 : i32
      %dma_wait3A_108 = tpu.memref_slice %arg11[%dma_wait3A_106, %dma_wait3A_107] : memref<5248x128xf32, #tpu.memory_space<vmem_shared>> -> memref<5248x128xf32, #tpu.memory_space<vmem_shared>>
      tpu.wait_indirect_dma semaphore(%run_scoped3A_96 : memref<!tpu.dma_semaphore, #tpu.memory_space<semaphore_mem>>) src(%arg10 : memref<128x128xf32, #tpu.memory_space<vmem>>) dst(%dma_wait3A_108 : memref<5248x128xf32, #tpu.memory_space<vmem_shared>>)
      tpu.yield
    }) : () -> ()
    %barrier3A_38 = arith.constant 0 : index
    tpu.barrier barrier_id(%barrier3A_38)
    %mul3A_39 = arith.constant 320 : i32
    %mul3A_40 = arith.muli %arg1, %mul3A_39 : i32
    %mul3A_41 = arith.constant 320 : i32
    %mul3A_42 = arith.muli %arg1, %mul3A_41 : i32
    %add3A_43 = arith.constant 0 : i32
    %add3A_44 = arith.addi %add3A_43, %mul3A_42 : i32
    "tpu.region"() ({
      %run_scoped3A_96 = tpu.sem_alloc : memref<!tpu.dma_semaphore, #tpu.memory_space<semaphore_mem>>
      %dma_start3A_97 = arith.constant 0 : i32
      %dma_start3A_98 = tpu.memref_slice %arg6[%arg0, %add3A_44, %dma_start3A_97] : memref<2x10240x128xf32, #tpu.memory_space<hbm>> -> memref<1x320x128xf32, #tpu.memory_space<hbm>>
      %dma_start3A_99 = tpu.memref_squeeze %dma_start3A_98 : memref<1x320x128xf32, #tpu.memory_space<hbm>> -> memref<320x128xf32, #tpu.memory_space<hbm>>
      %dma_start3A_100 = arith.constant 0 : i32
      %dma_start3A_101 = tpu.memref_slice %arg11[%mul3A_40, %dma_start3A_100] : memref<5248x128xf32, #tpu.memory_space<vmem_shared>> -> memref<320x128xf32, #tpu.memory_space<vmem_shared>>
      tpu.enqueue_dma source(%dma_start3A_101 : memref<320x128xf32, #tpu.memory_space<vmem_shared>>) target(%dma_start3A_99 : memref<320x128xf32, #tpu.memory_space<hbm>>) target_semaphore(%run_scoped3A_96 : memref<!tpu.dma_semaphore, #tpu.memory_space<semaphore_mem>>)
      %dma_wait3A_102 = arith.constant 0 : i32
      %dma_wait3A_103 = tpu.memref_slice %arg6[%arg0, %add3A_44, %dma_wait3A_102] : memref<2x10240x128xf32, #tpu.memory_space<hbm>> -> memref<1x320x128xf32, #tpu.memory_space<hbm>>
      %dma_wait3A_104 = tpu.memref_squeeze %dma_wait3A_103 : memref<1x320x128xf32, #tpu.memory_space<hbm>> -> memref<320x128xf32, #tpu.memory_space<hbm>>
      %dma_wait3A_105 = arith.constant 0 : i32
      %dma_wait3A_106 = tpu.memref_slice %arg11[%mul3A_40, %dma_wait3A_105] : memref<5248x128xf32, #tpu.memory_space<vmem_shared>> -> memref<320x128xf32, #tpu.memory_space<vmem_shared>>
      tpu.wait_dma2 semaphore(%run_scoped3A_96 : memref<!tpu.dma_semaphore, #tpu.memory_space<semaphore_mem>>) src(%dma_wait3A_106 : memref<320x128xf32, #tpu.memory_space<vmem_shared>>) dst(%dma_wait3A_104 : memref<320x128xf32, #tpu.memory_space<hbm>>)
      tpu.yield
    }) : () -> ()
    %barrier3A_45 = arith.constant 0 : index
    tpu.barrier barrier_id(%barrier3A_45)
    %mul3A_46 = arith.constant 328 : i32
    %mul3A_47 = arith.muli %arg1, %mul3A_46 : i32
    %mul3A_48 = arith.constant 328 : i32
    %mul3A_49 = arith.muli %arg1, %mul3A_48 : i32
    "tpu.region"() ({
      %run_scoped3A_96 = tpu.sem_alloc : memref<!tpu.dma_semaphore, #tpu.memory_space<semaphore_mem>>
      %dma_start3A_97 = arith.constant 0 : i32
      %dma_start3A_98 = tpu.memref_slice %arg11[%mul3A_49, %dma_start3A_97] : memref<5248x128xf32, #tpu.memory_space<vmem_shared>> -> memref<328x128xf32, #tpu.memory_space<vmem_shared>>
      %dma_start3A_99 = arith.constant 0 : i32
      %dma_start3A_100 = tpu.memref_slice %arg2[%mul3A_47, %dma_start3A_99] : memref<5248x128xf32, #tpu.memory_space<hbm>> -> memref<328x128xf32, #tpu.memory_space<hbm>>
      tpu.enqueue_dma source(%dma_start3A_100 : memref<328x128xf32, #tpu.memory_space<hbm>>) target(%dma_start3A_98 : memref<328x128xf32, #tpu.memory_space<vmem_shared>>) target_semaphore(%run_scoped3A_96 : memref<!tpu.dma_semaphore, #tpu.memory_space<semaphore_mem>>)
      %dma_wait3A_101 = arith.constant 0 : i32
      %dma_wait3A_102 = tpu.memref_slice %arg11[%mul3A_49, %dma_wait3A_101] : memref<5248x128xf32, #tpu.memory_space<vmem_shared>> -> memref<328x128xf32, #tpu.memory_space<vmem_shared>>
      %dma_wait3A_103 = arith.constant 0 : i32
      %dma_wait3A_104 = tpu.memref_slice %arg2[%mul3A_47, %dma_wait3A_103] : memref<5248x128xf32, #tpu.memory_space<hbm>> -> memref<328x128xf32, #tpu.memory_space<hbm>>
      tpu.wait_dma2 semaphore(%run_scoped3A_96 : memref<!tpu.dma_semaphore, #tpu.memory_space<semaphore_mem>>) src(%dma_wait3A_104 : memref<328x128xf32, #tpu.memory_space<hbm>>) dst(%dma_wait3A_102 : memref<328x128xf32, #tpu.memory_space<vmem_shared>>)
      tpu.yield
    }) : () -> ()
    %run_scoped3A_50 = arith.constant 1 : i32
    "tpu.region"() ({
      %run_scoped3A_96 = tpu.sem_alloc : memref<!tpu.dma_semaphore, #tpu.memory_space<semaphore_mem>>
      %dma_start3A_97 = arith.constant 0 : i32
      %dma_start3A_98 = arith.constant 0 : i32
      %dma_start3A_99 = tpu.memref_slice %arg5[%run_scoped3A_50, %arg1, %dma_start3A_97, %dma_start3A_98] : memref<2x16x160x128xi32, #tpu.memory_space<hbm>> -> memref<1x1x160x128xi32, #tpu.memory_space<hbm>>
      %dma_start3A_100 = tpu.memref_squeeze %dma_start3A_99 : memref<1x1x160x128xi32, #tpu.memory_space<hbm>> -> memref<160x128xi32, #tpu.memory_space<hbm>>
      %dma_start3A_101 = arith.constant 0 : i32
      %dma_start3A_102 = arith.constant 0 : i32
      %dma_start3A_103 = tpu.memref_slice %arg5[%run_scoped3A_50, %arg1, %dma_start3A_101, %dma_start3A_102] : memref<2x16x160x128xi32, #tpu.memory_space<hbm>> -> memref<1x1x160x128xi32, #tpu.memory_space<hbm>>
      %dma_start3A_104 = tpu.memref_squeeze %dma_start3A_103 : memref<1x1x160x128xi32, #tpu.memory_space<hbm>> -> memref<160x128xi32, #tpu.memory_space<hbm>>
      tpu.enqueue_dma source(%dma_start3A_104 : memref<160x128xi32, #tpu.memory_space<hbm>>) target(%arg8 : memref<160x128xi32, #tpu.memory_space<vmem>>) target_semaphore(%run_scoped3A_96 : memref<!tpu.dma_semaphore, #tpu.memory_space<semaphore_mem>>)
      %dma_wait3A_105 = arith.constant 0 : i32
      %dma_wait3A_106 = arith.constant 0 : i32
      %dma_wait3A_107 = tpu.memref_slice %arg5[%run_scoped3A_50, %arg1, %dma_wait3A_105, %dma_wait3A_106] : memref<2x16x160x128xi32, #tpu.memory_space<hbm>> -> memref<1x1x160x128xi32, #tpu.memory_space<hbm>>
      %dma_wait3A_108 = tpu.memref_squeeze %dma_wait3A_107 : memref<1x1x160x128xi32, #tpu.memory_space<hbm>> -> memref<160x128xi32, #tpu.memory_space<hbm>>
      %dma_wait3A_109 = arith.constant 0 : i32
      %dma_wait3A_110 = arith.constant 0 : i32
      %dma_wait3A_111 = tpu.memref_slice %arg5[%run_scoped3A_50, %arg1, %dma_wait3A_109, %dma_wait3A_110] : memref<2x16x160x128xi32, #tpu.memory_space<hbm>> -> memref<1x1x160x128xi32, #tpu.memory_space<hbm>>
      %dma_wait3A_112 = tpu.memref_squeeze %dma_wait3A_111 : memref<1x1x160x128xi32, #tpu.memory_space<hbm>> -> memref<160x128xi32, #tpu.memory_space<hbm>>
      tpu.wait_dma2 semaphore(%run_scoped3A_96 : memref<!tpu.dma_semaphore, #tpu.memory_space<semaphore_mem>>) src(%dma_wait3A_112 : memref<160x128xi32, #tpu.memory_space<hbm>>) dst(%arg8 : memref<160x128xi32, #tpu.memory_space<vmem>>)
      tpu.yield
    }) : () -> ()
    %barrier3A_51 = arith.constant 0 : index
    tpu.barrier barrier_id(%barrier3A_51)
    %dma_start3A_52 = arith.constant 0 : i32
    %dma_start3A_53 = arith.constant 0 : i32
    %dma_start3A_54 = tpu.memref_slice %arg7[%dma_start3A_52, %dma_start3A_53] : memref<160x128xi32, #tpu.memory_space<vmem>> -> memref<1x128xi32, #tpu.memory_space<vmem>>
    %dma_start3A_55 = tpu.memref_squeeze %dma_start3A_54 : memref<1x128xi32, #tpu.memory_space<vmem>> -> memref<128xi32, #tpu.memory_space<vmem>>
    %dma_start3A_56 = arith.constant 0 : i32
    %dma_start3A_57 = arith.constant 0 : i32
    %dma_start3A_58 = tpu.memref_slice %arg3[%dma_start3A_56, %dma_start3A_57] : memref<20000x128xf32, #tpu.memory_space<hbm>> -> memref<20000x128xf32, #tpu.memory_space<hbm>>
    tpu.enqueue_indirect_dma source(%dma_start3A_58 : memref<20000x128xf32, #tpu.memory_space<hbm>>) target(%arg9 : memref<128x128xf32, #tpu.memory_space<vmem>>) offsets(%dma_start3A_55 : memref<128xi32, #tpu.memory_space<vmem>>) semaphore(%arg12 : memref<!tpu.dma_semaphore, #tpu.memory_space<semaphore_mem>>)
    %dma_start3A_59 = arith.constant 1 : i32
    %dma_start3A_60 = arith.constant 0 : i32
    %dma_start3A_61 = tpu.memref_slice %arg7[%dma_start3A_59, %dma_start3A_60] : memref<160x128xi32, #tpu.memory_space<vmem>> -> memref<1x128xi32, #tpu.memory_space<vmem>>
    %dma_start3A_62 = tpu.memref_squeeze %dma_start3A_61 : memref<1x128xi32, #tpu.memory_space<vmem>> -> memref<128xi32, #tpu.memory_space<vmem>>
    %dma_start3A_63 = arith.constant 0 : i32
    %dma_start3A_64 = arith.constant 0 : i32
    %dma_start3A_65 = tpu.memref_slice %arg3[%dma_start3A_63, %dma_start3A_64] : memref<20000x128xf32, #tpu.memory_space<hbm>> -> memref<20000x128xf32, #tpu.memory_space<hbm>>
    tpu.enqueue_indirect_dma source(%dma_start3A_65 : memref<20000x128xf32, #tpu.memory_space<hbm>>) target(%arg10 : memref<128x128xf32, #tpu.memory_space<vmem>>) offsets(%dma_start3A_62 : memref<128xi32, #tpu.memory_space<vmem>>) semaphore(%arg13 : memref<!tpu.dma_semaphore, #tpu.memory_space<semaphore_mem>>)
    %scan3A_66 = arith.constant 0 : i32
    %scan3A_67 = arith.constant 0 : i32
    %scan3A_68 = arith.constant 79 : i32
    %scan3A_69 = arith.addi %scan3A_67, %scan3A_68 : i32
    %scan3A_70 = arith.constant 1 : i32
    scf.for %scan3A_96 = %scan3A_67 to %scan3A_69 step %scan3A_70  : i32 {
      %mul3A_97 = arith.constant 2 : i32
      %mul3A_98 = arith.muli %scan3A_96, %mul3A_97 : i32
      %dma_wait3A_99 = arith.constant 0 : i32
      %dma_wait3A_100 = tpu.memref_slice %arg7[%mul3A_98, %dma_wait3A_99] : memref<160x128xi32, #tpu.memory_space<vmem>> -> memref<1x128xi32, #tpu.memory_space<vmem>>
      %dma_wait3A_101 = tpu.memref_squeeze %dma_wait3A_100 : memref<1x128xi32, #tpu.memory_space<vmem>> -> memref<128xi32, #tpu.memory_space<vmem>>
      %dma_wait3A_102 = arith.constant 0 : i32
      %dma_wait3A_103 = arith.constant 0 : i32
      %dma_wait3A_104 = tpu.memref_slice %arg3[%dma_wait3A_102, %dma_wait3A_103] : memref<20000x128xf32, #tpu.memory_space<hbm>> -> memref<20000x128xf32, #tpu.memory_space<hbm>>
      tpu.wait_indirect_dma semaphore(%arg12 : memref<!tpu.dma_semaphore, #tpu.memory_space<semaphore_mem>>) src(%dma_wait3A_104 : memref<20000x128xf32, #tpu.memory_space<hbm>>) dst(%arg9 : memref<128x128xf32, #tpu.memory_space<vmem>>)
      "tpu.region"() ({
        %run_scoped3A_131 = tpu.sem_alloc : memref<!tpu.dma_semaphore, #tpu.memory_space<semaphore_mem>>
        %dma_start3A_132 = arith.constant 0 : i32
        %dma_start3A_133 = tpu.memref_slice %arg8[%mul3A_98, %dma_start3A_132] : memref<160x128xi32, #tpu.memory_space<vmem>> -> memref<1x128xi32, #tpu.memory_space<vmem>>
        %dma_start3A_134 = tpu.memref_squeeze %dma_start3A_133 : memref<1x128xi32, #tpu.memory_space<vmem>> -> memref<128xi32, #tpu.memory_space<vmem>>
        %dma_start3A_135 = arith.constant 0 : i32
        %dma_start3A_136 = arith.constant 0 : i32
        %dma_start3A_137 = tpu.memref_slice %arg11[%dma_start3A_135, %dma_start3A_136] : memref<5248x128xf32, #tpu.memory_space<vmem_shared>> -> memref<5248x128xf32, #tpu.memory_space<vmem_shared>>
        tpu.enqueue_indirect_dma source(%arg9 : memref<128x128xf32, #tpu.memory_space<vmem>>) target(%dma_start3A_137 : memref<5248x128xf32, #tpu.memory_space<vmem_shared>>) offsets(%dma_start3A_134 : memref<128xi32, #tpu.memory_space<vmem>>) semaphore(%run_scoped3A_131 : memref<!tpu.dma_semaphore, #tpu.memory_space<semaphore_mem>>) {add = true}
        %dma_wait3A_138 = arith.constant 0 : i32
        %dma_wait3A_139 = tpu.memref_slice %arg8[%mul3A_98, %dma_wait3A_138] : memref<160x128xi32, #tpu.memory_space<vmem>> -> memref<1x128xi32, #tpu.memory_space<vmem>>
        %dma_wait3A_140 = tpu.memref_squeeze %dma_wait3A_139 : memref<1x128xi32, #tpu.memory_space<vmem>> -> memref<128xi32, #tpu.memory_space<vmem>>
        %dma_wait3A_141 = arith.constant 0 : i32
        %dma_wait3A_142 = arith.constant 0 : i32
        %dma_wait3A_143 = tpu.memref_slice %arg11[%dma_wait3A_141, %dma_wait3A_142] : memref<5248x128xf32, #tpu.memory_space<vmem_shared>> -> memref<5248x128xf32, #tpu.memory_space<vmem_shared>>
        tpu.wait_indirect_dma semaphore(%run_scoped3A_131 : memref<!tpu.dma_semaphore, #tpu.memory_space<semaphore_mem>>) src(%arg9 : memref<128x128xf32, #tpu.memory_space<vmem>>) dst(%dma_wait3A_143 : memref<5248x128xf32, #tpu.memory_space<vmem_shared>>)
        tpu.yield
      }) : () -> ()
      %add3A_105 = arith.constant 2 : i32
      %add3A_106 = arith.addi %mul3A_98, %add3A_105 : i32
      %dma_start3A_107 = arith.constant 0 : i32
      %dma_start3A_108 = tpu.memref_slice %arg7[%add3A_106, %dma_start3A_107] : memref<160x128xi32, #tpu.memory_space<vmem>> -> memref<1x128xi32, #tpu.memory_space<vmem>>
      %dma_start3A_109 = tpu.memref_squeeze %dma_start3A_108 : memref<1x128xi32, #tpu.memory_space<vmem>> -> memref<128xi32, #tpu.memory_space<vmem>>
      %dma_start3A_110 = arith.constant 0 : i32
      %dma_start3A_111 = arith.constant 0 : i32
      %dma_start3A_112 = tpu.memref_slice %arg3[%dma_start3A_110, %dma_start3A_111] : memref<20000x128xf32, #tpu.memory_space<hbm>> -> memref<20000x128xf32, #tpu.memory_space<hbm>>
      tpu.enqueue_indirect_dma source(%dma_start3A_112 : memref<20000x128xf32, #tpu.memory_space<hbm>>) target(%arg9 : memref<128x128xf32, #tpu.memory_space<vmem>>) offsets(%dma_start3A_109 : memref<128xi32, #tpu.memory_space<vmem>>) semaphore(%arg12 : memref<!tpu.dma_semaphore, #tpu.memory_space<semaphore_mem>>)
      %add3A_113 = arith.constant 1 : i32
      %add3A_114 = arith.addi %mul3A_98, %add3A_113 : i32
      %dma_wait3A_115 = arith.constant 0 : i32
      %dma_wait3A_116 = tpu.memref_slice %arg7[%add3A_114, %dma_wait3A_115] : memref<160x128xi32, #tpu.memory_space<vmem>> -> memref<1x128xi32, #tpu.memory_space<vmem>>
      %dma_wait3A_117 = tpu.memref_squeeze %dma_wait3A_116 : memref<1x128xi32, #tpu.memory_space<vmem>> -> memref<128xi32, #tpu.memory_space<vmem>>
      %dma_wait3A_118 = arith.constant 0 : i32
      %dma_wait3A_119 = arith.constant 0 : i32
      %dma_wait3A_120 = tpu.memref_slice %arg3[%dma_wait3A_118, %dma_wait3A_119] : memref<20000x128xf32, #tpu.memory_space<hbm>> -> memref<20000x128xf32, #tpu.memory_space<hbm>>
      tpu.wait_indirect_dma semaphore(%arg13 : memref<!tpu.dma_semaphore, #tpu.memory_space<semaphore_mem>>) src(%dma_wait3A_120 : memref<20000x128xf32, #tpu.memory_space<hbm>>) dst(%arg10 : memref<128x128xf32, #tpu.memory_space<vmem>>)
      %add3A_121 = arith.constant 1 : i32
      %add3A_122 = arith.addi %mul3A_98, %add3A_121 : i32
      "tpu.region"() ({
        %run_scoped3A_131 = tpu.sem_alloc : memref<!tpu.dma_semaphore, #tpu.memory_space<semaphore_mem>>
        %dma_start3A_132 = arith.constant 0 : i32
        %dma_start3A_133 = tpu.memref_slice %arg8[%add3A_122, %dma_start3A_132] : memref<160x128xi32, #tpu.memory_space<vmem>> -> memref<1x128xi32, #tpu.memory_space<vmem>>
        %dma_start3A_134 = tpu.memref_squeeze %dma_start3A_133 : memref<1x128xi32, #tpu.memory_space<vmem>> -> memref<128xi32, #tpu.memory_space<vmem>>
        %dma_start3A_135 = arith.constant 0 : i32
        %dma_start3A_136 = arith.constant 0 : i32
        %dma_start3A_137 = tpu.memref_slice %arg11[%dma_start3A_135, %dma_start3A_136] : memref<5248x128xf32, #tpu.memory_space<vmem_shared>> -> memref<5248x128xf32, #tpu.memory_space<vmem_shared>>
        tpu.enqueue_indirect_dma source(%arg10 : memref<128x128xf32, #tpu.memory_space<vmem>>) target(%dma_start3A_137 : memref<5248x128xf32, #tpu.memory_space<vmem_shared>>) offsets(%dma_start3A_134 : memref<128xi32, #tpu.memory_space<vmem>>) semaphore(%run_scoped3A_131 : memref<!tpu.dma_semaphore, #tpu.memory_space<semaphore_mem>>) {add = true}
        %dma_wait3A_138 = arith.constant 0 : i32
        %dma_wait3A_139 = tpu.memref_slice %arg8[%add3A_122, %dma_wait3A_138] : memref<160x128xi32, #tpu.memory_space<vmem>> -> memref<1x128xi32, #tpu.memory_space<vmem>>
        %dma_wait3A_140 = tpu.memref_squeeze %dma_wait3A_139 : memref<1x128xi32, #tpu.memory_space<vmem>> -> memref<128xi32, #tpu.memory_space<vmem>>
        %dma_wait3A_141 = arith.constant 0 : i32
        %dma_wait3A_142 = arith.constant 0 : i32
        %dma_wait3A_143 = tpu.memref_slice %arg11[%dma_wait3A_141, %dma_wait3A_142] : memref<5248x128xf32, #tpu.memory_space<vmem_shared>> -> memref<5248x128xf32, #tpu.memory_space<vmem_shared>>
        tpu.wait_indirect_dma semaphore(%run_scoped3A_131 : memref<!tpu.dma_semaphore, #tpu.memory_space<semaphore_mem>>) src(%arg10 : memref<128x128xf32, #tpu.memory_space<vmem>>) dst(%dma_wait3A_143 : memref<5248x128xf32, #tpu.memory_space<vmem_shared>>)
        tpu.yield
      }) : () -> ()
      %add3A_123 = arith.constant 3 : i32
      %add3A_124 = arith.addi %mul3A_98, %add3A_123 : i32
      %dma_start3A_125 = arith.constant 0 : i32
      %dma_start3A_126 = tpu.memref_slice %arg7[%add3A_124, %dma_start3A_125] : memref<160x128xi32, #tpu.memory_space<vmem>> -> memref<1x128xi32, #tpu.memory_space<vmem>>
      %dma_start3A_127 = tpu.memref_squeeze %dma_start3A_126 : memref<1x128xi32, #tpu.memory_space<vmem>> -> memref<128xi32, #tpu.memory_space<vmem>>
      %dma_start3A_128 = arith.constant 0 : i32
      %dma_start3A_129 = arith.constant 0 : i32
      %dma_start3A_130 = tpu.memref_slice %arg3[%dma_start3A_128, %dma_start3A_129] : memref<20000x128xf32, #tpu.memory_space<hbm>> -> memref<20000x128xf32, #tpu.memory_space<hbm>>
      tpu.enqueue_indirect_dma source(%dma_start3A_130 : memref<20000x128xf32, #tpu.memory_space<hbm>>) target(%arg10 : memref<128x128xf32, #tpu.memory_space<vmem>>) offsets(%dma_start3A_127 : memref<128xi32, #tpu.memory_space<vmem>>) semaphore(%arg13 : memref<!tpu.dma_semaphore, #tpu.memory_space<semaphore_mem>>)
    }
    %scan3A_71 = arith.constant 79 : i32
    %dma_wait3A_72 = arith.constant 158 : i32
    %dma_wait3A_73 = arith.constant 0 : i32
    %dma_wait3A_74 = tpu.memref_slice %arg7[%dma_wait3A_72, %dma_wait3A_73] : memref<160x128xi32, #tpu.memory_space<vmem>> -> memref<1x128xi32, #tpu.memory_space<vmem>>
    %dma_wait3A_75 = tpu.memref_squeeze %dma_wait3A_74 : memref<1x128xi32, #tpu.memory_space<vmem>> -> memref<128xi32, #tpu.memory_space<vmem>>
    %dma_wait3A_76 = arith.constant 0 : i32
    %dma_wait3A_77 = arith.constant 0 : i32
    %dma_wait3A_78 = tpu.memref_slice %arg3[%dma_wait3A_76, %dma_wait3A_77] : memref<20000x128xf32, #tpu.memory_space<hbm>> -> memref<20000x128xf32, #tpu.memory_space<hbm>>
    tpu.wait_indirect_dma semaphore(%arg12 : memref<!tpu.dma_semaphore, #tpu.memory_space<semaphore_mem>>) src(%dma_wait3A_78 : memref<20000x128xf32, #tpu.memory_space<hbm>>) dst(%arg9 : memref<128x128xf32, #tpu.memory_space<vmem>>)
    %run_scoped3A_79 = arith.constant 158 : i32
    "tpu.region"() ({
      %run_scoped3A_96 = tpu.sem_alloc : memref<!tpu.dma_semaphore, #tpu.memory_space<semaphore_mem>>
      %dma_start3A_97 = arith.constant 0 : i32
      %dma_start3A_98 = tpu.memref_slice %arg8[%run_scoped3A_79, %dma_start3A_97] : memref<160x128xi32, #tpu.memory_space<vmem>> -> memref<1x128xi32, #tpu.memory_space<vmem>>
      %dma_start3A_99 = tpu.memref_squeeze %dma_start3A_98 : memref<1x128xi32, #tpu.memory_space<vmem>> -> memref<128xi32, #tpu.memory_space<vmem>>
      %dma_start3A_100 = arith.constant 0 : i32
      %dma_start3A_101 = arith.constant 0 : i32
      %dma_start3A_102 = tpu.memref_slice %arg11[%dma_start3A_100, %dma_start3A_101] : memref<5248x128xf32, #tpu.memory_space<vmem_shared>> -> memref<5248x128xf32, #tpu.memory_space<vmem_shared>>
      tpu.enqueue_indirect_dma source(%arg9 : memref<128x128xf32, #tpu.memory_space<vmem>>) target(%dma_start3A_102 : memref<5248x128xf32, #tpu.memory_space<vmem_shared>>) offsets(%dma_start3A_99 : memref<128xi32, #tpu.memory_space<vmem>>) semaphore(%run_scoped3A_96 : memref<!tpu.dma_semaphore, #tpu.memory_space<semaphore_mem>>) {add = true}
      %dma_wait3A_103 = arith.constant 0 : i32
      %dma_wait3A_104 = tpu.memref_slice %arg8[%run_scoped3A_79, %dma_wait3A_103] : memref<160x128xi32, #tpu.memory_space<vmem>> -> memref<1x128xi32, #tpu.memory_space<vmem>>
      %dma_wait3A_105 = tpu.memref_squeeze %dma_wait3A_104 : memref<1x128xi32, #tpu.memory_space<vmem>> -> memref<128xi32, #tpu.memory_space<vmem>>
      %dma_wait3A_106 = arith.constant 0 : i32
      %dma_wait3A_107 = arith.constant 0 : i32
      %dma_wait3A_108 = tpu.memref_slice %arg11[%dma_wait3A_106, %dma_wait3A_107] : memref<5248x128xf32, #tpu.memory_space<vmem_shared>> -> memref<5248x128xf32, #tpu.memory_space<vmem_shared>>
      tpu.wait_indirect_dma semaphore(%run_scoped3A_96 : memref<!tpu.dma_semaphore, #tpu.memory_space<semaphore_mem>>) src(%arg9 : memref<128x128xf32, #tpu.memory_space<vmem>>) dst(%dma_wait3A_108 : memref<5248x128xf32, #tpu.memory_space<vmem_shared>>)
      tpu.yield
    }) : () -> ()
    %dma_wait3A_80 = arith.constant 159 : i32
    %dma_wait3A_81 = arith.constant 0 : i32
    %dma_wait3A_82 = tpu.memref_slice %arg7[%dma_wait3A_80, %dma_wait3A_81] : memref<160x128xi32, #tpu.memory_space<vmem>> -> memref<1x128xi32, #tpu.memory_space<vmem>>
    %dma_wait3A_83 = tpu.memref_squeeze %dma_wait3A_82 : memref<1x128xi32, #tpu.memory_space<vmem>> -> memref<128xi32, #tpu.memory_space<vmem>>
    %dma_wait3A_84 = arith.constant 0 : i32
    %dma_wait3A_85 = arith.constant 0 : i32
    %dma_wait3A_86 = tpu.memref_slice %arg3[%dma_wait3A_84, %dma_wait3A_85] : memref<20000x128xf32, #tpu.memory_space<hbm>> -> memref<20000x128xf32, #tpu.memory_space<hbm>>
    tpu.wait_indirect_dma semaphore(%arg13 : memref<!tpu.dma_semaphore, #tpu.memory_space<semaphore_mem>>) src(%dma_wait3A_86 : memref<20000x128xf32, #tpu.memory_space<hbm>>) dst(%arg10 : memref<128x128xf32, #tpu.memory_space<vmem>>)
    %run_scoped3A_87 = arith.constant 159 : i32
    "tpu.region"() ({
      %run_scoped3A_96 = tpu.sem_alloc : memref<!tpu.dma_semaphore, #tpu.memory_space<semaphore_mem>>
      %dma_start3A_97 = arith.constant 0 : i32
      %dma_start3A_98 = tpu.memref_slice %arg8[%run_scoped3A_87, %dma_start3A_97] : memref<160x128xi32, #tpu.memory_space<vmem>> -> memref<1x128xi32, #tpu.memory_space<vmem>>
      %dma_start3A_99 = tpu.memref_squeeze %dma_start3A_98 : memref<1x128xi32, #tpu.memory_space<vmem>> -> memref<128xi32, #tpu.memory_space<vmem>>
      %dma_start3A_100 = arith.constant 0 : i32
      %dma_start3A_101 = arith.constant 0 : i32
      %dma_start3A_102 = tpu.memref_slice %arg11[%dma_start3A_100, %dma_start3A_101] : memref<5248x128xf32, #tpu.memory_space<vmem_shared>> -> memref<5248x128xf32, #tpu.memory_space<vmem_shared>>
      tpu.enqueue_indirect_dma source(%arg10 : memref<128x128xf32, #tpu.memory_space<vmem>>) target(%dma_start3A_102 : memref<5248x128xf32, #tpu.memory_space<vmem_shared>>) offsets(%dma_start3A_99 : memref<128xi32, #tpu.memory_space<vmem>>) semaphore(%run_scoped3A_96 : memref<!tpu.dma_semaphore, #tpu.memory_space<semaphore_mem>>) {add = true}
      %dma_wait3A_103 = arith.constant 0 : i32
      %dma_wait3A_104 = tpu.memref_slice %arg8[%run_scoped3A_87, %dma_wait3A_103] : memref<160x128xi32, #tpu.memory_space<vmem>> -> memref<1x128xi32, #tpu.memory_space<vmem>>
      %dma_wait3A_105 = tpu.memref_squeeze %dma_wait3A_104 : memref<1x128xi32, #tpu.memory_space<vmem>> -> memref<128xi32, #tpu.memory_space<vmem>>
      %dma_wait3A_106 = arith.constant 0 : i32
      %dma_wait3A_107 = arith.constant 0 : i32
      %dma_wait3A_108 = tpu.memref_slice %arg11[%dma_wait3A_106, %dma_wait3A_107] : memref<5248x128xf32, #tpu.memory_space<vmem_shared>> -> memref<5248x128xf32, #tpu.memory_space<vmem_shared>>
      tpu.wait_indirect_dma semaphore(%run_scoped3A_96 : memref<!tpu.dma_semaphore, #tpu.memory_space<semaphore_mem>>) src(%arg10 : memref<128x128xf32, #tpu.memory_space<vmem>>) dst(%dma_wait3A_108 : memref<5248x128xf32, #tpu.memory_space<vmem_shared>>)
      tpu.yield
    }) : () -> ()
    %barrier3A_88 = arith.constant 0 : index
    tpu.barrier barrier_id(%barrier3A_88)
    %mul3A_89 = arith.constant 320 : i32
    %mul3A_90 = arith.muli %arg1, %mul3A_89 : i32
    %mul3A_91 = arith.constant 320 : i32
    %mul3A_92 = arith.muli %arg1, %mul3A_91 : i32
    %add3A_93 = arith.constant 5120 : i32
    %add3A_94 = arith.addi %add3A_93, %mul3A_92 : i32
    "tpu.region"() ({
      %run_scoped3A_96 = tpu.sem_alloc : memref<!tpu.dma_semaphore, #tpu.memory_space<semaphore_mem>>
      %dma_start3A_97 = arith.constant 0 : i32
      %dma_start3A_98 = tpu.memref_slice %arg6[%arg0, %add3A_94, %dma_start3A_97] : memref<2x10240x128xf32, #tpu.memory_space<hbm>> -> memref<1x320x128xf32, #tpu.memory_space<hbm>>
      %dma_start3A_99 = tpu.memref_squeeze %dma_start3A_98 : memref<1x320x128xf32, #tpu.memory_space<hbm>> -> memref<320x128xf32, #tpu.memory_space<hbm>>
      %dma_start3A_100 = arith.constant 0 : i32
      %dma_start3A_101 = tpu.memref_slice %arg11[%mul3A_90, %dma_start3A_100] : memref<5248x128xf32, #tpu.memory_space<vmem_shared>> -> memref<320x128xf32, #tpu.memory_space<vmem_shared>>
      tpu.enqueue_dma source(%dma_start3A_101 : memref<320x128xf32, #tpu.memory_space<vmem_shared>>) target(%dma_start3A_99 : memref<320x128xf32, #tpu.memory_space<hbm>>) target_semaphore(%run_scoped3A_96 : memref<!tpu.dma_semaphore, #tpu.memory_space<semaphore_mem>>)
      %dma_wait3A_102 = arith.constant 0 : i32
      %dma_wait3A_103 = tpu.memref_slice %arg6[%arg0, %add3A_94, %dma_wait3A_102] : memref<2x10240x128xf32, #tpu.memory_space<hbm>> -> memref<1x320x128xf32, #tpu.memory_space<hbm>>
      %dma_wait3A_104 = tpu.memref_squeeze %dma_wait3A_103 : memref<1x320x128xf32, #tpu.memory_space<hbm>> -> memref<320x128xf32, #tpu.memory_space<hbm>>
      %dma_wait3A_105 = arith.constant 0 : i32
      %dma_wait3A_106 = tpu.memref_slice %arg11[%mul3A_90, %dma_wait3A_105] : memref<5248x128xf32, #tpu.memory_space<vmem_shared>> -> memref<320x128xf32, #tpu.memory_space<vmem_shared>>
      tpu.wait_dma2 semaphore(%run_scoped3A_96 : memref<!tpu.dma_semaphore, #tpu.memory_space<semaphore_mem>>) src(%dma_wait3A_106 : memref<320x128xf32, #tpu.memory_space<vmem_shared>>) dst(%dma_wait3A_104 : memref<320x128xf32, #tpu.memory_space<hbm>>)
      tpu.yield
    }) : () -> ()
    %barrier3A_95 = arith.constant 0 : index
    tpu.barrier barrier_id(%barrier3A_95)
    return
  }
}

module attributes {stable_mosaic.version = 14 : i64} {
  func.func @body(%arg0: i32, %arg1: memref<1000x128xf32, #tpu.memory_space<vmem>>, %arg2: memref<128x256xf32, #tpu.memory_space<vmem>>, %arg3: memref<1x1000x128xf32, #tpu.memory_space<vmem>>, %arg4: memref<1000x2x128xf32, #tpu.memory_space<vmem>>, %arg5: memref<1000x1xf32, #tpu.memory_space<vmem>>) attributes {dimension_semantics = [#tpu.dimension_semantics<arbitrary>], iteration_bounds = array<i64: 10>, scalar_prefetch = 0 : i64, scratch_operands = 0 : i64, tpu.core_type = #tpu.core_type<tc>, window_params = [{transform_indices = @transform_0, window_bounds = array<i64: 1000, 128>}, {pipeline_mode = #tpu.pipeline_mode<synchronous>, transform_indices = @transform_1, window_bounds = array<i64: 128, 256>}, {transform_indices = @transform_2, window_bounds = array<i64: 1, 1000, 128>}, {transform_indices = @transform_3, window_bounds = array<i64: 1000, 2, 128>}, {transform_indices = @transform_4, window_bounds = array<i64: 1000, 1>}]} {
    %get3A = arith.constant 0 : index
    %get3A_0 = arith.constant 0 : index
    %get3A_1 = vector.load %arg1[%get3A, %get3A_0] : memref<1000x128xf32, #tpu.memory_space<vmem>>, vector<1000x128xf32>
    %get3A_2 = arith.constant 0 : index
    %get3A_3 = arith.constant 0 : index
    %get3A_4 = vector.load %arg2[%get3A_2, %get3A_3] : memref<128x256xf32, #tpu.memory_space<vmem>>, vector<128x256xf32>
    %dot_general3A = arith.constant dense<0.000000e+00> : vector<1000x256xf32>
    %dot_general3A_5 = tpu.matmul %get3A_1, %get3A_4, %dot_general3A {dimension_numbers = #tpu.dot_dimension_numbers<[1], [0], [0], [1], [0, 0, 1, 1], [], []>, transpose_lhs_hint = false} : vector<1000x128xf32>, vector<128x256xf32>, vector<1000x256xf32> -> vector<1000x256xf32>
    %get3A_6 = arith.constant 0 : index
    %get3A_7 = arith.constant 0 : index
    %get3A_8 = arith.constant 0 : index
    %get3A_9 = vector.load %arg3[%get3A_6, %get3A_7, %get3A_8] : memref<1x1000x128xf32, #tpu.memory_space<vmem>>, vector<1x1000x128xf32>
    %slice3A = vector.extract_strided_slice %get3A_9 {offsets = [0, 0, 0], sizes = [1, 1000, 1], strides = [1, 1, 1]} : vector<1x1000x128xf32> to vector<1x1000x1xf32>
    %squeeze3A = vector.shape_cast %slice3A : vector<1x1000x1xf32> to vector<1000x1xf32>
    %add3A = arith.constant 1.000000e+00 : f32
    %add3A_10 = vector.broadcast %add3A : f32 to vector<1000x1xf32>
    %add3A_11 = arith.addf %add3A_10, %squeeze3A : vector<1000x1xf32>
    %rsqrt3A = math.rsqrt %add3A_11 : vector<1000x1xf32>
    %swap3A = arith.constant 0 : index
    %swap3A_12 = arith.constant 0 : index
    %swap3A_13 = vector.load %arg5[%swap3A, %swap3A_12] : memref<1000x1xf32, #tpu.memory_space<vmem>>, vector<1000x1xf32>
    tpu.vector_store %arg5[%swap3A, %swap3A_12], %rsqrt3A {strides = array<i32>} : memref<1000x1xf32, #tpu.memory_space<vmem>>, vector<1000x1xf32>,
    %slice3A_14 = vector.extract_strided_slice %dot_general3A_5 {offsets = [0, 0], sizes = [1000, 128], strides = [1, 1]} : vector<1000x256xf32> to vector<1000x128xf32>
    %mul3A = vector.broadcast %rsqrt3A : vector<1000x1xf32> to vector<1000x128xf32>
    %mul3A_15 = arith.mulf %slice3A_14, %mul3A : vector<1000x128xf32>
    %swap3A_16 = arith.constant 0 : index
    %swap3A_17 = arith.constant 0 : index
    %swap3A_18 = arith.constant 0 : index
    %swap3A_19 = vector.load %arg4[%swap3A_16, %swap3A_17, %swap3A_18] : memref<1000x2x128xf32, #tpu.memory_space<vmem>>, vector<1000x1x128xf32>
    %swap3A_20 = vector.shape_cast %swap3A_19 : vector<1000x1x128xf32> to vector<1000x128xf32>
    %swap3A_21 = vector.shape_cast %mul3A_15 : vector<1000x128xf32> to vector<1000x1x128xf32>
    tpu.vector_store %arg4[%swap3A_16, %swap3A_17, %swap3A_18], %swap3A_21 {strides = array<i32>} : memref<1000x2x128xf32, #tpu.memory_space<vmem>>, vector<1000x1x128xf32>,
    %slice3A_22 = vector.extract_strided_slice %dot_general3A_5 {offsets = [0, 128], sizes = [1000, 128], strides = [1, 1]} : vector<1000x256xf32> to vector<1000x128xf32>
    %mul3A_23 = vector.broadcast %rsqrt3A : vector<1000x1xf32> to vector<1000x128xf32>
    %mul3A_24 = arith.mulf %slice3A_22, %mul3A_23 : vector<1000x128xf32>
    %swap3A_25 = arith.constant 0 : index
    %swap3A_26 = arith.constant 1 : index
    %swap3A_27 = arith.constant 0 : index
    %swap3A_28 = vector.load %arg4[%swap3A_25, %swap3A_26, %swap3A_27] : memref<1000x2x128xf32, #tpu.memory_space<vmem>>, vector<1000x1x128xf32>
    %swap3A_29 = vector.shape_cast %swap3A_28 : vector<1000x1x128xf32> to vector<1000x128xf32>
    %swap3A_30 = vector.shape_cast %mul3A_24 : vector<1000x128xf32> to vector<1000x1x128xf32>
    tpu.vector_store %arg4[%swap3A_25, %swap3A_26, %swap3A_27], %swap3A_30 {strides = array<i32>} : memref<1000x2x128xf32, #tpu.memory_space<vmem>>, vector<1000x1x128xf32>,
    return
  }
  func.func @transform_0(%arg0: i32) -> (i32, i32) {
    %c0_i32 = arith.constant 0 : i32
    %c0_i32_0 = arith.constant 0 : i32
    return %arg0, %c0_i32 : i32, i32
  }
  func.func @transform_1(%arg0: i32) -> (i32, i32) {
    %c0_i32 = arith.constant 0 : i32
    %c0_i32_0 = arith.constant 0 : i32
    %c0_i32_1 = arith.constant 0 : i32
    return %c0_i32, %c0_i32_0 : i32, i32
  }
  func.func @transform_2(%arg0: i32) -> (i32, i32, i32) {
    %c0_i32 = arith.constant 0 : i32
    %c0_i32_0 = arith.constant 0 : i32
    %c0_i32_1 = arith.constant 0 : i32
    return %c0_i32, %arg0, %c0_i32_0 : i32, i32, i32
  }
  func.func @transform_3(%arg0: i32) -> (i32, i32, i32) {
    %c0_i32 = arith.constant 0 : i32
    %c0_i32_0 = arith.constant 0 : i32
    %c0_i32_1 = arith.constant 0 : i32
    return %arg0, %c0_i32, %c0_i32_0 : i32, i32, i32
  }
  func.func @transform_4(%arg0: i32) -> (i32, i32) {
    %c0_i32 = arith.constant 0 : i32
    %c0_i32_0 = arith.constant 0 : i32
    return %arg0, %c0_i32 : i32, i32
  }
}

module attributes {stable_mosaic.version = 14 : i64} {
  func.func @body(%arg0: i32, %arg1: memref<2x1000x128xf32, #tpu.memory_space<vmem>>, %arg2: memref<1000x2x128xf32, #tpu.memory_space<vmem>>, %arg3: memref<1000x1xf32, #tpu.memory_space<vmem>>, %arg4: memref<256xf32, #tpu.memory_space<vmem>>, %arg5: memref<256x256xf32, #tpu.memory_space<vmem>>, %arg6: memref<1000x2x128xf32, #tpu.memory_space<vmem>>) attributes {dimension_semantics = [#tpu.dimension_semantics<arbitrary>], iteration_bounds = array<i64: 10>, scalar_prefetch = 0 : i64, scratch_operands = 0 : i64, tpu.core_type = #tpu.core_type<tc>, window_params = [{transform_indices = @transform_0, window_bounds = array<i64: 2, 1000, 128>}, {transform_indices = @transform_1, window_bounds = array<i64: 1000, 2, 128>}, {transform_indices = @transform_2, window_bounds = array<i64: 1000, 1>}, {pipeline_mode = #tpu.pipeline_mode<synchronous>, transform_indices = @transform_3, window_bounds = array<i64: 256>}, {pipeline_mode = #tpu.pipeline_mode<synchronous>, transform_indices = @transform_4, window_bounds = array<i64: 256, 256>}, {transform_indices = @transform_5, window_bounds = array<i64: 1000, 2, 128>}]} {
    %get3A = arith.constant 0 : index
    %get3A_0 = arith.constant 0 : index
    %get3A_1 = vector.load %arg3[%get3A, %get3A_0] : memref<1000x1xf32, #tpu.memory_space<vmem>>, vector<1000x1xf32>
    %get3A_2 = arith.constant 0 : index
    %get3A_3 = vector.load %arg4[%get3A_2] : memref<256xf32, #tpu.memory_space<vmem>>, vector<256xf32>
    %get3A_4 = arith.constant 0 : index
    %get3A_5 = arith.constant 0 : index
    %get3A_6 = arith.constant 0 : index
    %get3A_7 = vector.load %arg2[%get3A_4, %get3A_5, %get3A_6] : memref<1000x2x128xf32, #tpu.memory_space<vmem>>, vector<1000x2x128xf32>
    %get3A_8 = arith.constant 0 : index
    %get3A_9 = arith.constant 0 : index
    %get3A_10 = arith.constant 0 : index
    %get3A_11 = vector.load %arg1[%get3A_8, %get3A_9, %get3A_10] : memref<2x1000x128xf32, #tpu.memory_space<vmem>>, vector<1x1000x128xf32>
    %get3A_12 = vector.shape_cast %get3A_11 : vector<1x1000x128xf32> to vector<1000x128xf32>
    %slice3A = vector.extract_strided_slice %get3A_7 {offsets = [0, 0, 0], sizes = [1000, 1, 128], strides = [1, 1, 1]} : vector<1000x2x128xf32> to vector<1000x1x128xf32>
    %squeeze3A = vector.shape_cast %slice3A : vector<1000x1x128xf32> to vector<1000x128xf32>
    %add3A = arith.addf %get3A_12, %squeeze3A : vector<1000x128xf32>
    %mul3A = vector.broadcast %get3A_1 : vector<1000x1xf32> to vector<1000x128xf32>
    %mul3A_13 = arith.mulf %mul3A, %add3A : vector<1000x128xf32>
    %slice3A_14 = vector.extract_strided_slice %get3A_3 {offsets = [0], sizes = [128], strides = [1]} : vector<256xf32> to vector<128xf32>
    %broadcast_in_dim3A = vector.shape_cast %slice3A_14 : vector<128xf32> to vector<1x128xf32>
    %add3A_15 = vector.broadcast %broadcast_in_dim3A : vector<1x128xf32> to vector<1000x128xf32>
    %add3A_16 = arith.addf %mul3A_13, %add3A_15 : vector<1000x128xf32>
    %max3A = arith.constant 0.000000e+00 : f32
    %max3A_17 = vector.broadcast %max3A : f32 to vector<1000x128xf32>
    %max3A_18 = arith.maximumf %add3A_16, %max3A_17 : vector<1000x128xf32>
    %get3A_19 = arith.constant 1 : index
    %get3A_20 = arith.constant 0 : index
    %get3A_21 = arith.constant 0 : index
    %get3A_22 = vector.load %arg1[%get3A_19, %get3A_20, %get3A_21] : memref<2x1000x128xf32, #tpu.memory_space<vmem>>, vector<1x1000x128xf32>
    %get3A_23 = vector.shape_cast %get3A_22 : vector<1x1000x128xf32> to vector<1000x128xf32>
    %slice3A_24 = vector.extract_strided_slice %get3A_7 {offsets = [0, 1, 0], sizes = [1000, 1, 128], strides = [1, 1, 1]} : vector<1000x2x128xf32> to vector<1000x1x128xf32>
    %squeeze3A_25 = vector.shape_cast %slice3A_24 : vector<1000x1x128xf32> to vector<1000x128xf32>
    %add3A_26 = arith.addf %get3A_23, %squeeze3A_25 : vector<1000x128xf32>
    %mul3A_27 = vector.broadcast %get3A_1 : vector<1000x1xf32> to vector<1000x128xf32>
    %mul3A_28 = arith.mulf %mul3A_27, %add3A_26 : vector<1000x128xf32>
    %slice3A_29 = vector.extract_strided_slice %get3A_3 {offsets = [128], sizes = [128], strides = [1]} : vector<256xf32> to vector<128xf32>
    %broadcast_in_dim3A_30 = vector.shape_cast %slice3A_29 : vector<128xf32> to vector<1x128xf32>
    %add3A_31 = vector.broadcast %broadcast_in_dim3A_30 : vector<1x128xf32> to vector<1000x128xf32>
    %add3A_32 = arith.addf %mul3A_28, %add3A_31 : vector<1000x128xf32>
    %max3A_33 = arith.constant 0.000000e+00 : f32
    %max3A_34 = vector.broadcast %max3A_33 : f32 to vector<1000x128xf32>
    %max3A_35 = arith.maximumf %add3A_32, %max3A_34 : vector<1000x128xf32>
    %get3A_36 = arith.constant 0 : index
    %get3A_37 = arith.constant 0 : index
    %get3A_38 = vector.load %arg5[%get3A_36, %get3A_37] : memref<256x256xf32, #tpu.memory_space<vmem>>, vector<256x256xf32>
    %slice3A_39 = vector.extract_strided_slice %get3A_38 {offsets = [0, 0], sizes = [128, 256], strides = [1, 1]} : vector<256x256xf32> to vector<128x256xf32>
    %dot_general3A = arith.constant dense<0.000000e+00> : vector<1000x256xf32>
    %dot_general3A_40 = tpu.matmul %max3A_18, %slice3A_39, %dot_general3A {dimension_numbers = #tpu.dot_dimension_numbers<[1], [0], [0], [1], [0, 0, 1, 1], [], []>, transpose_lhs_hint = false} : vector<1000x128xf32>, vector<128x256xf32>, vector<1000x256xf32> -> vector<1000x256xf32>
    %slice3A_41 = vector.extract_strided_slice %get3A_38 {offsets = [128, 0], sizes = [128, 256], strides = [1, 1]} : vector<256x256xf32> to vector<128x256xf32>
    %dot_general3A_42 = arith.constant dense<0.000000e+00> : vector<1000x256xf32>
    %dot_general3A_43 = tpu.matmul %max3A_35, %slice3A_41, %dot_general3A_42 {dimension_numbers = #tpu.dot_dimension_numbers<[1], [0], [0], [1], [0, 0, 1, 1], [], []>, transpose_lhs_hint = false} : vector<1000x128xf32>, vector<128x256xf32>, vector<1000x256xf32> -> vector<1000x256xf32>
    %add3A_44 = arith.addf %dot_general3A_40, %dot_general3A_43 : vector<1000x256xf32>
    %slice3A_45 = vector.extract_strided_slice %add3A_44 {offsets = [0, 0], sizes = [1000, 128], strides = [1, 1]} : vector<1000x256xf32> to vector<1000x128xf32>
    %mul3A_46 = vector.broadcast %get3A_1 : vector<1000x1xf32> to vector<1000x128xf32>
    %mul3A_47 = arith.mulf %slice3A_45, %mul3A_46 : vector<1000x128xf32>
    %swap3A = arith.constant 0 : index
    %swap3A_48 = arith.constant 0 : index
    %swap3A_49 = arith.constant 0 : index
    %swap3A_50 = vector.load %arg6[%swap3A, %swap3A_48, %swap3A_49] : memref<1000x2x128xf32, #tpu.memory_space<vmem>>, vector<1000x1x128xf32>
    %swap3A_51 = vector.shape_cast %swap3A_50 : vector<1000x1x128xf32> to vector<1000x128xf32>
    %swap3A_52 = vector.shape_cast %mul3A_47 : vector<1000x128xf32> to vector<1000x1x128xf32>
    tpu.vector_store %arg6[%swap3A, %swap3A_48, %swap3A_49], %swap3A_52 {strides = array<i32>} : memref<1000x2x128xf32, #tpu.memory_space<vmem>>, vector<1000x1x128xf32>,
    %slice3A_53 = vector.extract_strided_slice %add3A_44 {offsets = [0, 128], sizes = [1000, 128], strides = [1, 1]} : vector<1000x256xf32> to vector<1000x128xf32>
    %mul3A_54 = vector.broadcast %get3A_1 : vector<1000x1xf32> to vector<1000x128xf32>
    %mul3A_55 = arith.mulf %slice3A_53, %mul3A_54 : vector<1000x128xf32>
    %swap3A_56 = arith.constant 0 : index
    %swap3A_57 = arith.constant 1 : index
    %swap3A_58 = arith.constant 0 : index
    %swap3A_59 = vector.load %arg6[%swap3A_56, %swap3A_57, %swap3A_58] : memref<1000x2x128xf32, #tpu.memory_space<vmem>>, vector<1000x1x128xf32>
    %swap3A_60 = vector.shape_cast %swap3A_59 : vector<1000x1x128xf32> to vector<1000x128xf32>
    %swap3A_61 = vector.shape_cast %mul3A_55 : vector<1000x128xf32> to vector<1000x1x128xf32>
    tpu.vector_store %arg6[%swap3A_56, %swap3A_57, %swap3A_58], %swap3A_61 {strides = array<i32>} : memref<1000x2x128xf32, #tpu.memory_space<vmem>>, vector<1000x1x128xf32>,
    return
  }
  func.func @transform_0(%arg0: i32) -> (i32, i32, i32) {
    %c0_i32 = arith.constant 0 : i32
    %c0_i32_0 = arith.constant 0 : i32
    %c0_i32_1 = arith.constant 0 : i32
    return %c0_i32, %arg0, %c0_i32_0 : i32, i32, i32
  }
  func.func @transform_1(%arg0: i32) -> (i32, i32, i32) {
    %c0_i32 = arith.constant 0 : i32
    %c0_i32_0 = arith.constant 0 : i32
    %c0_i32_1 = arith.constant 0 : i32
    return %arg0, %c0_i32, %c0_i32_0 : i32, i32, i32
  }
  func.func @transform_2(%arg0: i32) -> (i32, i32) {
    %c0_i32 = arith.constant 0 : i32
    %c0_i32_0 = arith.constant 0 : i32
    return %arg0, %c0_i32 : i32, i32
  }
  func.func @transform_3(%arg0: i32) -> i32 {
    %c0_i32 = arith.constant 0 : i32
    %c0_i32_0 = arith.constant 0 : i32
    return %c0_i32 : i32
  }
  func.func @transform_4(%arg0: i32) -> (i32, i32) {
    %c0_i32 = arith.constant 0 : i32
    %c0_i32_0 = arith.constant 0 : i32
    %c0_i32_1 = arith.constant 0 : i32
    return %c0_i32, %c0_i32_0 : i32, i32
  }
  func.func @transform_5(%arg0: i32) -> (i32, i32, i32) {
    %c0_i32 = arith.constant 0 : i32
    %c0_i32_0 = arith.constant 0 : i32
    %c0_i32_1 = arith.constant 0 : i32
    return %arg0, %c0_i32, %c0_i32_0 : i32, i32, i32
  }
}

module attributes {stable_mosaic.version = 14 : i64} {
  func.func @body(%arg0: i32, %arg1: memref<2x1000x128xf32, #tpu.memory_space<vmem>>, %arg2: memref<1000x2x128xf32, #tpu.memory_space<vmem>>, %arg3: memref<1000x1xf32, #tpu.memory_space<vmem>>, %arg4: memref<256xf32, #tpu.memory_space<vmem>>, %arg5: memref<256x128xf32, #tpu.memory_space<vmem>>, %arg6: memref<128xf32, #tpu.memory_space<vmem>>, %arg7: memref<1000x128xf32, #tpu.memory_space<vmem>>) attributes {dimension_semantics = [#tpu.dimension_semantics<arbitrary>], iteration_bounds = array<i64: 10>, scalar_prefetch = 0 : i64, scratch_operands = 0 : i64, tpu.core_type = #tpu.core_type<tc>, window_params = [{transform_indices = @transform_0, window_bounds = array<i64: 2, 1000, 128>}, {transform_indices = @transform_1, window_bounds = array<i64: 1000, 2, 128>}, {transform_indices = @transform_2, window_bounds = array<i64: 1000, 1>}, {pipeline_mode = #tpu.pipeline_mode<synchronous>, transform_indices = @transform_3, window_bounds = array<i64: 256>}, {pipeline_mode = #tpu.pipeline_mode<synchronous>, transform_indices = @transform_4, window_bounds = array<i64: 256, 128>}, {pipeline_mode = #tpu.pipeline_mode<synchronous>, transform_indices = @transform_5, window_bounds = array<i64: 128>}, {transform_indices = @transform_6, window_bounds = array<i64: 1000, 128>}]} {
    %get3A = arith.constant 0 : index
    %get3A_0 = arith.constant 0 : index
    %get3A_1 = vector.load %arg3[%get3A, %get3A_0] : memref<1000x1xf32, #tpu.memory_space<vmem>>, vector<1000x1xf32>
    %get3A_2 = arith.constant 0 : index
    %get3A_3 = vector.load %arg4[%get3A_2] : memref<256xf32, #tpu.memory_space<vmem>>, vector<256xf32>
    %get3A_4 = arith.constant 0 : index
    %get3A_5 = arith.constant 0 : index
    %get3A_6 = arith.constant 0 : index
    %get3A_7 = vector.load %arg2[%get3A_4, %get3A_5, %get3A_6] : memref<1000x2x128xf32, #tpu.memory_space<vmem>>, vector<1000x2x128xf32>
    %get3A_8 = arith.constant 0 : index
    %get3A_9 = arith.constant 0 : index
    %get3A_10 = arith.constant 0 : index
    %get3A_11 = vector.load %arg1[%get3A_8, %get3A_9, %get3A_10] : memref<2x1000x128xf32, #tpu.memory_space<vmem>>, vector<1x1000x128xf32>
    %get3A_12 = vector.shape_cast %get3A_11 : vector<1x1000x128xf32> to vector<1000x128xf32>
    %slice3A = vector.extract_strided_slice %get3A_7 {offsets = [0, 0, 0], sizes = [1000, 1, 128], strides = [1, 1, 1]} : vector<1000x2x128xf32> to vector<1000x1x128xf32>
    %squeeze3A = vector.shape_cast %slice3A : vector<1000x1x128xf32> to vector<1000x128xf32>
    %add3A = arith.addf %get3A_12, %squeeze3A : vector<1000x128xf32>
    %mul3A = vector.broadcast %get3A_1 : vector<1000x1xf32> to vector<1000x128xf32>
    %mul3A_13 = arith.mulf %mul3A, %add3A : vector<1000x128xf32>
    %slice3A_14 = vector.extract_strided_slice %get3A_3 {offsets = [0], sizes = [128], strides = [1]} : vector<256xf32> to vector<128xf32>
    %broadcast_in_dim3A = vector.shape_cast %slice3A_14 : vector<128xf32> to vector<1x128xf32>
    %add3A_15 = vector.broadcast %broadcast_in_dim3A : vector<1x128xf32> to vector<1000x128xf32>
    %add3A_16 = arith.addf %mul3A_13, %add3A_15 : vector<1000x128xf32>
    %max3A = arith.constant 0.000000e+00 : f32
    %max3A_17 = vector.broadcast %max3A : f32 to vector<1000x128xf32>
    %max3A_18 = arith.maximumf %add3A_16, %max3A_17 : vector<1000x128xf32>
    %get3A_19 = arith.constant 1 : index
    %get3A_20 = arith.constant 0 : index
    %get3A_21 = arith.constant 0 : index
    %get3A_22 = vector.load %arg1[%get3A_19, %get3A_20, %get3A_21] : memref<2x1000x128xf32, #tpu.memory_space<vmem>>, vector<1x1000x128xf32>
    %get3A_23 = vector.shape_cast %get3A_22 : vector<1x1000x128xf32> to vector<1000x128xf32>
    %slice3A_24 = vector.extract_strided_slice %get3A_7 {offsets = [0, 1, 0], sizes = [1000, 1, 128], strides = [1, 1, 1]} : vector<1000x2x128xf32> to vector<1000x1x128xf32>
    %squeeze3A_25 = vector.shape_cast %slice3A_24 : vector<1000x1x128xf32> to vector<1000x128xf32>
    %add3A_26 = arith.addf %get3A_23, %squeeze3A_25 : vector<1000x128xf32>
    %mul3A_27 = vector.broadcast %get3A_1 : vector<1000x1xf32> to vector<1000x128xf32>
    %mul3A_28 = arith.mulf %mul3A_27, %add3A_26 : vector<1000x128xf32>
    %slice3A_29 = vector.extract_strided_slice %get3A_3 {offsets = [128], sizes = [128], strides = [1]} : vector<256xf32> to vector<128xf32>
    %broadcast_in_dim3A_30 = vector.shape_cast %slice3A_29 : vector<128xf32> to vector<1x128xf32>
    %add3A_31 = vector.broadcast %broadcast_in_dim3A_30 : vector<1x128xf32> to vector<1000x128xf32>
    %add3A_32 = arith.addf %mul3A_28, %add3A_31 : vector<1000x128xf32>
    %max3A_33 = arith.constant 0.000000e+00 : f32
    %max3A_34 = vector.broadcast %max3A_33 : f32 to vector<1000x128xf32>
    %max3A_35 = arith.maximumf %add3A_32, %max3A_34 : vector<1000x128xf32>
    %get3A_36 = arith.constant 0 : index
    %get3A_37 = arith.constant 0 : index
    %get3A_38 = vector.load %arg5[%get3A_36, %get3A_37] : memref<256x128xf32, #tpu.memory_space<vmem>>, vector<256x128xf32>
    %slice3A_39 = vector.extract_strided_slice %get3A_38 {offsets = [0, 0], sizes = [128, 128], strides = [1, 1]} : vector<256x128xf32> to vector<128x128xf32>
    %dot_general3A = arith.constant dense<0.000000e+00> : vector<1000x128xf32>
    %dot_general3A_40 = tpu.matmul %max3A_18, %slice3A_39, %dot_general3A {dimension_numbers = #tpu.dot_dimension_numbers<[1], [0], [0], [1], [0, 0, 1, 1], [], []>, transpose_lhs_hint = false} : vector<1000x128xf32>, vector<128x128xf32>, vector<1000x128xf32> -> vector<1000x128xf32>
    %slice3A_41 = vector.extract_strided_slice %get3A_38 {offsets = [128, 0], sizes = [128, 128], strides = [1, 1]} : vector<256x128xf32> to vector<128x128xf32>
    %dot_general3A_42 = arith.constant dense<0.000000e+00> : vector<1000x128xf32>
    %dot_general3A_43 = tpu.matmul %max3A_35, %slice3A_41, %dot_general3A_42 {dimension_numbers = #tpu.dot_dimension_numbers<[1], [0], [0], [1], [0, 0, 1, 1], [], []>, transpose_lhs_hint = false} : vector<1000x128xf32>, vector<128x128xf32>, vector<1000x128xf32> -> vector<1000x128xf32>
    %add3A_44 = arith.addf %dot_general3A_40, %dot_general3A_43 : vector<1000x128xf32>
    %get3A_45 = arith.constant 0 : index
    %get3A_46 = vector.load %arg6[%get3A_45] : memref<128xf32, #tpu.memory_space<vmem>>, vector<128xf32>
    %broadcast_in_dim3A_47 = vector.shape_cast %get3A_46 : vector<128xf32> to vector<1x128xf32>
    %add3A_48 = vector.broadcast %broadcast_in_dim3A_47 : vector<1x128xf32> to vector<1000x128xf32>
    %add3A_49 = arith.addf %add3A_44, %add3A_48 : vector<1000x128xf32>
    %swap3A = arith.constant 0 : index
    %swap3A_50 = arith.constant 0 : index
    %swap3A_51 = vector.load %arg7[%swap3A, %swap3A_50] : memref<1000x128xf32, #tpu.memory_space<vmem>>, vector<1000x128xf32>
    tpu.vector_store %arg7[%swap3A, %swap3A_50], %add3A_49 {strides = array<i32>} : memref<1000x128xf32, #tpu.memory_space<vmem>>, vector<1000x128xf32>,
    return
  }
  func.func @transform_0(%arg0: i32) -> (i32, i32, i32) {
    %c0_i32 = arith.constant 0 : i32
    %c0_i32_0 = arith.constant 0 : i32
    %c0_i32_1 = arith.constant 0 : i32
    return %c0_i32, %arg0, %c0_i32_0 : i32, i32, i32
  }
  func.func @transform_1(%arg0: i32) -> (i32, i32, i32) {
    %c0_i32 = arith.constant 0 : i32
    %c0_i32_0 = arith.constant 0 : i32
    %c0_i32_1 = arith.constant 0 : i32
    return %arg0, %c0_i32, %c0_i32_0 : i32, i32, i32
  }
  func.func @transform_2(%arg0: i32) -> (i32, i32) {
    %c0_i32 = arith.constant 0 : i32
    %c0_i32_0 = arith.constant 0 : i32
    return %arg0, %c0_i32 : i32, i32
  }
  func.func @transform_3(%arg0: i32) -> i32 {
    %c0_i32 = arith.constant 0 : i32
    %c0_i32_0 = arith.constant 0 : i32
    return %c0_i32 : i32
  }
  func.func @transform_4(%arg0: i32) -> (i32, i32) {
    %c0_i32 = arith.constant 0 : i32
    %c0_i32_0 = arith.constant 0 : i32
    %c0_i32_1 = arith.constant 0 : i32
    return %c0_i32, %c0_i32_0 : i32, i32
  }
  func.func @transform_5(%arg0: i32) -> i32 {
    %c0_i32 = arith.constant 0 : i32
    %c0_i32_0 = arith.constant 0 : i32
    return %c0_i32 : i32
  }
  func.func @transform_6(%arg0: i32) -> (i32, i32) {
    %c0_i32 = arith.constant 0 : i32
    %c0_i32_0 = arith.constant 0 : i32
    return %arg0, %c0_i32 : i32, i32
  }
}

</mosaic_0001>

<sc_bundles>
// kernel: kernel.11.cloned.1.call-start
scs
__scs_entry_jumppad:
0x0: {  	(pc) =	sbr.rel $0x88, $3  }
0x1: {  	(tag) =	ssettag $0x0;
	lr =	simm.s32 $0x1  }
0x2: {  	[smem:$0x3F99] =	sst lr;
	_ =	strace $0xD0000000  }
0x3: {  	_ = 	snop  }
0x4: {  	_ = 	snop  }
0x5: {  	_ = 	snop  }
0x6: {  	_ = 	snop  }
0x7: {  	_ = 	snop  }
__scs_overlays_trampoline_lowered:
0x8: {  	[smem:$0x3FA8] =	sst s0  }
0x9: {  	[smem:$0x3FA9] =	sst s1  }
0xa: {  	[smem:$0x3FAA] =	sst s2  }
0xb: {  	[smem:$0x3FAB] =	sst s3  }
0xc: {  	[smem:$0x3FAC] =	sst s4  }
0xd: {  	[smem:$0x3FAD] =	sst s5  }
0xe: {  	[smem:$0x3FAE] =	sst s6  }
0xf: {  	[smem:$0x3FAF] =	sst s7  }
0x10: {  	[smem:$0x3FB0] =	sst s8  }
0x11: {  	[smem:$0x3FB1] =	sst s9;
	s0 =	simm.s32 @!p0 $0x0  }
0x12: {  	s1 =	sld [smem:$0x3F97];
	s0 =	simm.s32 @p0 $0x1  }
0x13: {  	[smem:$0x3FB2] =	sst s0;
	s0 =	simm.s32 @!p1 $0x0  }
0x14: {  	s2 =	sld [smem:$0x3F96];
	s0 =	simm.s32 @p1 $0x1  }
0x15: {  	[smem:$0x3FB3] =	sst s0;
	s0 =	simm.s32 @!p2 $0x0  }
0x16: {  	s3 =	sld [smem:$0x3FDB];
	s0 =	simm.s32 @p2 $0x1  }
0x17: {  	s4 =	simm.s32 $0x1BF5;
	[smem:$0x3FB5] =	sst s0  }
0x18: {  	s0 =	sld [smem:$0x3F98];
	_ =	swait.ge [sflag:s4], $0x0  }
0x19: {  	s7 =	sld [smem:$0x3F99]  }
0x1a: {  	s8 =	sadd.s32 $0xFFFFE003, lr  }
0x1b: {  	s9 =	sadd.s32 $0xFFFFFEF7, lr;
	s5 =	simm.s32 $0xFFFFFFFF;
	p2 =	slt.u32 s8, $0xFFFFF086  }
0x1c: {  	p1 =	slt.u32 s9, $0xF7A;
	s5 =	simm.s32 @!p2 $0x0  }
0x1d: {  	s5 =	simm.s32 @p1 $0x1;
	p0 =	seq.s32 s7, s2  }
0x1e: {  	s7 =	smul.u32 @!p0 $0xF7A, s2;
	p2 =	seq.s32 @!p0 s5, $0x0  }
0x1f: {  	s9 =	smul.u32 $0xF7A, s1;
	s8 =	simm.s32 @!p0 $0x1BF5;
	p2 =	por !p2, p0  }
0x20: {  	[sflag:s8] =	ssyncset.s32 @!p0 $0xFFFFF086;
	s6 =	sadd.s32 @!p0 s3, s7;
	s7 =	simm.s32 @!p0 $0x108  }
0x21: {  	s3 =	sadd.s32 s3, s9;
	s6 =	sadd.s32 @!p0 $0x88, s6;
	s7 =	simm.s32 @p2 $0x1082  }
0x22: {  	[simem:s7], [sflag:s8] =	dma.local @!p0 [hbm:s6], $0xF7A  }
0x23: {  	s9 =	sor.u32 $0xD0000000, s2;
	s6 =	simm.s32 $0x108;
	_ =	swait.ge @!p0 [sflag:s8], $0x0  }
0x24: {  	s3 =	sadd.s32 $0x88, s3;
	s6 =	simm.s32 @!p1 $0x1082;
	[sflag:s4] =	ssyncset.s32 $0xFFFFF086  }
0x25: {  	[simem:s6], [sflag:s4] =	dma.local [hbm:s3], $0xF7A  }
0x26: {  	[smem:$0x3F99] =	sst s1;
	(tag) =	ssettag s2;
	_ =	strace s9  }
0x27: {  	s1 =	sld [smem:$0x3FA9]  }
0x28: {  	s2 =	sld [smem:$0x3FAA]  }
0x29: {  	s4 =	sld [smem:$0x3FAC]  }
0x2a: {  	p0 =	seq.s32 s5, $0x0;
	s5 =	sld [smem:$0x3FAD]  }
0x2b: {  	s6 =	sld [smem:$0x3FAE]  }
0x2c: {  	s7 =	sld [smem:$0x3FAF]  }
0x2d: {  	s3 =	simm.s32 $0x108;
	s8 =	sld [smem:$0x3FB0]  }
0x2e: {  	s3 =	simm.s32 @!p0 $0x1082;
	s9 =	sld [smem:$0x3FB1]  }
0x2f: {  	lr =	sadd.s32 s0, s3;
	s0 =	sld [smem:$0x3FA8]  }
0x30: {  	s3 =	sld [smem:$0x3FAB]  }
0x31: {  	[smem:$0x3FB4] =	sst s10  }
0x32: {  	s10 =	sld [smem:$0x3FB2];
	_ =	sdelay $0x3  }
0x33: {  	p0 =	seq.s32 s10, $0x1;
	s10 =	sld [smem:$0x3FB4];
	_ =	sdelay $0x3  }
0x34: {  	[smem:$0x3FB4] =	sst s10  }
0x35: {  	s10 =	sld [smem:$0x3FB3];
	_ =	sdelay $0x3  }
0x36: {  	p1 =	seq.s32 s10, $0x1;
	s10 =	sld [smem:$0x3FB4];
	_ =	sdelay $0x3  }
0x37: {  	[smem:$0x3FB4] =	sst s10  }
0x38: {  	s10 =	sld [smem:$0x3FB5]  }
0x39: {  	_ = 	snop;
	(pc) =	sbr.ind lr, $3  }
0x3a: {  	_ = 	snop  }
0x3b: {  	_ = 	snop  }
0x3c: {  	p2 =	seq.s32 s10, $0x1;
	s10 =	sld [smem:$0x3FB4]  }
0x3d: {  	_ =	shalt  }
0x3e: {  	_ =	shalt  }
0x3f: {  	_ =	shalt  }
0x40: {  	_ =	shalt  }
0x41: {  	_ =	shalt  }
0x42: {  	_ =	shalt  }
0x43: {  	_ =	shalt  }
0x44: {  	_ =	shalt  }
0x45: {  	_ =	shalt  }
0x46: {  	_ =	shalt  }
0x47: {  	_ =	shalt  }
0x48: {  	_ =	shalt  }
0x49: {  	_ =	shalt  }
0x4a: {  	_ =	shalt  }
0x4b: {  	_ =	shalt  }
0x4c: {  	_ =	shalt  }
0x4d: {  	_ =	shalt  }
0x4e: {  	_ =	shalt  }
0x4f: {  	_ =	shalt  }
0x50: {  	_ =	shalt  }
0x51: {  	_ =	shalt  }
0x52: {  	_ =	shalt  }
0x53: {  	_ =	shalt  }
0x54: {  	_ =	shalt  }
0x55: {  	_ =	shalt  }
0x56: {  	_ =	shalt  }
0x57: {  	_ =	shalt  }
0x58: {  	_ =	shalt  }
0x59: {  	_ =	shalt  }
0x5a: {  	_ =	shalt  }
0x5b: {  	_ =	shalt  }
0x5c: {  	_ =	shalt  }
0x5d: {  	_ =	shalt  }
0x5e: {  	_ =	shalt  }
0x5f: {  	_ =	shalt  }
0x60: {  	_ =	shalt  }
0x61: {  	_ =	shalt  }
0x62: {  	_ =	shalt  }
0x63: {  	_ =	shalt  }
0x64: {  	_ =	shalt  }
0x65: {  	_ =	shalt  }
0x66: {  	_ =	shalt  }
0x67: {  	_ =	shalt  }
0x68: {  	_ =	shalt  }
0x69: {  	_ =	shalt  }
0x6a: {  	_ =	shalt  }
0x6b: {  	_ =	shalt  }
0x6c: {  	_ =	shalt  }
0x6d: {  	_ =	shalt  }
0x6e: {  	_ =	shalt  }
0x6f: {  	_ =	shalt  }
0x70: {  	_ =	shalt  }
0x71: {  	_ =	shalt  }
0x72: {  	_ =	shalt  }
0x73: {  	_ =	shalt  }
0x74: {  	_ =	shalt  }
0x75: {  	_ =	shalt  }
0x76: {  	_ =	shalt  }
0x77: {  	_ =	shalt  }
0x78: {  	_ =	shalt  }
0x79: {  	_ =	shalt  }
0x7a: {  	_ =	shalt  }
0x7b: {  	_ =	shalt  }
0x7c: {  	_ =	shalt  }
0x7d: {  	_ =	shalt  }
0x7e: {  	_ =	shalt  }
0x7f: {  	_ =	shalt  }
0x80: {  	_ =	shalt  }
0x81: {  	_ =	shalt  }
0x82: {  	_ =	shalt  }
0x83: {  	_ =	shalt  }
0x84: {  	_ =	shalt  }
0x85: {  	_ =	shalt  }
0x86: {  	_ =	shalt  }
0x87: {  	_ =	shalt  }
.Lfunc_end0:
.L_simem_size_0:
called_computation.1_lowered:
.L_overlay_start_0:
0x88: {  	s2 =	sld [smem:$0x3FD9]  }
0x89: {  	s3 =	sld [smem:$0x3FFE];
	_ =	sdelay $0x1  }
0x8a: {  	s1 =	srdreg.scid  }
0x8b: {  	s0 =	sand.u32 $0x1, s1  }
0x8c: {  	s17 =	sshll.u32 s0, $0xA;
	s2 =	sadd.s32 s3, s2  }
0x8d: {  	s2 =	sadd.s32 s2, s17  }
0x8e: {  	[smem:$0x3FC0] =	sst s2  }
0x8f: {  	_ = 	snop  }
0x90: {  	s2 =	sld [smem:$0x3FD0];
	(tm) =	ssettm $0x1  }
0x91: {  	s18 =	sld [smem:$0x3FFB];
	_ =	sdelay $0x3  }
0x92: {  	_ =	strace s18  }
0x93: {  	s3 =	sld [smem:$0x3FFC];
	_ =	sdelay $0x3  }
0x94: {  	_ =	strace s3  }
0x95: {  	s3 =	sld [smem:$0x3FFD];
	_ =	sdelay $0x3  }
0x96: {  	_ =	strace s3  }
0x97: {  	_ =	strace $0x8FFFFFFF  }
0x98: {  	s19 =	sld [smem:$0x3FDB];
	_ =	sdelay $0x1  }
0x99: {  	s4 =	simm.s32 $_scs_section_size  }
0x9a: {  	s5 =	simm.s32 $_size__tile_overlayer_lowered;
	s6 =	simm.s32 $_tile_overlayer_lowered  }
0x9b: {  	s22 =	simm.s32 $0x1BFF;
	s21 =	sshll.u32 s6, $0x1;
	s3 =	sadd.s32 s4, s19  }
0x9c: {  	s7 =	simm.s32 $0x0;
	s20 =	sshll.u32 s5, $0x1;
	s5 =	sadd.s32 s21, s3  }
0x9d: {  	[timem:s7], [sflag:s22] =	dma.local [hbm:s5], s20  }
0x9e: {  	_ =	swait.ge [sflag:s22], s20  }
0x9f: {  	s4 =	ssub.s32 $0x0, s20;
	[sflag:s22] =	ssyncset.done $0x0  }
0xa0: {  	[sflag:s22] =	ssyncadd.s32 s4;
	_ =	sdelay $0x1  }
0xa1: {  	s23 =	simm.s32 $0x1B8B  }
0xa2: {  	_ =	swait.ge [sflag:s23], $0x1  }
0xa3: {  	[sflag:s23] =	ssyncset.done $0x0  }
0xa4: {  	s25 =	simm.s32 $0x1B8E;
	s24 =	sld [smem:$0x3FFE];
	[sflag:s23] =	ssyncadd.s32 $0xFFFFFFFF  }
0xa5: {  	s26 =	simm.s32 $execute0_lowered;
	[smem:$0x3FD2] =	sst s25  }
0xa6: {  	s5 =	sshll.u32 s26, $0x1;
	_ =	strace $0x80000049;
	[dreg:$0x1] =	wrdreg $0xFFFFFFFF  }
0xa7: {  	s28 =	simm.s32 $_size_execute0_lowered;
	s3 =	sadd.s32 s3, s5;
	[dreg:$0x0] =	wrdreg $0x0  }
0xa8: {  	s5 =	sshll.u32 s28, $0x1;
	[dreg:$0x2] =	wrdreg s3  }
0xa9: {  	[dreg:$0x3] =	wrdreg s5  }
0xaa: {  	[dreg:$0x4] =	wrdreg $0xC0  }
0xab: {  	_ =	task [dreg:s7], $0x5FFFF  }
0xac: {  	[dreg:$0x1] =	wrdreg $0xFFFFFFFF  }
0xad: {  	[dreg:$0x0] =	wrdreg $0x60  }
0xae: {  	[dreg:$0x2] =	wrdreg s2  }
0xaf: {  	[dreg:$0x3] =	wrdreg s24  }
0xb0: {  	[dreg:$0x4] =	wrdreg $0x120000  }
0xb1: {  	[dreg:$0x5] =	wrdreg $0x9  }
0xb2: {  	_ =	task.clear_ibuf [dreg:s7], $0x6FFFF;
	_ =	strace $0x90000049  }
0xb3: {  	s29 =	simm.s32 $0x9;
	_ =	strace $0x8000004B  }
0xb4: {  	_ =	swait.ge [sflag:s29], $0x1  }
0xb5: {  	[sflag:s29] =	ssyncadd.s32 $0xFFFFFFFF  }
0xb6: {  	_ =	strace $0x9000004B  }
0xb7: {  	_ =	sfence  }
0xb8: {  	s30 =	sld [smem:$0x0];
	_ =	sdelay $0x2  }
0xb9: {  	s31 =	sshll.u32 s1, $0xD;
	s1 =	sshrl.u32 s1, $0x2  }
0xba: {  	s3 =	sand.u32 $0x4000, s31;
	s1 =	sadd.s32 s1, s30  }
0xbb: {  	s0 =	sor.u32 s3, s0;
	s1 =	sshll.u32 s1, $0x11  }
0xbc: {  	s0 =	sor.u32 s1, s0  }
0xbd: {  	s0 =	sadd.s32 $0x8F2B, s0  }
0xbe: {  	[sflag:s0] =	ssyncadd.remote.s32 $0x1  }
0xbf: {  	_ =	sfence.sel $0xFFFF  }
0xc0: {  	[dreg:$0x0] =	wrdreg $0xFFFFFFFF;
	(pc) =	sbr.abs _section_cstart, $3  }
0xc1: {  	[dreg:$0x1] =	wrdreg $0xFFFFFFFF  }
0xc2: {  	_ =	task.clear_ibuf [dreg:s7], $0x2FFFF;
	_ =	strace $0x9FFFFFFF  }
0xc3: {  	(tm) =	ssettm $0x7FFFFFFF  }
tec
execute0_lowered:
.L_overlay_start_1:
0x0: {  	(tag) =	ssettag $0x1  }
0x1: {  	s6 =	rddreg [dreg:$0x0]  }
0x2: {  	s0 =	srdreg.scid;
	s7 =	rddreg [dreg:$0x1]  }
0x3: {  	s2 =	rddreg [dreg:$0x2];
	s3 =	simm.s32 $0x0;
	s15 =	simm.s32 $0x5000  }
0x4: {  	s16 =	simm.s32 $0x80;
	s5 =	sand.u32 $0x1, s0;
	s0 =	stileid.u32  }
0x5: {  	s17 =	simm.s32 $0xA000;
	s18 =	simm.s32 $0xE000;
	s9 =	smul.u32 $0x5000, s0  }
0x6: {  	s19 =	simm.s32 $0x1;
	s20 =	simm.s32 $0x2;
	s10 =	smul.u32 $0x140000, s5  }
0x7: {  	s21 =	simm.s32 $0x9F00;
	s22 =	simm.s32 $0x9F80;
	s11 =	smul.u32 $0xA000, s0  }
0x8: {  	s24 =	simm.s32 $0x0;
	[smem:$0x7FF] =	sst s3;
	s26 =	smul.u32 $0x29000, s0  }
0x9: {  	s4 =	sadd.s32 $0x2AA00, s7;
	s1 =	sshll.u32 s5, $0x4;
	s12 =	smul.u32 $0x1480, s0  }
0xa: {  	s5 =	ssub.s32 $0x2, s5;
	s30 =	smul.u32 $0x28000, s0;
	s1 =	sor.u32 s0, s1  }
0xb: {  	s31 =	sshll.u32 s0, $0x6;
	s28 =	sshrl.u32 s5, $0x1;
	s8 =	smul.u32 $0xA00, s1  }
0xc: {  	s1 =	rddreg [dreg:$0x3];
	_ =	strace $0x8000004A;
	s9 =	sshrl.u32 s9, $0x3  }
0xd: {  	s10 =	sadd.s32 s11, s10;
	s13 =	ssub.s32 s5, s28;
	s29 =	sshrl.u32 s26, $0x2  }
0xe: {  	s6 =	sadd.s32 s6, s12;
	s11 =	sshrl.u32 s30, $0x2;
	s12 =	simm.s32 $0x3  }
0xf: {  	s9 =	sadd.s32 s9, s7;
	s10 =	sshrl.u32 s10, $0x3;
	s14 =	sadd.s32 s29, s2  }
0x10: {  	s23 =	sadd.s32 s11, s2;
	s11 =	smax.u32 s13, $0x1;
	s13 =	sor.u32 $0x1C03, s31  }
0x11: {  	s8 =	sadd.s32 s8, s7;
	s10 =	sadd.s32 s10, s7;
	s7 =	sadd.s32 $0x16A00, s9  }
0x12: {  	s9 =	sadd.s32 $0x20A00, s9;
	s14 =	sshrl.u32 s14, $0x3;
	s23 =	sshrl.u32 s23, $0x3  }
0x13: {  	s5 =	sadd.s32 $0x2A00, s8;
	s8 =	sadd.s32 $0x78C00, s10;
	s10 =	sadd.s32 $0x8CC00, s10  }
.LBB2_1:
0x14: {  	[tilespmem:s3], [sflag:$0x3] =	stream.linear.gather [hbm4b:s5+s3], $0x5000, $0x38;
	[tilespmem:$0x1C400] =	vst v63  }
0x15: {  	_ =	swait.ge [sflag:s12], $0x5000  }
0x16: {  	[sflag:s12] =	ssyncset.done $0x0  }
0x17: {  	[sflag:s12] =	ssyncadd.s32 $0xFFFFB000  }
0x18: {  	[spmem:s14], [sflag:s13] =	dma.local [hbm:s6], $0x1480  }
0x19: {  	_ =	swait.ge [sflag:s12], $0x1480  }
0x1a: {  	[sflag:s12] =	ssyncset.done $0x0  }
0x1b: {  	[sflag:s12] =	ssyncadd.s32 $0xFFFFEB80  }
0x1c: {  	[tilespmem:s15], [sflag:$0x3] =	stream.linear.gather [hbm4b:s7+s3], $0x5000, $0x38;
	[tilespmem:$0x1C400] =	vst v63  }
0x1d: {  	_ =	swait.ge [sflag:s12], $0x5000  }
0x1e: {  	[sflag:s12] =	ssyncset.done $0x0  }
0x1f: {  	[sflag:s12] =	ssyncadd.s32 $0xFFFFB000  }
0x20: {  	[bflag:$0x0] =	sbarrier.arrive $0xFFFF  }
0x21: {  	[tilespmem:s17], [sflag:$0x1] =	stream.indirect.gather [hbm4b:s4+s16], $0x80, s3, s16, $0xb8;
	[tilespmem:$0x1C400] =	vst v63  }
0x22: {  	_ = 	snop  }
0x23: {  	[tilespmem:s18], [sflag:$0x2] =	stream.indirect.gather [hbm4b:s4+s16], $0x80, s16, s16, $0xb8;
	[tilespmem:$0x1C400] =	vst v63  }
0x24: {  	_ =	swait.ge [sflag:s19], $0x4000  }
0x25: {  	[sflag:s19] =	ssyncset.done $0x0  }
0x26: {  	s25 =	simm.s32 $0x5000;
	[sflag:s19] =	ssyncadd.s32 $0xFFFFC000  }
0x27: {  	[spmem:s2] =	stream.indirect.scatter.add.f32 [tilespmem:s17], [sflag:$0x3], $0x80, s25, s16, $0xb8;
	[tilespmem:$0x1C400] =	vst v63  }
0x28: {  	_ =	swait.ge [sflag:s12], $0x4000  }
0x29: {  	[sflag:s12] =	ssyncset.done $0x0  }
0x2a: {  	s30 =	simm.s32 $0x100;
	[sflag:s12] =	ssyncadd.s32 $0xFFFFC000  }
0x2b: {  	[tilespmem:s17], [sflag:$0x1] =	stream.indirect.gather [hbm4b:s4+s16], $0x80, s30, s16, $0xb8;
	[tilespmem:$0x1C400] =	vst v63  }
0x2c: {  	_ =	swait.ge [sflag:s20], $0x4000  }
0x2d: {  	[sflag:s20] =	ssyncset.done $0x0  }
0x2e: {  	s31 =	simm.s32 $0x5080;
	[sflag:s20] =	ssyncadd.s32 $0xFFFFC000  }
0x2f: {  	[spmem:s2] =	stream.indirect.scatter.add.f32 [tilespmem:s18], [sflag:$0x3], $0x80, s31, s16, $0xb8;
	[tilespmem:$0x1C400] =	vst v63  }
0x30: {  	_ =	swait.ge [sflag:s12], $0x4000  }
0x31: {  	[sflag:s12] =	ssyncset.done $0x0  }
0x32: {  	s26 =	simm.s32 $0x180;
	s25 =	simm.s32 $0x400;
	[sflag:s12] =	ssyncadd.s32 $0xFFFFC000  }
.LBB2_2:
0x33: {  	[tilespmem:s18], [sflag:$0x2] =	stream.indirect.gather [hbm4b:s4+s16], $0x80, s26, s16, $0xb8;
	[tilespmem:$0x1C400] =	vst v63  }
0x34: {  	s26 =	smov.u32 s25  }
0x35: {  	p0 =	sne.s32 s25, $0x13800;
	s25 =	sadd.s32 $0x400, s25;
	_ =	swait.ge [sflag:s19], $0x4000  }
0x36: {  	s26 =	sshra.s32 s26, $0x2;
	[sflag:s19] =	ssyncset.done $0x0  }
0x37: {  	s28 =	sadd.s32 $0x5000, s26;
	[sflag:s19] =	ssyncadd.s32 $0xFFFFC000  }
0x38: {  	[spmem:s2] =	stream.indirect.scatter.add.f32 [tilespmem:s17], [sflag:$0x3], $0x80, s28, s16, $0xb8;
	[tilespmem:$0x1C400] =	vst v63  }
0x39: {  	_ =	swait.ge [sflag:s12], $0x4000  }
0x3a: {  	[sflag:s12] =	ssyncset.done $0x0  }
0x3b: {  	s28 =	sadd.s32 $0x100, s26;
	[sflag:s12] =	ssyncadd.s32 $0xFFFFC000  }
0x3c: {  	[tilespmem:s17], [sflag:$0x1] =	stream.indirect.gather [hbm4b:s4+s16], $0x80, s28, s16, $0xb8;
	[tilespmem:$0x1C400] =	vst v63  }
0x3d: {  	_ =	swait.ge [sflag:s20], $0x4000  }
0x3e: {  	[sflag:s20] =	ssyncset.done $0x0  }
.Ltmp0:
0x3f: {  	s28 =	sadd.s32 $0x5080, s26;
	[sflag:s20] =	ssyncadd.s32 $0xFFFFC000;
	(pc) =	sbr.rel @p0 .LBB2_2-.Ltmp0, $4  }
0x40: {  	[spmem:s2] =	stream.indirect.scatter.add.f32 [tilespmem:s18], [sflag:$0x3], $0x80, s28, s16, $0xb8;
	[tilespmem:$0x1C400] =	vst v63  }
0x41: {  	_ =	swait.ge [sflag:s12], $0x4000  }
0x42: {  	[sflag:s12] =	ssyncset.done $0x0  }
0x43: {  	s26 =	sadd.s32 $0x180, s26;
	[sflag:s12] =	ssyncadd.s32 $0xFFFFC000  }
0x44: {  	[tilespmem:s18], [sflag:$0x2] =	stream.indirect.gather [hbm4b:s4+s16], $0x80, s26, s16, $0xb8;
	[tilespmem:$0x1C400] =	vst v63  }
0x45: {  	_ =	swait.ge [sflag:s19], $0x4000  }
0x46: {  	[sflag:s19] =	ssyncset.done $0x0  }
0x47: {  	[sflag:s19] =	ssyncadd.s32 $0xFFFFC000  }
0x48: {  	[spmem:s2] =	stream.indirect.scatter.add.f32 [tilespmem:s17], [sflag:$0x3], $0x80, s21, s16, $0xb8;
	[tilespmem:$0x1C400] =	vst v63  }
0x49: {  	_ =	swait.ge [sflag:s12], $0x4000  }
0x4a: {  	[sflag:s12] =	ssyncset.done $0x0  }
0x4b: {  	[sflag:s12] =	ssyncadd.s32 $0xFFFFC000  }
0x4c: {  	_ =	swait.ge [sflag:s20], $0x4000  }
0x4d: {  	[sflag:s20] =	ssyncset.done $0x0  }
0x4e: {  	[sflag:s20] =	ssyncadd.s32 $0xFFFFC000  }
0x4f: {  	[spmem:s2] =	stream.indirect.scatter.add.f32 [tilespmem:s18], [sflag:$0x3], $0x80, s22, s16, $0xb8;
	[tilespmem:$0x1C400] =	vst v63  }
0x50: {  	_ =	swait.ge [sflag:s12], $0x4000  }
0x51: {  	[sflag:s12] =	ssyncset.done $0x0  }
0x52: {  	[sflag:s12] =	ssyncadd.s32 $0xFFFFC000  }
0x53: {  	[bflag:$0x0] =	sbarrier.arrive $0xFFFF  }
0x54: {  	[hbm:s8], [sflag:s13] =	dma.local [spmem:s23], $0x1400  }
0x55: {  	_ =	swait.ge [sflag:s12], $0x1400  }
0x56: {  	[sflag:s12] =	ssyncset.done $0x0  }
0x57: {  	[sflag:s12] =	ssyncadd.s32 $0xFFFFEC00  }
0x58: {  	[bflag:$0x0] =	sbarrier.arrive $0xFFFF  }
0x59: {  	[spmem:s14], [sflag:s13] =	dma.local [hbm:s6], $0x1480  }
0x5a: {  	_ =	swait.ge [sflag:s12], $0x1480  }
0x5b: {  	[sflag:s12] =	ssyncset.done $0x0  }
0x5c: {  	s25 =	simm.s32 $0x0;
	[sflag:s12] =	ssyncadd.s32 $0xFFFFEB80  }
0x5d: {  	[tilespmem:s15], [sflag:$0x3] =	stream.linear.gather [hbm4b:s9+s25], $0x5000, $0x38;
	[tilespmem:$0x1C400] =	vst v63  }
0x5e: {  	_ =	swait.ge [sflag:s12], $0x5000  }
0x5f: {  	[sflag:s12] =	ssyncset.done $0x0  }
0x60: {  	[sflag:s12] =	ssyncadd.s32 $0xFFFFB000  }
0x61: {  	[bflag:$0x0] =	sbarrier.arrive $0xFFFF  }
0x62: {  	[tilespmem:s17], [sflag:$0x1] =	stream.indirect.gather [hbm4b:s4+s16], $0x80, s25, s16, $0xb8;
	[tilespmem:$0x1C400] =	vst v63  }
0x63: {  	_ = 	snop  }
0x64: {  	[tilespmem:s18], [sflag:$0x2] =	stream.indirect.gather [hbm4b:s4+s16], $0x80, s16, s16, $0xb8;
	[tilespmem:$0x1C400] =	vst v63  }
0x65: {  	_ =	swait.ge [sflag:s19], $0x4000  }
0x66: {  	[sflag:s19] =	ssyncset.done $0x0  }
0x67: {  	s29 =	simm.s32 $0x5000;
	[sflag:s19] =	ssyncadd.s32 $0xFFFFC000  }
0x68: {  	[spmem:s2] =	stream.indirect.scatter.add.f32 [tilespmem:s17], [sflag:$0x3], $0x80, s29, s16, $0xb8;
	[tilespmem:$0x1C400] =	vst v63  }
0x69: {  	_ =	swait.ge [sflag:s12], $0x4000  }
0x6a: {  	[sflag:s12] =	ssyncset.done $0x0  }
0x6b: {  	s30 =	simm.s32 $0x100;
	[sflag:s12] =	ssyncadd.s32 $0xFFFFC000  }
0x6c: {  	[tilespmem:s17], [sflag:$0x1] =	stream.indirect.gather [hbm4b:s4+s16], $0x80, s30, s16, $0xb8;
	[tilespmem:$0x1C400] =	vst v63  }
0x6d: {  	_ =	swait.ge [sflag:s20], $0x4000  }
0x6e: {  	[sflag:s20] =	ssyncset.done $0x0  }
0x6f: {  	s31 =	simm.s32 $0x5080;
	[sflag:s20] =	ssyncadd.s32 $0xFFFFC000  }
0x70: {  	[spmem:s2] =	stream.indirect.scatter.add.f32 [tilespmem:s18], [sflag:$0x3], $0x80, s31, s16, $0xb8;
	[tilespmem:$0x1C400] =	vst v63  }
0x71: {  	_ =	swait.ge [sflag:s12], $0x4000  }
0x72: {  	[sflag:s12] =	ssyncset.done $0x0  }
0x73: {  	s26 =	simm.s32 $0x180;
	s25 =	simm.s32 $0x400;
	[sflag:s12] =	ssyncadd.s32 $0xFFFFC000  }
.LBB2_4:
0x74: {  	[tilespmem:s18], [sflag:$0x2] =	stream.indirect.gather [hbm4b:s4+s16], $0x80, s26, s16, $0xb8;
	[tilespmem:$0x1C400] =	vst v63  }
0x75: {  	s26 =	smov.u32 s25  }
0x76: {  	p0 =	sne.s32 s25, $0x13800;
	s25 =	sadd.s32 $0x400, s25;
	_ =	swait.ge [sflag:s19], $0x4000  }
0x77: {  	s26 =	sshra.s32 s26, $0x2;
	[sflag:s19] =	ssyncset.done $0x0  }
0x78: {  	s28 =	sadd.s32 $0x5000, s26;
	[sflag:s19] =	ssyncadd.s32 $0xFFFFC000  }
0x79: {  	[spmem:s2] =	stream.indirect.scatter.add.f32 [tilespmem:s17], [sflag:$0x3], $0x80, s28, s16, $0xb8;
	[tilespmem:$0x1C400] =	vst v63  }
0x7a: {  	_ =	swait.ge [sflag:s12], $0x4000  }
0x7b: {  	[sflag:s12] =	ssyncset.done $0x0  }
0x7c: {  	s28 =	sadd.s32 $0x100, s26;
	[sflag:s12] =	ssyncadd.s32 $0xFFFFC000  }
0x7d: {  	[tilespmem:s17], [sflag:$0x1] =	stream.indirect.gather [hbm4b:s4+s16], $0x80, s28, s16, $0xb8;
	[tilespmem:$0x1C400] =	vst v63  }
0x7e: {  	_ =	swait.ge [sflag:s20], $0x4000  }
0x7f: {  	[sflag:s20] =	ssyncset.done $0x0  }
.Ltmp1:
0x80: {  	s28 =	sadd.s32 $0x5080, s26;
	[sflag:s20] =	ssyncadd.s32 $0xFFFFC000;
	(pc) =	sbr.rel @p0 .LBB2_4-.Ltmp1, $4  }
0x81: {  	[spmem:s2] =	stream.indirect.scatter.add.f32 [tilespmem:s18], [sflag:$0x3], $0x80, s28, s16, $0xb8;
	[tilespmem:$0x1C400] =	vst v63  }
0x82: {  	_ =	swait.ge [sflag:s12], $0x4000  }
0x83: {  	[sflag:s12] =	ssyncset.done $0x0  }
0x84: {  	s26 =	sadd.s32 $0x180, s26;
	[sflag:s12] =	ssyncadd.s32 $0xFFFFC000  }
0x85: {  	[tilespmem:s18], [sflag:$0x2] =	stream.indirect.gather [hbm4b:s4+s16], $0x80, s26, s16, $0xb8;
	[tilespmem:$0x1C400] =	vst v63  }
0x86: {  	_ =	swait.ge [sflag:s19], $0x4000  }
0x87: {  	[sflag:s19] =	ssyncset.done $0x0  }
0x88: {  	[sflag:s19] =	ssyncadd.s32 $0xFFFFC000  }
0x89: {  	[spmem:s2] =	stream.indirect.scatter.add.f32 [tilespmem:s17], [sflag:$0x3], $0x80, s21, s16, $0xb8;
	[tilespmem:$0x1C400] =	vst v63  }
0x8a: {  	_ =	swait.ge [sflag:s12], $0x4000  }
0x8b: {  	[sflag:s12] =	ssyncset.done $0x0  }
0x8c: {  	[sflag:s12] =	ssyncadd.s32 $0xFFFFC000  }
0x8d: {  	_ =	swait.ge [sflag:s20], $0x4000  }
0x8e: {  	[sflag:s20] =	ssyncset.done $0x0  }
0x8f: {  	[sflag:s20] =	ssyncadd.s32 $0xFFFFC000  }
0x90: {  	[spmem:s2] =	stream.indirect.scatter.add.f32 [tilespmem:s18], [sflag:$0x3], $0x80, s22, s16, $0xb8;
	[tilespmem:$0x1C400] =	vst v63  }
0x91: {  	_ =	swait.ge [sflag:s12], $0x4000  }
0x92: {  	[sflag:s12] =	ssyncset.done $0x0  }
0x93: {  	s24 =	sadd.s32 $0x1, s24;
	[sflag:s12] =	ssyncadd.s32 $0xFFFFC000  }
0x94: {  	p0 =	sne.s32 s24, s11;
	[bflag:$0x0] =	sbarrier.arrive $0xFFFF  }
0x95: {  	[hbm:s10], [sflag:s13] =	dma.local [spmem:s23], $0x1400  }
.Ltmp2:
0x96: {  	_ =	swait.ge [sflag:s12], $0x1400;
	(pc) =	sbr.rel @p0 .LBB2_1-.Ltmp2, $3  }
0x97: {  	[sflag:s12] =	ssyncset.done $0x0  }
0x98: {  	[sflag:s12] =	ssyncadd.s32 $0xFFFFEC00  }
0x99: {  	[bflag:$0x0] =	sbarrier.arrive $0xFFFF;
	_ =	sdelay $0x1  }
0x9a: {  	_ =	sfence.sel $0x180000  }
0x9b: {  	[bflag:$0x0] =	sbarrier.arrive $0xFFFF  }
0x9c: {  	p0 =	sne.s32 s0, $0x0;
	_ =	strace $0x9000004A  }
0x9d: {  	s0 =	sadd.s32 @!p0 $0x100000, s1;
	[bflag:$0x2] =	sbarrier.arrive $0xFFFF  }
0x9e: {  	[sflag:s0] =	ssyncadd.tile.s32 @!p0 $0x1;
	_ =	shalt  }
.Lfunc_end2:
_tile_overlayer_lowered:
.L_overlay_start_2:
0x9f: {  	(tag) =	ssettag $0x2  }
0xa0: {  	s0 =	rddreg [dreg:$0x0];
	s2 =	stileid.u32  }
0xa1: {  	s1 =	rddreg [dreg:$0x1];
	p0 =	sne.s32 s2, $0x0  }
0xa2: {  	s3 =	rddreg [dreg:$0x2];
	[bflag:$0x3] =	sbarrier.arrive $0xFFFF;
	s2 =	simm.s32 @!p0 $0x1C03  }
0xa3: {  	[timem:s3], [sflag:s2] =	dma.local @!p0 [hbm:s0], s1  }
0xa4: {  	s0 =	simm.s32 @!p0 $0x3  }
0xa5: {  	_ =	swait.ge @!p0 [sflag:s0], s1  }
0xa6: {  	s1 =	ssub.s32 @!p0 $0x0, s1;
	[sflag:s0] =	ssyncset.done @!p0 $0x0  }
0xa7: {  	[sflag:s0] =	ssyncadd.s32 @!p0 s1  }
0xa8: {  	[bflag:$0x3] =	sbarrier.arrive $0xFFFF  }
0xa9: {  	_ =	shalt  }

// kernel: kernel.14.cloned.1.call-start
scs
__scs_entry_jumppad:
0x0: {  	(pc) =	sbr.rel $0x88, $3  }
0x1: {  	(tag) =	ssettag $0x0;
	lr =	simm.s32 $0x1  }
0x2: {  	[smem:$0x3F99] =	sst lr;
	_ =	strace $0xD0000000  }
0x3: {  	_ = 	snop  }
0x4: {  	_ = 	snop  }
0x5: {  	_ = 	snop  }
0x6: {  	_ = 	snop  }
0x7: {  	_ = 	snop  }
__scs_overlays_trampoline_lowered:
0x8: {  	[smem:$0x3FA8] =	sst s0  }
0x9: {  	[smem:$0x3FA9] =	sst s1  }
0xa: {  	[smem:$0x3FAA] =	sst s2  }
0xb: {  	[smem:$0x3FAB] =	sst s3  }
0xc: {  	[smem:$0x3FAC] =	sst s4  }
0xd: {  	[smem:$0x3FAD] =	sst s5  }
0xe: {  	[smem:$0x3FAE] =	sst s6  }
0xf: {  	[smem:$0x3FAF] =	sst s7  }
0x10: {  	[smem:$0x3FB0] =	sst s8  }
0x11: {  	[smem:$0x3FB1] =	sst s9;
	s0 =	simm.s32 @!p0 $0x0  }
0x12: {  	s1 =	sld [smem:$0x3F97];
	s0 =	simm.s32 @p0 $0x1  }
0x13: {  	[smem:$0x3FB2] =	sst s0;
	s0 =	simm.s32 @!p1 $0x0  }
0x14: {  	s2 =	sld [smem:$0x3F96];
	s0 =	simm.s32 @p1 $0x1  }
0x15: {  	[smem:$0x3FB3] =	sst s0;
	s0 =	simm.s32 @!p2 $0x0  }
0x16: {  	s3 =	sld [smem:$0x3FDB];
	s0 =	simm.s32 @p2 $0x1  }
0x17: {  	s4 =	simm.s32 $0x1BF5;
	[smem:$0x3FB5] =	sst s0  }
0x18: {  	s0 =	sld [smem:$0x3F98];
	_ =	swait.ge [sflag:s4], $0x0  }
0x19: {  	s7 =	sld [smem:$0x3F99]  }
0x1a: {  	s8 =	sadd.s32 $0xFFFFE003, lr  }
0x1b: {  	s9 =	sadd.s32 $0xFFFFFEF7, lr;
	s5 =	simm.s32 $0xFFFFFFFF;
	p2 =	slt.u32 s8, $0xFFFFF086  }
0x1c: {  	p1 =	slt.u32 s9, $0xF7A;
	s5 =	simm.s32 @!p2 $0x0  }
0x1d: {  	s5 =	simm.s32 @p1 $0x1;
	p0 =	seq.s32 s7, s2  }
0x1e: {  	s7 =	smul.u32 @!p0 $0xF7A, s2;
	p2 =	seq.s32 @!p0 s5, $0x0  }
0x1f: {  	s9 =	smul.u32 $0xF7A, s1;
	s8 =	simm.s32 @!p0 $0x1BF5;
	p2 =	por !p2, p0  }
0x20: {  	[sflag:s8] =	ssyncset.s32 @!p0 $0xFFFFF086;
	s6 =	sadd.s32 @!p0 s3, s7;
	s7 =	simm.s32 @!p0 $0x108  }
0x21: {  	s3 =	sadd.s32 s3, s9;
	s6 =	sadd.s32 @!p0 $0x88, s6;
	s7 =	simm.s32 @p2 $0x1082  }
0x22: {  	[simem:s7], [sflag:s8] =	dma.local @!p0 [hbm:s6], $0xF7A  }
0x23: {  	s9 =	sor.u32 $0xD0000000, s2;
	s6 =	simm.s32 $0x108;
	_ =	swait.ge @!p0 [sflag:s8], $0x0  }
0x24: {  	s3 =	sadd.s32 $0x88, s3;
	s6 =	simm.s32 @!p1 $0x1082;
	[sflag:s4] =	ssyncset.s32 $0xFFFFF086  }
0x25: {  	[simem:s6], [sflag:s4] =	dma.local [hbm:s3], $0xF7A  }
0x26: {  	[smem:$0x3F99] =	sst s1;
	(tag) =	ssettag s2;
	_ =	strace s9  }
0x27: {  	s1 =	sld [smem:$0x3FA9]  }
0x28: {  	s2 =	sld [smem:$0x3FAA]  }
0x29: {  	s4 =	sld [smem:$0x3FAC]  }
0x2a: {  	p0 =	seq.s32 s5, $0x0;
	s5 =	sld [smem:$0x3FAD]  }
0x2b: {  	s6 =	sld [smem:$0x3FAE]  }
0x2c: {  	s7 =	sld [smem:$0x3FAF]  }
0x2d: {  	s3 =	simm.s32 $0x108;
	s8 =	sld [smem:$0x3FB0]  }
0x2e: {  	s3 =	simm.s32 @!p0 $0x1082;
	s9 =	sld [smem:$0x3FB1]  }
0x2f: {  	lr =	sadd.s32 s0, s3;
	s0 =	sld [smem:$0x3FA8]  }
0x30: {  	s3 =	sld [smem:$0x3FAB]  }
0x31: {  	[smem:$0x3FB4] =	sst s10  }
0x32: {  	s10 =	sld [smem:$0x3FB2];
	_ =	sdelay $0x3  }
0x33: {  	p0 =	seq.s32 s10, $0x1;
	s10 =	sld [smem:$0x3FB4];
	_ =	sdelay $0x3  }
0x34: {  	[smem:$0x3FB4] =	sst s10  }
0x35: {  	s10 =	sld [smem:$0x3FB3];
	_ =	sdelay $0x3  }
0x36: {  	p1 =	seq.s32 s10, $0x1;
	s10 =	sld [smem:$0x3FB4];
	_ =	sdelay $0x3  }
0x37: {  	[smem:$0x3FB4] =	sst s10  }
0x38: {  	s10 =	sld [smem:$0x3FB5]  }
0x39: {  	_ = 	snop;
	(pc) =	sbr.ind lr, $3  }
0x3a: {  	_ = 	snop  }
0x3b: {  	_ = 	snop  }
0x3c: {  	p2 =	seq.s32 s10, $0x1;
	s10 =	sld [smem:$0x3FB4]  }
0x3d: {  	_ =	shalt  }
0x3e: {  	_ =	shalt  }
0x3f: {  	_ =	shalt  }
0x40: {  	_ =	shalt  }
0x41: {  	_ =	shalt  }
0x42: {  	_ =	shalt  }
0x43: {  	_ =	shalt  }
0x44: {  	_ =	shalt  }
0x45: {  	_ =	shalt  }
0x46: {  	_ =	shalt  }
0x47: {  	_ =	shalt  }
0x48: {  	_ =	shalt  }
0x49: {  	_ =	shalt  }
0x4a: {  	_ =	shalt  }
0x4b: {  	_ =	shalt  }
0x4c: {  	_ =	shalt  }
0x4d: {  	_ =	shalt  }
0x4e: {  	_ =	shalt  }
0x4f: {  	_ =	shalt  }
0x50: {  	_ =	shalt  }
0x51: {  	_ =	shalt  }
0x52: {  	_ =	shalt  }
0x53: {  	_ =	shalt  }
0x54: {  	_ =	shalt  }
0x55: {  	_ =	shalt  }
0x56: {  	_ =	shalt  }
0x57: {  	_ =	shalt  }
0x58: {  	_ =	shalt  }
0x59: {  	_ =	shalt  }
0x5a: {  	_ =	shalt  }
0x5b: {  	_ =	shalt  }
0x5c: {  	_ =	shalt  }
0x5d: {  	_ =	shalt  }
0x5e: {  	_ =	shalt  }
0x5f: {  	_ =	shalt  }
0x60: {  	_ =	shalt  }
0x61: {  	_ =	shalt  }
0x62: {  	_ =	shalt  }
0x63: {  	_ =	shalt  }
0x64: {  	_ =	shalt  }
0x65: {  	_ =	shalt  }
0x66: {  	_ =	shalt  }
0x67: {  	_ =	shalt  }
0x68: {  	_ =	shalt  }
0x69: {  	_ =	shalt  }
0x6a: {  	_ =	shalt  }
0x6b: {  	_ =	shalt  }
0x6c: {  	_ =	shalt  }
0x6d: {  	_ =	shalt  }
0x6e: {  	_ =	shalt  }
0x6f: {  	_ =	shalt  }
0x70: {  	_ =	shalt  }
0x71: {  	_ =	shalt  }
0x72: {  	_ =	shalt  }
0x73: {  	_ =	shalt  }
0x74: {  	_ =	shalt  }
0x75: {  	_ =	shalt  }
0x76: {  	_ =	shalt  }
0x77: {  	_ =	shalt  }
0x78: {  	_ =	shalt  }
0x79: {  	_ =	shalt  }
0x7a: {  	_ =	shalt  }
0x7b: {  	_ =	shalt  }
0x7c: {  	_ =	shalt  }
0x7d: {  	_ =	shalt  }
0x7e: {  	_ =	shalt  }
0x7f: {  	_ =	shalt  }
0x80: {  	_ =	shalt  }
0x81: {  	_ =	shalt  }
0x82: {  	_ =	shalt  }
0x83: {  	_ =	shalt  }
0x84: {  	_ =	shalt  }
0x85: {  	_ =	shalt  }
0x86: {  	_ =	shalt  }
0x87: {  	_ =	shalt  }
.Lfunc_end0:
.L_simem_size_0:
called_computation.2_lowered:
.L_overlay_start_0:
0x88: {  	s2 =	sld [smem:$0x3FD9]  }
0x89: {  	s3 =	sld [smem:$0x3FFE];
	_ =	sdelay $0x1  }
0x8a: {  	s1 =	srdreg.scid  }
0x8b: {  	s0 =	sand.u32 $0x1, s1  }
0x8c: {  	s17 =	sshll.u32 s0, $0xA;
	s2 =	sadd.s32 s3, s2  }
0x8d: {  	s2 =	sadd.s32 s2, s17  }
0x8e: {  	[smem:$0x3FC0] =	sst s2  }
0x8f: {  	_ = 	snop  }
0x90: {  	s2 =	sld [smem:$0x3FD0];
	(tm) =	ssettm $0x1  }
0x91: {  	s18 =	sld [smem:$0x3FFB];
	_ =	sdelay $0x3  }
0x92: {  	_ =	strace s18  }
0x93: {  	s3 =	sld [smem:$0x3FFC];
	_ =	sdelay $0x3  }
0x94: {  	_ =	strace s3  }
0x95: {  	s3 =	sld [smem:$0x3FFD];
	_ =	sdelay $0x3  }
0x96: {  	_ =	strace s3  }
0x97: {  	_ =	strace $0x8FFFFFFF  }
0x98: {  	s19 =	sld [smem:$0x3FDB];
	_ =	sdelay $0x1  }
0x99: {  	s4 =	simm.s32 $_scs_section_size  }
0x9a: {  	s5 =	simm.s32 $_size__tile_overlayer_lowered;
	s6 =	simm.s32 $_tile_overlayer_lowered  }
0x9b: {  	s22 =	simm.s32 $0x1BFF;
	s21 =	sshll.u32 s6, $0x1;
	s3 =	sadd.s32 s4, s19  }
0x9c: {  	s7 =	simm.s32 $0x0;
	s20 =	sshll.u32 s5, $0x1;
	s5 =	sadd.s32 s21, s3  }
0x9d: {  	[timem:s7], [sflag:s22] =	dma.local [hbm:s5], s20  }
0x9e: {  	_ =	swait.ge [sflag:s22], s20  }
0x9f: {  	s4 =	ssub.s32 $0x0, s20;
	[sflag:s22] =	ssyncset.done $0x0  }
0xa0: {  	[sflag:s22] =	ssyncadd.s32 s4;
	_ =	sdelay $0x1  }
0xa1: {  	s23 =	simm.s32 $0x1B8B  }
0xa2: {  	_ =	swait.ge [sflag:s23], $0x1  }
0xa3: {  	[sflag:s23] =	ssyncset.done $0x0  }
0xa4: {  	s25 =	simm.s32 $0x1B8E;
	s24 =	sld [smem:$0x3FFE];
	[sflag:s23] =	ssyncadd.s32 $0xFFFFFFFF  }
0xa5: {  	s26 =	simm.s32 $execute0_lowered;
	[smem:$0x3FD2] =	sst s25  }
0xa6: {  	s5 =	sshll.u32 s26, $0x1;
	_ =	strace $0x8000004C;
	[dreg:$0x1] =	wrdreg $0xFFFFFFFF  }
0xa7: {  	s28 =	simm.s32 $_size_execute0_lowered;
	s3 =	sadd.s32 s3, s5;
	[dreg:$0x0] =	wrdreg $0x0  }
0xa8: {  	s5 =	sshll.u32 s28, $0x1;
	[dreg:$0x2] =	wrdreg s3  }
0xa9: {  	[dreg:$0x3] =	wrdreg s5  }
0xaa: {  	[dreg:$0x4] =	wrdreg $0xC0  }
0xab: {  	_ =	task [dreg:s7], $0x5FFFF  }
0xac: {  	[dreg:$0x1] =	wrdreg $0xFFFFFFFF  }
0xad: {  	[dreg:$0x0] =	wrdreg $0x60  }
0xae: {  	[dreg:$0x2] =	wrdreg s2  }
0xaf: {  	[dreg:$0x3] =	wrdreg s24  }
0xb0: {  	[dreg:$0x4] =	wrdreg $0x120000  }
0xb1: {  	[dreg:$0x5] =	wrdreg $0x9  }
0xb2: {  	_ =	task.clear_ibuf [dreg:s7], $0x6FFFF;
	_ =	strace $0x9000004C  }
0xb3: {  	s29 =	simm.s32 $0x9;
	_ =	strace $0x8000004E  }
0xb4: {  	_ =	swait.ge [sflag:s29], $0x1  }
0xb5: {  	[sflag:s29] =	ssyncadd.s32 $0xFFFFFFFF  }
0xb6: {  	_ =	strace $0x9000004E  }
0xb7: {  	_ =	sfence  }
0xb8: {  	s30 =	sld [smem:$0x0];
	_ =	sdelay $0x2  }
0xb9: {  	s31 =	sshll.u32 s1, $0xD;
	s1 =	sshrl.u32 s1, $0x2  }
0xba: {  	s3 =	sand.u32 $0x4000, s31;
	s1 =	sadd.s32 s1, s30  }
0xbb: {  	s0 =	sor.u32 s3, s0;
	s1 =	sshll.u32 s1, $0x11  }
0xbc: {  	s0 =	sor.u32 s1, s0  }
0xbd: {  	s0 =	sadd.s32 $0x8F2B, s0  }
0xbe: {  	[sflag:s0] =	ssyncadd.remote.s32 $0x1  }
0xbf: {  	_ =	sfence.sel $0xFFFF  }
0xc0: {  	[dreg:$0x0] =	wrdreg $0xFFFFFFFF;
	(pc) =	sbr.abs _section_cstart, $3  }
0xc1: {  	[dreg:$0x1] =	wrdreg $0xFFFFFFFF  }
0xc2: {  	_ =	task.clear_ibuf [dreg:s7], $0x2FFFF;
	_ =	strace $0x9FFFFFFF  }
0xc3: {  	(tm) =	ssettm $0x7FFFFFFF  }
tec
execute0_lowered:
.L_overlay_start_1:
0x0: {  	(tag) =	ssettag $0x1  }
0x1: {  	s6 =	rddreg [dreg:$0x0]  }
0x2: {  	s0 =	srdreg.scid;
	s7 =	rddreg [dreg:$0x1]  }
0x3: {  	s2 =	rddreg [dreg:$0x2];
	s3 =	simm.s32 $0x0;
	s15 =	simm.s32 $0x5000  }
0x4: {  	s16 =	simm.s32 $0x80;
	s5 =	sand.u32 $0x1, s0;
	s0 =	stileid.u32  }
0x5: {  	s17 =	simm.s32 $0xA000;
	s18 =	simm.s32 $0xE000;
	s9 =	smul.u32 $0x5000, s0  }
0x6: {  	s19 =	simm.s32 $0x1;
	s20 =	simm.s32 $0x2;
	s10 =	smul.u32 $0x140000, s5  }
0x7: {  	s21 =	simm.s32 $0x9F00;
	s22 =	simm.s32 $0x9F80;
	s11 =	smul.u32 $0xA000, s0  }
0x8: {  	s24 =	simm.s32 $0x0;
	[smem:$0x7FF] =	sst s3;
	s26 =	smul.u32 $0x29000, s0  }
0x9: {  	s4 =	sadd.s32 $0x2AA00, s7;
	s1 =	sshll.u32 s5, $0x4;
	s12 =	smul.u32 $0x1480, s0  }
0xa: {  	s5 =	ssub.s32 $0x2, s5;
	s30 =	smul.u32 $0x28000, s0;
	s1 =	sor.u32 s0, s1  }
0xb: {  	s31 =	sshll.u32 s0, $0x6;
	s28 =	sshrl.u32 s5, $0x1;
	s8 =	smul.u32 $0xA00, s1  }
0xc: {  	s1 =	rddreg [dreg:$0x3];
	_ =	strace $0x8000004D;
	s9 =	sshrl.u32 s9, $0x3  }
0xd: {  	s10 =	sadd.s32 s11, s10;
	s13 =	ssub.s32 s5, s28;
	s29 =	sshrl.u32 s26, $0x2  }
0xe: {  	s6 =	sadd.s32 s6, s12;
	s11 =	sshrl.u32 s30, $0x2;
	s12 =	simm.s32 $0x3  }
0xf: {  	s9 =	sadd.s32 s9, s7;
	s10 =	sshrl.u32 s10, $0x3;
	s14 =	sadd.s32 s29, s2  }
0x10: {  	s23 =	sadd.s32 s11, s2;
	s11 =	smax.u32 s13, $0x1;
	s13 =	sor.u32 $0x1C03, s31  }
0x11: {  	s8 =	sadd.s32 s8, s7;
	s10 =	sadd.s32 s10, s7;
	s7 =	sadd.s32 $0x16A00, s9  }
0x12: {  	s9 =	sadd.s32 $0x20A00, s9;
	s14 =	sshrl.u32 s14, $0x3;
	s23 =	sshrl.u32 s23, $0x3  }
0x13: {  	s5 =	sadd.s32 $0x2A00, s8;
	s8 =	sadd.s32 $0x78C00, s10;
	s10 =	sadd.s32 $0x8CC00, s10  }
.LBB2_1:
0x14: {  	[tilespmem:s3], [sflag:$0x3] =	stream.linear.gather [hbm4b:s5+s3], $0x5000, $0x38;
	[tilespmem:$0x1C400] =	vst v63  }
0x15: {  	_ =	swait.ge [sflag:s12], $0x5000  }
0x16: {  	[sflag:s12] =	ssyncset.done $0x0  }
0x17: {  	[sflag:s12] =	ssyncadd.s32 $0xFFFFB000  }
0x18: {  	[spmem:s14], [sflag:s13] =	dma.local [hbm:s6], $0x1480  }
0x19: {  	_ =	swait.ge [sflag:s12], $0x1480  }
0x1a: {  	[sflag:s12] =	ssyncset.done $0x0  }
0x1b: {  	[sflag:s12] =	ssyncadd.s32 $0xFFFFEB80  }
0x1c: {  	[tilespmem:s15], [sflag:$0x3] =	stream.linear.gather [hbm4b:s7+s3], $0x5000, $0x38;
	[tilespmem:$0x1C400] =	vst v63  }
0x1d: {  	_ =	swait.ge [sflag:s12], $0x5000  }
0x1e: {  	[sflag:s12] =	ssyncset.done $0x0  }
0x1f: {  	[sflag:s12] =	ssyncadd.s32 $0xFFFFB000  }
0x20: {  	[bflag:$0x0] =	sbarrier.arrive $0xFFFF  }
0x21: {  	[tilespmem:s17], [sflag:$0x1] =	stream.indirect.gather [hbm4b:s4+s16], $0x80, s3, s16, $0xb8;
	[tilespmem:$0x1C400] =	vst v63  }
0x22: {  	_ = 	snop  }
0x23: {  	[tilespmem:s18], [sflag:$0x2] =	stream.indirect.gather [hbm4b:s4+s16], $0x80, s16, s16, $0xb8;
	[tilespmem:$0x1C400] =	vst v63  }
0x24: {  	_ =	swait.ge [sflag:s19], $0x4000  }
0x25: {  	[sflag:s19] =	ssyncset.done $0x0  }
0x26: {  	s25 =	simm.s32 $0x5000;
	[sflag:s19] =	ssyncadd.s32 $0xFFFFC000  }
0x27: {  	[spmem:s2] =	stream.indirect.scatter.add.f32 [tilespmem:s17], [sflag:$0x3], $0x80, s25, s16, $0xb8;
	[tilespmem:$0x1C400] =	vst v63  }
0x28: {  	_ =	swait.ge [sflag:s12], $0x4000  }
0x29: {  	[sflag:s12] =	ssyncset.done $0x0  }
0x2a: {  	s30 =	simm.s32 $0x100;
	[sflag:s12] =	ssyncadd.s32 $0xFFFFC000  }
0x2b: {  	[tilespmem:s17], [sflag:$0x1] =	stream.indirect.gather [hbm4b:s4+s16], $0x80, s30, s16, $0xb8;
	[tilespmem:$0x1C400] =	vst v63  }
0x2c: {  	_ =	swait.ge [sflag:s20], $0x4000  }
0x2d: {  	[sflag:s20] =	ssyncset.done $0x0  }
0x2e: {  	s31 =	simm.s32 $0x5080;
	[sflag:s20] =	ssyncadd.s32 $0xFFFFC000  }
0x2f: {  	[spmem:s2] =	stream.indirect.scatter.add.f32 [tilespmem:s18], [sflag:$0x3], $0x80, s31, s16, $0xb8;
	[tilespmem:$0x1C400] =	vst v63  }
0x30: {  	_ =	swait.ge [sflag:s12], $0x4000  }
0x31: {  	[sflag:s12] =	ssyncset.done $0x0  }
0x32: {  	s26 =	simm.s32 $0x180;
	s25 =	simm.s32 $0x400;
	[sflag:s12] =	ssyncadd.s32 $0xFFFFC000  }
.LBB2_2:
0x33: {  	[tilespmem:s18], [sflag:$0x2] =	stream.indirect.gather [hbm4b:s4+s16], $0x80, s26, s16, $0xb8;
	[tilespmem:$0x1C400] =	vst v63  }
0x34: {  	s26 =	smov.u32 s25  }
0x35: {  	p0 =	sne.s32 s25, $0x13800;
	s25 =	sadd.s32 $0x400, s25;
	_ =	swait.ge [sflag:s19], $0x4000  }
0x36: {  	s26 =	sshra.s32 s26, $0x2;
	[sflag:s19] =	ssyncset.done $0x0  }
0x37: {  	s28 =	sadd.s32 $0x5000, s26;
	[sflag:s19] =	ssyncadd.s32 $0xFFFFC000  }
0x38: {  	[spmem:s2] =	stream.indirect.scatter.add.f32 [tilespmem:s17], [sflag:$0x3], $0x80, s28, s16, $0xb8;
	[tilespmem:$0x1C400] =	vst v63  }
0x39: {  	_ =	swait.ge [sflag:s12], $0x4000  }
0x3a: {  	[sflag:s12] =	ssyncset.done $0x0  }
0x3b: {  	s28 =	sadd.s32 $0x100, s26;
	[sflag:s12] =	ssyncadd.s32 $0xFFFFC000  }
0x3c: {  	[tilespmem:s17], [sflag:$0x1] =	stream.indirect.gather [hbm4b:s4+s16], $0x80, s28, s16, $0xb8;
	[tilespmem:$0x1C400] =	vst v63  }
0x3d: {  	_ =	swait.ge [sflag:s20], $0x4000  }
0x3e: {  	[sflag:s20] =	ssyncset.done $0x0  }
.Ltmp0:
0x3f: {  	s28 =	sadd.s32 $0x5080, s26;
	[sflag:s20] =	ssyncadd.s32 $0xFFFFC000;
	(pc) =	sbr.rel @p0 .LBB2_2-.Ltmp0, $4  }
0x40: {  	[spmem:s2] =	stream.indirect.scatter.add.f32 [tilespmem:s18], [sflag:$0x3], $0x80, s28, s16, $0xb8;
	[tilespmem:$0x1C400] =	vst v63  }
0x41: {  	_ =	swait.ge [sflag:s12], $0x4000  }
0x42: {  	[sflag:s12] =	ssyncset.done $0x0  }
0x43: {  	s26 =	sadd.s32 $0x180, s26;
	[sflag:s12] =	ssyncadd.s32 $0xFFFFC000  }
0x44: {  	[tilespmem:s18], [sflag:$0x2] =	stream.indirect.gather [hbm4b:s4+s16], $0x80, s26, s16, $0xb8;
	[tilespmem:$0x1C400] =	vst v63  }
0x45: {  	_ =	swait.ge [sflag:s19], $0x4000  }
0x46: {  	[sflag:s19] =	ssyncset.done $0x0  }
0x47: {  	[sflag:s19] =	ssyncadd.s32 $0xFFFFC000  }
0x48: {  	[spmem:s2] =	stream.indirect.scatter.add.f32 [tilespmem:s17], [sflag:$0x3], $0x80, s21, s16, $0xb8;
	[tilespmem:$0x1C400] =	vst v63  }
0x49: {  	_ =	swait.ge [sflag:s12], $0x4000  }
0x4a: {  	[sflag:s12] =	ssyncset.done $0x0  }
0x4b: {  	[sflag:s12] =	ssyncadd.s32 $0xFFFFC000  }
0x4c: {  	_ =	swait.ge [sflag:s20], $0x4000  }
0x4d: {  	[sflag:s20] =	ssyncset.done $0x0  }
0x4e: {  	[sflag:s20] =	ssyncadd.s32 $0xFFFFC000  }
0x4f: {  	[spmem:s2] =	stream.indirect.scatter.add.f32 [tilespmem:s18], [sflag:$0x3], $0x80, s22, s16, $0xb8;
	[tilespmem:$0x1C400] =	vst v63  }
0x50: {  	_ =	swait.ge [sflag:s12], $0x4000  }
0x51: {  	[sflag:s12] =	ssyncset.done $0x0  }
0x52: {  	[sflag:s12] =	ssyncadd.s32 $0xFFFFC000  }
0x53: {  	[bflag:$0x0] =	sbarrier.arrive $0xFFFF  }
0x54: {  	[hbm:s8], [sflag:s13] =	dma.local [spmem:s23], $0x1400  }
0x55: {  	_ =	swait.ge [sflag:s12], $0x1400  }
0x56: {  	[sflag:s12] =	ssyncset.done $0x0  }
0x57: {  	[sflag:s12] =	ssyncadd.s32 $0xFFFFEC00  }
0x58: {  	[bflag:$0x0] =	sbarrier.arrive $0xFFFF  }
0x59: {  	[spmem:s14], [sflag:s13] =	dma.local [hbm:s6], $0x1480  }
0x5a: {  	_ =	swait.ge [sflag:s12], $0x1480  }
0x5b: {  	[sflag:s12] =	ssyncset.done $0x0  }
0x5c: {  	s25 =	simm.s32 $0x0;
	[sflag:s12] =	ssyncadd.s32 $0xFFFFEB80  }
0x5d: {  	[tilespmem:s15], [sflag:$0x3] =	stream.linear.gather [hbm4b:s9+s25], $0x5000, $0x38;
	[tilespmem:$0x1C400] =	vst v63  }
0x5e: {  	_ =	swait.ge [sflag:s12], $0x5000  }
0x5f: {  	[sflag:s12] =	ssyncset.done $0x0  }
0x60: {  	[sflag:s12] =	ssyncadd.s32 $0xFFFFB000  }
0x61: {  	[bflag:$0x0] =	sbarrier.arrive $0xFFFF  }
0x62: {  	[tilespmem:s17], [sflag:$0x1] =	stream.indirect.gather [hbm4b:s4+s16], $0x80, s25, s16, $0xb8;
	[tilespmem:$0x1C400] =	vst v63  }
0x63: {  	_ = 	snop  }
0x64: {  	[tilespmem:s18], [sflag:$0x2] =	stream.indirect.gather [hbm4b:s4+s16], $0x80, s16, s16, $0xb8;
	[tilespmem:$0x1C400] =	vst v63  }
0x65: {  	_ =	swait.ge [sflag:s19], $0x4000  }
0x66: {  	[sflag:s19] =	ssyncset.done $0x0  }
0x67: {  	s29 =	simm.s32 $0x5000;
	[sflag:s19] =	ssyncadd.s32 $0xFFFFC000  }
0x68: {  	[spmem:s2] =	stream.indirect.scatter.add.f32 [tilespmem:s17], [sflag:$0x3], $0x80, s29, s16, $0xb8;
	[tilespmem:$0x1C400] =	vst v63  }
0x69: {  	_ =	swait.ge [sflag:s12], $0x4000  }
0x6a: {  	[sflag:s12] =	ssyncset.done $0x0  }
0x6b: {  	s30 =	simm.s32 $0x100;
	[sflag:s12] =	ssyncadd.s32 $0xFFFFC000  }
0x6c: {  	[tilespmem:s17], [sflag:$0x1] =	stream.indirect.gather [hbm4b:s4+s16], $0x80, s30, s16, $0xb8;
	[tilespmem:$0x1C400] =	vst v63  }
0x6d: {  	_ =	swait.ge [sflag:s20], $0x4000  }
0x6e: {  	[sflag:s20] =	ssyncset.done $0x0  }
0x6f: {  	s31 =	simm.s32 $0x5080;
	[sflag:s20] =	ssyncadd.s32 $0xFFFFC000  }
0x70: {  	[spmem:s2] =	stream.indirect.scatter.add.f32 [tilespmem:s18], [sflag:$0x3], $0x80, s31, s16, $0xb8;
	[tilespmem:$0x1C400] =	vst v63  }
0x71: {  	_ =	swait.ge [sflag:s12], $0x4000  }
0x72: {  	[sflag:s12] =	ssyncset.done $0x0  }
0x73: {  	s26 =	simm.s32 $0x180;
	s25 =	simm.s32 $0x400;
	[sflag:s12] =	ssyncadd.s32 $0xFFFFC000  }
.LBB2_4:
0x74: {  	[tilespmem:s18], [sflag:$0x2] =	stream.indirect.gather [hbm4b:s4+s16], $0x80, s26, s16, $0xb8;
	[tilespmem:$0x1C400] =	vst v63  }
0x75: {  	s26 =	smov.u32 s25  }
0x76: {  	p0 =	sne.s32 s25, $0x13800;
	s25 =	sadd.s32 $0x400, s25;
	_ =	swait.ge [sflag:s19], $0x4000  }
0x77: {  	s26 =	sshra.s32 s26, $0x2;
	[sflag:s19] =	ssyncset.done $0x0  }
0x78: {  	s28 =	sadd.s32 $0x5000, s26;
	[sflag:s19] =	ssyncadd.s32 $0xFFFFC000  }
0x79: {  	[spmem:s2] =	stream.indirect.scatter.add.f32 [tilespmem:s17], [sflag:$0x3], $0x80, s28, s16, $0xb8;
	[tilespmem:$0x1C400] =	vst v63  }
0x7a: {  	_ =	swait.ge [sflag:s12], $0x4000  }
0x7b: {  	[sflag:s12] =	ssyncset.done $0x0  }
0x7c: {  	s28 =	sadd.s32 $0x100, s26;
	[sflag:s12] =	ssyncadd.s32 $0xFFFFC000  }
0x7d: {  	[tilespmem:s17], [sflag:$0x1] =	stream.indirect.gather [hbm4b:s4+s16], $0x80, s28, s16, $0xb8;
	[tilespmem:$0x1C400] =	vst v63  }
0x7e: {  	_ =	swait.ge [sflag:s20], $0x4000  }
0x7f: {  	[sflag:s20] =	ssyncset.done $0x0  }
.Ltmp1:
0x80: {  	s28 =	sadd.s32 $0x5080, s26;
	[sflag:s20] =	ssyncadd.s32 $0xFFFFC000;
	(pc) =	sbr.rel @p0 .LBB2_4-.Ltmp1, $4  }
0x81: {  	[spmem:s2] =	stream.indirect.scatter.add.f32 [tilespmem:s18], [sflag:$0x3], $0x80, s28, s16, $0xb8;
	[tilespmem:$0x1C400] =	vst v63  }
0x82: {  	_ =	swait.ge [sflag:s12], $0x4000  }
0x83: {  	[sflag:s12] =	ssyncset.done $0x0  }
0x84: {  	s26 =	sadd.s32 $0x180, s26;
	[sflag:s12] =	ssyncadd.s32 $0xFFFFC000  }
0x85: {  	[tilespmem:s18], [sflag:$0x2] =	stream.indirect.gather [hbm4b:s4+s16], $0x80, s26, s16, $0xb8;
	[tilespmem:$0x1C400] =	vst v63  }
0x86: {  	_ =	swait.ge [sflag:s19], $0x4000  }
0x87: {  	[sflag:s19] =	ssyncset.done $0x0  }
0x88: {  	[sflag:s19] =	ssyncadd.s32 $0xFFFFC000  }
0x89: {  	[spmem:s2] =	stream.indirect.scatter.add.f32 [tilespmem:s17], [sflag:$0x3], $0x80, s21, s16, $0xb8;
	[tilespmem:$0x1C400] =	vst v63  }
0x8a: {  	_ =	swait.ge [sflag:s12], $0x4000  }
0x8b: {  	[sflag:s12] =	ssyncset.done $0x0  }
0x8c: {  	[sflag:s12] =	ssyncadd.s32 $0xFFFFC000  }
0x8d: {  	_ =	swait.ge [sflag:s20], $0x4000  }
0x8e: {  	[sflag:s20] =	ssyncset.done $0x0  }
0x8f: {  	[sflag:s20] =	ssyncadd.s32 $0xFFFFC000  }
0x90: {  	[spmem:s2] =	stream.indirect.scatter.add.f32 [tilespmem:s18], [sflag:$0x3], $0x80, s22, s16, $0xb8;
	[tilespmem:$0x1C400] =	vst v63  }
0x91: {  	_ =	swait.ge [sflag:s12], $0x4000  }
0x92: {  	[sflag:s12] =	ssyncset.done $0x0  }
0x93: {  	s24 =	sadd.s32 $0x1, s24;
	[sflag:s12] =	ssyncadd.s32 $0xFFFFC000  }
0x94: {  	p0 =	sne.s32 s24, s11;
	[bflag:$0x0] =	sbarrier.arrive $0xFFFF  }
0x95: {  	[hbm:s10], [sflag:s13] =	dma.local [spmem:s23], $0x1400  }
.Ltmp2:
0x96: {  	_ =	swait.ge [sflag:s12], $0x1400;
	(pc) =	sbr.rel @p0 .LBB2_1-.Ltmp2, $3  }
0x97: {  	[sflag:s12] =	ssyncset.done $0x0  }
0x98: {  	[sflag:s12] =	ssyncadd.s32 $0xFFFFEC00  }
0x99: {  	[bflag:$0x0] =	sbarrier.arrive $0xFFFF;
	_ =	sdelay $0x1  }
0x9a: {  	_ =	sfence.sel $0x180000  }
0x9b: {  	[bflag:$0x0] =	sbarrier.arrive $0xFFFF  }
0x9c: {  	p0 =	sne.s32 s0, $0x0;
	_ =	strace $0x9000004D  }
0x9d: {  	s0 =	sadd.s32 @!p0 $0x100000, s1;
	[bflag:$0x2] =	sbarrier.arrive $0xFFFF  }
0x9e: {  	[sflag:s0] =	ssyncadd.tile.s32 @!p0 $0x1;
	_ =	shalt  }
.Lfunc_end2:
_tile_overlayer_lowered:
.L_overlay_start_2:
0x9f: {  	(tag) =	ssettag $0x2  }
0xa0: {  	s0 =	rddreg [dreg:$0x0];
	s2 =	stileid.u32  }
0xa1: {  	s1 =	rddreg [dreg:$0x1];
	p0 =	sne.s32 s2, $0x0  }
0xa2: {  	s3 =	rddreg [dreg:$0x2];
	[bflag:$0x3] =	sbarrier.arrive $0xFFFF;
	s2 =	simm.s32 @!p0 $0x1C03  }
0xa3: {  	[timem:s3], [sflag:s2] =	dma.local @!p0 [hbm:s0], s1  }
0xa4: {  	s0 =	simm.s32 @!p0 $0x3  }
0xa5: {  	_ =	swait.ge @!p0 [sflag:s0], s1  }
0xa6: {  	s1 =	ssub.s32 @!p0 $0x0, s1;
	[sflag:s0] =	ssyncset.done @!p0 $0x0  }
0xa7: {  	[sflag:s0] =	ssyncadd.s32 @!p0 s1  }
0xa8: {  	[bflag:$0x3] =	sbarrier.arrive $0xFFFF  }
0xa9: {  	_ =	shalt  }

// kernel: kernel.8.cloned.1.call-start
scs
__scs_entry_jumppad:
0x0: {  	(pc) =	sbr.rel $0x88, $3  }
0x1: {  	(tag) =	ssettag $0x0;
	lr =	simm.s32 $0x1  }
0x2: {  	[smem:$0x3F99] =	sst lr;
	_ =	strace $0xD0000000  }
0x3: {  	_ = 	snop  }
0x4: {  	_ = 	snop  }
0x5: {  	_ = 	snop  }
0x6: {  	_ = 	snop  }
0x7: {  	_ = 	snop  }
__scs_overlays_trampoline_lowered:
0x8: {  	[smem:$0x3FA8] =	sst s0  }
0x9: {  	[smem:$0x3FA9] =	sst s1  }
0xa: {  	[smem:$0x3FAA] =	sst s2  }
0xb: {  	[smem:$0x3FAB] =	sst s3  }
0xc: {  	[smem:$0x3FAC] =	sst s4  }
0xd: {  	[smem:$0x3FAD] =	sst s5  }
0xe: {  	[smem:$0x3FAE] =	sst s6  }
0xf: {  	[smem:$0x3FAF] =	sst s7  }
0x10: {  	[smem:$0x3FB0] =	sst s8  }
0x11: {  	[smem:$0x3FB1] =	sst s9;
	s0 =	simm.s32 @!p0 $0x0  }
0x12: {  	s1 =	sld [smem:$0x3F97];
	s0 =	simm.s32 @p0 $0x1  }
0x13: {  	[smem:$0x3FB2] =	sst s0;
	s0 =	simm.s32 @!p1 $0x0  }
0x14: {  	s2 =	sld [smem:$0x3F96];
	s0 =	simm.s32 @p1 $0x1  }
0x15: {  	[smem:$0x3FB3] =	sst s0;
	s0 =	simm.s32 @!p2 $0x0  }
0x16: {  	s3 =	sld [smem:$0x3FDB];
	s0 =	simm.s32 @p2 $0x1  }
0x17: {  	s4 =	simm.s32 $0x1BF5;
	[smem:$0x3FB5] =	sst s0  }
0x18: {  	s0 =	sld [smem:$0x3F98];
	_ =	swait.ge [sflag:s4], $0x0  }
0x19: {  	s7 =	sld [smem:$0x3F99]  }
0x1a: {  	s8 =	sadd.s32 $0xFFFFE003, lr  }
0x1b: {  	s9 =	sadd.s32 $0xFFFFFEF7, lr;
	s5 =	simm.s32 $0xFFFFFFFF;
	p2 =	slt.u32 s8, $0xFFFFF086  }
0x1c: {  	p1 =	slt.u32 s9, $0xF7A;
	s5 =	simm.s32 @!p2 $0x0  }
0x1d: {  	s5 =	simm.s32 @p1 $0x1;
	p0 =	seq.s32 s7, s2  }
0x1e: {  	s7 =	smul.u32 @!p0 $0xF7A, s2;
	p2 =	seq.s32 @!p0 s5, $0x0  }
0x1f: {  	s9 =	smul.u32 $0xF7A, s1;
	s8 =	simm.s32 @!p0 $0x1BF5;
	p2 =	por !p2, p0  }
0x20: {  	[sflag:s8] =	ssyncset.s32 @!p0 $0xFFFFF086;
	s6 =	sadd.s32 @!p0 s3, s7;
	s7 =	simm.s32 @!p0 $0x108  }
0x21: {  	s3 =	sadd.s32 s3, s9;
	s6 =	sadd.s32 @!p0 $0x88, s6;
	s7 =	simm.s32 @p2 $0x1082  }
0x22: {  	[simem:s7], [sflag:s8] =	dma.local @!p0 [hbm:s6], $0xF7A  }
0x23: {  	s9 =	sor.u32 $0xD0000000, s2;
	s6 =	simm.s32 $0x108;
	_ =	swait.ge @!p0 [sflag:s8], $0x0  }
0x24: {  	s3 =	sadd.s32 $0x88, s3;
	s6 =	simm.s32 @!p1 $0x1082;
	[sflag:s4] =	ssyncset.s32 $0xFFFFF086  }
0x25: {  	[simem:s6], [sflag:s4] =	dma.local [hbm:s3], $0xF7A  }
0x26: {  	[smem:$0x3F99] =	sst s1;
	(tag) =	ssettag s2;
	_ =	strace s9  }
0x27: {  	s1 =	sld [smem:$0x3FA9]  }
0x28: {  	s2 =	sld [smem:$0x3FAA]  }
0x29: {  	s4 =	sld [smem:$0x3FAC]  }
0x2a: {  	p0 =	seq.s32 s5, $0x0;
	s5 =	sld [smem:$0x3FAD]  }
0x2b: {  	s6 =	sld [smem:$0x3FAE]  }
0x2c: {  	s7 =	sld [smem:$0x3FAF]  }
0x2d: {  	s3 =	simm.s32 $0x108;
	s8 =	sld [smem:$0x3FB0]  }
0x2e: {  	s3 =	simm.s32 @!p0 $0x1082;
	s9 =	sld [smem:$0x3FB1]  }
0x2f: {  	lr =	sadd.s32 s0, s3;
	s0 =	sld [smem:$0x3FA8]  }
0x30: {  	s3 =	sld [smem:$0x3FAB]  }
0x31: {  	[smem:$0x3FB4] =	sst s10  }
0x32: {  	s10 =	sld [smem:$0x3FB2];
	_ =	sdelay $0x3  }
0x33: {  	p0 =	seq.s32 s10, $0x1;
	s10 =	sld [smem:$0x3FB4];
	_ =	sdelay $0x3  }
0x34: {  	[smem:$0x3FB4] =	sst s10  }
0x35: {  	s10 =	sld [smem:$0x3FB3];
	_ =	sdelay $0x3  }
0x36: {  	p1 =	seq.s32 s10, $0x1;
	s10 =	sld [smem:$0x3FB4];
	_ =	sdelay $0x3  }
0x37: {  	[smem:$0x3FB4] =	sst s10  }
0x38: {  	s10 =	sld [smem:$0x3FB5]  }
0x39: {  	_ = 	snop;
	(pc) =	sbr.ind lr, $3  }
0x3a: {  	_ = 	snop  }
0x3b: {  	_ = 	snop  }
0x3c: {  	p2 =	seq.s32 s10, $0x1;
	s10 =	sld [smem:$0x3FB4]  }
0x3d: {  	_ =	shalt  }
0x3e: {  	_ =	shalt  }
0x3f: {  	_ =	shalt  }
0x40: {  	_ =	shalt  }
0x41: {  	_ =	shalt  }
0x42: {  	_ =	shalt  }
0x43: {  	_ =	shalt  }
0x44: {  	_ =	shalt  }
0x45: {  	_ =	shalt  }
0x46: {  	_ =	shalt  }
0x47: {  	_ =	shalt  }
0x48: {  	_ =	shalt  }
0x49: {  	_ =	shalt  }
0x4a: {  	_ =	shalt  }
0x4b: {  	_ =	shalt  }
0x4c: {  	_ =	shalt  }
0x4d: {  	_ =	shalt  }
0x4e: {  	_ =	shalt  }
0x4f: {  	_ =	shalt  }
0x50: {  	_ =	shalt  }
0x51: {  	_ =	shalt  }
0x52: {  	_ =	shalt  }
0x53: {  	_ =	shalt  }
0x54: {  	_ =	shalt  }
0x55: {  	_ =	shalt  }
0x56: {  	_ =	shalt  }
0x57: {  	_ =	shalt  }
0x58: {  	_ =	shalt  }
0x59: {  	_ =	shalt  }
0x5a: {  	_ =	shalt  }
0x5b: {  	_ =	shalt  }
0x5c: {  	_ =	shalt  }
0x5d: {  	_ =	shalt  }
0x5e: {  	_ =	shalt  }
0x5f: {  	_ =	shalt  }
0x60: {  	_ =	shalt  }
0x61: {  	_ =	shalt  }
0x62: {  	_ =	shalt  }
0x63: {  	_ =	shalt  }
0x64: {  	_ =	shalt  }
0x65: {  	_ =	shalt  }
0x66: {  	_ =	shalt  }
0x67: {  	_ =	shalt  }
0x68: {  	_ =	shalt  }
0x69: {  	_ =	shalt  }
0x6a: {  	_ =	shalt  }
0x6b: {  	_ =	shalt  }
0x6c: {  	_ =	shalt  }
0x6d: {  	_ =	shalt  }
0x6e: {  	_ =	shalt  }
0x6f: {  	_ =	shalt  }
0x70: {  	_ =	shalt  }
0x71: {  	_ =	shalt  }
0x72: {  	_ =	shalt  }
0x73: {  	_ =	shalt  }
0x74: {  	_ =	shalt  }
0x75: {  	_ =	shalt  }
0x76: {  	_ =	shalt  }
0x77: {  	_ =	shalt  }
0x78: {  	_ =	shalt  }
0x79: {  	_ =	shalt  }
0x7a: {  	_ =	shalt  }
0x7b: {  	_ =	shalt  }
0x7c: {  	_ =	shalt  }
0x7d: {  	_ =	shalt  }
0x7e: {  	_ =	shalt  }
0x7f: {  	_ =	shalt  }
0x80: {  	_ =	shalt  }
0x81: {  	_ =	shalt  }
0x82: {  	_ =	shalt  }
0x83: {  	_ =	shalt  }
0x84: {  	_ =	shalt  }
0x85: {  	_ =	shalt  }
0x86: {  	_ =	shalt  }
0x87: {  	_ =	shalt  }
.Lfunc_end0:
.L_simem_size_0:
called_computation_lowered:
.L_overlay_start_0:
0x88: {  	s2 =	sld [smem:$0x3FD9]  }
0x89: {  	s3 =	sld [smem:$0x3FFE];
	_ =	sdelay $0x1  }
0x8a: {  	s1 =	srdreg.scid  }
0x8b: {  	s0 =	sand.u32 $0x1, s1  }
0x8c: {  	s17 =	sshll.u32 s0, $0xA;
	s2 =	sadd.s32 s3, s2  }
0x8d: {  	s2 =	sadd.s32 s2, s17  }
0x8e: {  	[smem:$0x3FC0] =	sst s2  }
0x8f: {  	_ = 	snop  }
0x90: {  	s2 =	sld [smem:$0x3FD0];
	(tm) =	ssettm $0x1  }
0x91: {  	s18 =	sld [smem:$0x3FFB];
	_ =	sdelay $0x3  }
0x92: {  	_ =	strace s18  }
0x93: {  	s3 =	sld [smem:$0x3FFC];
	_ =	sdelay $0x3  }
0x94: {  	_ =	strace s3  }
0x95: {  	s3 =	sld [smem:$0x3FFD];
	_ =	sdelay $0x3  }
0x96: {  	_ =	strace s3  }
0x97: {  	_ =	strace $0x8FFFFFFF  }
0x98: {  	s19 =	sld [smem:$0x3FDB];
	_ =	sdelay $0x1  }
0x99: {  	s4 =	simm.s32 $_scs_section_size  }
0x9a: {  	s5 =	simm.s32 $_size__tile_overlayer_lowered;
	s6 =	simm.s32 $_tile_overlayer_lowered  }
0x9b: {  	s22 =	simm.s32 $0x1BFF;
	s21 =	sshll.u32 s6, $0x1;
	s3 =	sadd.s32 s4, s19  }
0x9c: {  	s7 =	simm.s32 $0x0;
	s20 =	sshll.u32 s5, $0x1;
	s5 =	sadd.s32 s21, s3  }
0x9d: {  	[timem:s7], [sflag:s22] =	dma.local [hbm:s5], s20  }
0x9e: {  	_ =	swait.ge [sflag:s22], s20  }
0x9f: {  	s4 =	ssub.s32 $0x0, s20;
	[sflag:s22] =	ssyncset.done $0x0  }
0xa0: {  	[sflag:s22] =	ssyncadd.s32 s4;
	_ =	sdelay $0x1  }
0xa1: {  	s23 =	simm.s32 $0x1B8B  }
0xa2: {  	_ =	swait.ge [sflag:s23], $0x1  }
0xa3: {  	[sflag:s23] =	ssyncset.done $0x0  }
0xa4: {  	s25 =	simm.s32 $0x1B8E;
	s24 =	sld [smem:$0x3FFE];
	[sflag:s23] =	ssyncadd.s32 $0xFFFFFFFF  }
0xa5: {  	s26 =	simm.s32 $execute0_lowered;
	[smem:$0x3FD2] =	sst s25  }
0xa6: {  	s5 =	sshll.u32 s26, $0x1;
	_ =	strace $0x80000046;
	[dreg:$0x1] =	wrdreg $0xFFFFFFFF  }
0xa7: {  	s28 =	simm.s32 $_size_execute0_lowered;
	s3 =	sadd.s32 s3, s5;
	[dreg:$0x0] =	wrdreg $0x0  }
0xa8: {  	s5 =	sshll.u32 s28, $0x1;
	[dreg:$0x2] =	wrdreg s3  }
0xa9: {  	[dreg:$0x3] =	wrdreg s5  }
0xaa: {  	[dreg:$0x4] =	wrdreg $0xC0  }
0xab: {  	_ =	task [dreg:s7], $0x5FFFF  }
0xac: {  	[dreg:$0x1] =	wrdreg $0xFFFFFFFF  }
0xad: {  	[dreg:$0x0] =	wrdreg $0x60  }
0xae: {  	[dreg:$0x2] =	wrdreg s2  }
0xaf: {  	[dreg:$0x3] =	wrdreg s24  }
0xb0: {  	[dreg:$0x4] =	wrdreg $0x120000  }
0xb1: {  	[dreg:$0x5] =	wrdreg $0x9  }
0xb2: {  	_ =	task.clear_ibuf [dreg:s7], $0x6FFFF;
	_ =	strace $0x90000046  }
0xb3: {  	s29 =	simm.s32 $0x9;
	_ =	strace $0x80000048  }
0xb4: {  	_ =	swait.ge [sflag:s29], $0x1  }
0xb5: {  	[sflag:s29] =	ssyncadd.s32 $0xFFFFFFFF  }
0xb6: {  	_ =	strace $0x90000048  }
0xb7: {  	_ =	sfence  }
0xb8: {  	s30 =	sld [smem:$0x0];
	_ =	sdelay $0x2  }
0xb9: {  	s31 =	sshll.u32 s1, $0xD;
	s1 =	sshrl.u32 s1, $0x2  }
0xba: {  	s3 =	sand.u32 $0x4000, s31;
	s1 =	sadd.s32 s1, s30  }
0xbb: {  	s0 =	sor.u32 s3, s0;
	s1 =	sshll.u32 s1, $0x11  }
0xbc: {  	s0 =	sor.u32 s1, s0  }
0xbd: {  	s0 =	sadd.s32 $0x8F2B, s0  }
0xbe: {  	[sflag:s0] =	ssyncadd.remote.s32 $0x1  }
0xbf: {  	_ =	sfence.sel $0xFFFF  }
0xc0: {  	[dreg:$0x0] =	wrdreg $0xFFFFFFFF;
	(pc) =	sbr.abs _section_cstart, $3  }
0xc1: {  	[dreg:$0x1] =	wrdreg $0xFFFFFFFF  }
0xc2: {  	_ =	task.clear_ibuf [dreg:s7], $0x2FFFF;
	_ =	strace $0x9FFFFFFF  }
0xc3: {  	(tm) =	ssettm $0x7FFFFFFF  }
tec
execute0_lowered:
.L_overlay_start_1:
0x0: {  	(tag) =	ssettag $0x1  }
0x1: {  	s6 =	rddreg [dreg:$0x0]  }
0x2: {  	s0 =	srdreg.scid;
	s7 =	rddreg [dreg:$0x1]  }
0x3: {  	s2 =	rddreg [dreg:$0x2];
	s3 =	simm.s32 $0x0;
	s15 =	simm.s32 $0x5000  }
0x4: {  	s16 =	simm.s32 $0x80;
	s5 =	sand.u32 $0x1, s0;
	s0 =	stileid.u32  }
0x5: {  	s17 =	simm.s32 $0xA000;
	s18 =	simm.s32 $0xE000;
	s9 =	smul.u32 $0x5000, s0  }
0x6: {  	s19 =	simm.s32 $0x1;
	s20 =	simm.s32 $0x2;
	s10 =	smul.u32 $0x140000, s5  }
0x7: {  	s21 =	simm.s32 $0x9F00;
	s22 =	simm.s32 $0x9F80;
	s11 =	smul.u32 $0xA000, s0  }
0x8: {  	s24 =	simm.s32 $0x0;
	[smem:$0x7FF] =	sst s3;
	s26 =	smul.u32 $0x29000, s0  }
0x9: {  	s4 =	sadd.s32 $0x2AA00, s7;
	s1 =	sshll.u32 s5, $0x4;
	s12 =	smul.u32 $0x1480, s0  }
0xa: {  	s5 =	ssub.s32 $0x2, s5;
	s30 =	smul.u32 $0x28000, s0;
	s1 =	sor.u32 s0, s1  }
0xb: {  	s31 =	sshll.u32 s0, $0x6;
	s28 =	sshrl.u32 s5, $0x1;
	s8 =	smul.u32 $0xA00, s1  }
0xc: {  	s1 =	rddreg [dreg:$0x3];
	_ =	strace $0x80000047;
	s9 =	sshrl.u32 s9, $0x3  }
0xd: {  	s10 =	sadd.s32 s11, s10;
	s13 =	ssub.s32 s5, s28;
	s29 =	sshrl.u32 s26, $0x2  }
0xe: {  	s6 =	sadd.s32 s6, s12;
	s11 =	sshrl.u32 s30, $0x2;
	s12 =	simm.s32 $0x3  }
0xf: {  	s9 =	sadd.s32 s9, s7;
	s10 =	sshrl.u32 s10, $0x3;
	s14 =	sadd.s32 s29, s2  }
0x10: {  	s23 =	sadd.s32 s11, s2;
	s11 =	smax.u32 s13, $0x1;
	s13 =	sor.u32 $0x1C03, s31  }
0x11: {  	s8 =	sadd.s32 s8, s7;
	s10 =	sadd.s32 s10, s7;
	s7 =	sadd.s32 $0x16A00, s9  }
0x12: {  	s9 =	sadd.s32 $0x20A00, s9;
	s14 =	sshrl.u32 s14, $0x3;
	s23 =	sshrl.u32 s23, $0x3  }
0x13: {  	s5 =	sadd.s32 $0x2A00, s8;
	s8 =	sadd.s32 $0x78C00, s10;
	s10 =	sadd.s32 $0x8CC00, s10  }
.LBB2_1:
0x14: {  	[tilespmem:s3], [sflag:$0x3] =	stream.linear.gather [hbm4b:s5+s3], $0x5000, $0x38;
	[tilespmem:$0x1C400] =	vst v63  }
0x15: {  	_ =	swait.ge [sflag:s12], $0x5000  }
0x16: {  	[sflag:s12] =	ssyncset.done $0x0  }
0x17: {  	[sflag:s12] =	ssyncadd.s32 $0xFFFFB000  }
0x18: {  	[spmem:s14], [sflag:s13] =	dma.local [hbm:s6], $0x1480  }
0x19: {  	_ =	swait.ge [sflag:s12], $0x1480  }
0x1a: {  	[sflag:s12] =	ssyncset.done $0x0  }
0x1b: {  	[sflag:s12] =	ssyncadd.s32 $0xFFFFEB80  }
0x1c: {  	[tilespmem:s15], [sflag:$0x3] =	stream.linear.gather [hbm4b:s7+s3], $0x5000, $0x38;
	[tilespmem:$0x1C400] =	vst v63  }
0x1d: {  	_ =	swait.ge [sflag:s12], $0x5000  }
0x1e: {  	[sflag:s12] =	ssyncset.done $0x0  }
0x1f: {  	[sflag:s12] =	ssyncadd.s32 $0xFFFFB000  }
0x20: {  	[bflag:$0x0] =	sbarrier.arrive $0xFFFF  }
0x21: {  	[tilespmem:s17], [sflag:$0x1] =	stream.indirect.gather [hbm4b:s4+s16], $0x80, s3, s16, $0xb8;
	[tilespmem:$0x1C400] =	vst v63  }
0x22: {  	_ = 	snop  }
0x23: {  	[tilespmem:s18], [sflag:$0x2] =	stream.indirect.gather [hbm4b:s4+s16], $0x80, s16, s16, $0xb8;
	[tilespmem:$0x1C400] =	vst v63  }
0x24: {  	_ =	swait.ge [sflag:s19], $0x4000  }
0x25: {  	[sflag:s19] =	ssyncset.done $0x0  }
0x26: {  	s25 =	simm.s32 $0x5000;
	[sflag:s19] =	ssyncadd.s32 $0xFFFFC000  }
0x27: {  	[spmem:s2] =	stream.indirect.scatter.add.f32 [tilespmem:s17], [sflag:$0x3], $0x80, s25, s16, $0xb8;
	[tilespmem:$0x1C400] =	vst v63  }
0x28: {  	_ =	swait.ge [sflag:s12], $0x4000  }
0x29: {  	[sflag:s12] =	ssyncset.done $0x0  }
0x2a: {  	s30 =	simm.s32 $0x100;
	[sflag:s12] =	ssyncadd.s32 $0xFFFFC000  }
0x2b: {  	[tilespmem:s17], [sflag:$0x1] =	stream.indirect.gather [hbm4b:s4+s16], $0x80, s30, s16, $0xb8;
	[tilespmem:$0x1C400] =	vst v63  }
0x2c: {  	_ =	swait.ge [sflag:s20], $0x4000  }
0x2d: {  	[sflag:s20] =	ssyncset.done $0x0  }
0x2e: {  	s31 =	simm.s32 $0x5080;
	[sflag:s20] =	ssyncadd.s32 $0xFFFFC000  }
0x2f: {  	[spmem:s2] =	stream.indirect.scatter.add.f32 [tilespmem:s18], [sflag:$0x3], $0x80, s31, s16, $0xb8;
	[tilespmem:$0x1C400] =	vst v63  }
0x30: {  	_ =	swait.ge [sflag:s12], $0x4000  }
0x31: {  	[sflag:s12] =	ssyncset.done $0x0  }
0x32: {  	s26 =	simm.s32 $0x180;
	s25 =	simm.s32 $0x400;
	[sflag:s12] =	ssyncadd.s32 $0xFFFFC000  }
.LBB2_2:
0x33: {  	[tilespmem:s18], [sflag:$0x2] =	stream.indirect.gather [hbm4b:s4+s16], $0x80, s26, s16, $0xb8;
	[tilespmem:$0x1C400] =	vst v63  }
0x34: {  	s26 =	smov.u32 s25  }
0x35: {  	p0 =	sne.s32 s25, $0x13800;
	s25 =	sadd.s32 $0x400, s25;
	_ =	swait.ge [sflag:s19], $0x4000  }
0x36: {  	s26 =	sshra.s32 s26, $0x2;
	[sflag:s19] =	ssyncset.done $0x0  }
0x37: {  	s28 =	sadd.s32 $0x5000, s26;
	[sflag:s19] =	ssyncadd.s32 $0xFFFFC000  }
0x38: {  	[spmem:s2] =	stream.indirect.scatter.add.f32 [tilespmem:s17], [sflag:$0x3], $0x80, s28, s16, $0xb8;
	[tilespmem:$0x1C400] =	vst v63  }
0x39: {  	_ =	swait.ge [sflag:s12], $0x4000  }
0x3a: {  	[sflag:s12] =	ssyncset.done $0x0  }
0x3b: {  	s28 =	sadd.s32 $0x100, s26;
	[sflag:s12] =	ssyncadd.s32 $0xFFFFC000  }
0x3c: {  	[tilespmem:s17], [sflag:$0x1] =	stream.indirect.gather [hbm4b:s4+s16], $0x80, s28, s16, $0xb8;
	[tilespmem:$0x1C400] =	vst v63  }
0x3d: {  	_ =	swait.ge [sflag:s20], $0x4000  }
0x3e: {  	[sflag:s20] =	ssyncset.done $0x0  }
.Ltmp0:
0x3f: {  	s28 =	sadd.s32 $0x5080, s26;
	[sflag:s20] =	ssyncadd.s32 $0xFFFFC000;
	(pc) =	sbr.rel @p0 .LBB2_2-.Ltmp0, $4  }
0x40: {  	[spmem:s2] =	stream.indirect.scatter.add.f32 [tilespmem:s18], [sflag:$0x3], $0x80, s28, s16, $0xb8;
	[tilespmem:$0x1C400] =	vst v63  }
0x41: {  	_ =	swait.ge [sflag:s12], $0x4000  }
0x42: {  	[sflag:s12] =	ssyncset.done $0x0  }
0x43: {  	s26 =	sadd.s32 $0x180, s26;
	[sflag:s12] =	ssyncadd.s32 $0xFFFFC000  }
0x44: {  	[tilespmem:s18], [sflag:$0x2] =	stream.indirect.gather [hbm4b:s4+s16], $0x80, s26, s16, $0xb8;
	[tilespmem:$0x1C400] =	vst v63  }
0x45: {  	_ =	swait.ge [sflag:s19], $0x4000  }
0x46: {  	[sflag:s19] =	ssyncset.done $0x0  }
0x47: {  	[sflag:s19] =	ssyncadd.s32 $0xFFFFC000  }
0x48: {  	[spmem:s2] =	stream.indirect.scatter.add.f32 [tilespmem:s17], [sflag:$0x3], $0x80, s21, s16, $0xb8;
	[tilespmem:$0x1C400] =	vst v63  }
0x49: {  	_ =	swait.ge [sflag:s12], $0x4000  }
0x4a: {  	[sflag:s12] =	ssyncset.done $0x0  }
0x4b: {  	[sflag:s12] =	ssyncadd.s32 $0xFFFFC000  }
0x4c: {  	_ =	swait.ge [sflag:s20], $0x4000  }
0x4d: {  	[sflag:s20] =	ssyncset.done $0x0  }
0x4e: {  	[sflag:s20] =	ssyncadd.s32 $0xFFFFC000  }
0x4f: {  	[spmem:s2] =	stream.indirect.scatter.add.f32 [tilespmem:s18], [sflag:$0x3], $0x80, s22, s16, $0xb8;
	[tilespmem:$0x1C400] =	vst v63  }
0x50: {  	_ =	swait.ge [sflag:s12], $0x4000  }
0x51: {  	[sflag:s12] =	ssyncset.done $0x0  }
0x52: {  	[sflag:s12] =	ssyncadd.s32 $0xFFFFC000  }
0x53: {  	[bflag:$0x0] =	sbarrier.arrive $0xFFFF  }
0x54: {  	[hbm:s8], [sflag:s13] =	dma.local [spmem:s23], $0x1400  }
0x55: {  	_ =	swait.ge [sflag:s12], $0x1400  }
0x56: {  	[sflag:s12] =	ssyncset.done $0x0  }
0x57: {  	[sflag:s12] =	ssyncadd.s32 $0xFFFFEC00  }
0x58: {  	[bflag:$0x0] =	sbarrier.arrive $0xFFFF  }
0x59: {  	[spmem:s14], [sflag:s13] =	dma.local [hbm:s6], $0x1480  }
0x5a: {  	_ =	swait.ge [sflag:s12], $0x1480  }
0x5b: {  	[sflag:s12] =	ssyncset.done $0x0  }
0x5c: {  	s25 =	simm.s32 $0x0;
	[sflag:s12] =	ssyncadd.s32 $0xFFFFEB80  }
0x5d: {  	[tilespmem:s15], [sflag:$0x3] =	stream.linear.gather [hbm4b:s9+s25], $0x5000, $0x38;
	[tilespmem:$0x1C400] =	vst v63  }
0x5e: {  	_ =	swait.ge [sflag:s12], $0x5000  }
0x5f: {  	[sflag:s12] =	ssyncset.done $0x0  }
0x60: {  	[sflag:s12] =	ssyncadd.s32 $0xFFFFB000  }
0x61: {  	[bflag:$0x0] =	sbarrier.arrive $0xFFFF  }
0x62: {  	[tilespmem:s17], [sflag:$0x1] =	stream.indirect.gather [hbm4b:s4+s16], $0x80, s25, s16, $0xb8;
	[tilespmem:$0x1C400] =	vst v63  }
0x63: {  	_ = 	snop  }
0x64: {  	[tilespmem:s18], [sflag:$0x2] =	stream.indirect.gather [hbm4b:s4+s16], $0x80, s16, s16, $0xb8;
	[tilespmem:$0x1C400] =	vst v63  }
0x65: {  	_ =	swait.ge [sflag:s19], $0x4000  }
0x66: {  	[sflag:s19] =	ssyncset.done $0x0  }
0x67: {  	s29 =	simm.s32 $0x5000;
	[sflag:s19] =	ssyncadd.s32 $0xFFFFC000  }
0x68: {  	[spmem:s2] =	stream.indirect.scatter.add.f32 [tilespmem:s17], [sflag:$0x3], $0x80, s29, s16, $0xb8;
	[tilespmem:$0x1C400] =	vst v63  }
0x69: {  	_ =	swait.ge [sflag:s12], $0x4000  }
0x6a: {  	[sflag:s12] =	ssyncset.done $0x0  }
0x6b: {  	s30 =	simm.s32 $0x100;
	[sflag:s12] =	ssyncadd.s32 $0xFFFFC000  }
0x6c: {  	[tilespmem:s17], [sflag:$0x1] =	stream.indirect.gather [hbm4b:s4+s16], $0x80, s30, s16, $0xb8;
	[tilespmem:$0x1C400] =	vst v63  }
0x6d: {  	_ =	swait.ge [sflag:s20], $0x4000  }
0x6e: {  	[sflag:s20] =	ssyncset.done $0x0  }
0x6f: {  	s31 =	simm.s32 $0x5080;
	[sflag:s20] =	ssyncadd.s32 $0xFFFFC000  }
0x70: {  	[spmem:s2] =	stream.indirect.scatter.add.f32 [tilespmem:s18], [sflag:$0x3], $0x80, s31, s16, $0xb8;
	[tilespmem:$0x1C400] =	vst v63  }
0x71: {  	_ =	swait.ge [sflag:s12], $0x4000  }
0x72: {  	[sflag:s12] =	ssyncset.done $0x0  }
0x73: {  	s26 =	simm.s32 $0x180;
	s25 =	simm.s32 $0x400;
	[sflag:s12] =	ssyncadd.s32 $0xFFFFC000  }
.LBB2_4:
0x74: {  	[tilespmem:s18], [sflag:$0x2] =	stream.indirect.gather [hbm4b:s4+s16], $0x80, s26, s16, $0xb8;
	[tilespmem:$0x1C400] =	vst v63  }
0x75: {  	s26 =	smov.u32 s25  }
0x76: {  	p0 =	sne.s32 s25, $0x13800;
	s25 =	sadd.s32 $0x400, s25;
	_ =	swait.ge [sflag:s19], $0x4000  }
0x77: {  	s26 =	sshra.s32 s26, $0x2;
	[sflag:s19] =	ssyncset.done $0x0  }
0x78: {  	s28 =	sadd.s32 $0x5000, s26;
	[sflag:s19] =	ssyncadd.s32 $0xFFFFC000  }
0x79: {  	[spmem:s2] =	stream.indirect.scatter.add.f32 [tilespmem:s17], [sflag:$0x3], $0x80, s28, s16, $0xb8;
	[tilespmem:$0x1C400] =	vst v63  }
0x7a: {  	_ =	swait.ge [sflag:s12], $0x4000  }
0x7b: {  	[sflag:s12] =	ssyncset.done $0x0  }
0x7c: {  	s28 =	sadd.s32 $0x100, s26;
	[sflag:s12] =	ssyncadd.s32 $0xFFFFC000  }
0x7d: {  	[tilespmem:s17], [sflag:$0x1] =	stream.indirect.gather [hbm4b:s4+s16], $0x80, s28, s16, $0xb8;
	[tilespmem:$0x1C400] =	vst v63  }
0x7e: {  	_ =	swait.ge [sflag:s20], $0x4000  }
0x7f: {  	[sflag:s20] =	ssyncset.done $0x0  }
.Ltmp1:
0x80: {  	s28 =	sadd.s32 $0x5080, s26;
	[sflag:s20] =	ssyncadd.s32 $0xFFFFC000;
	(pc) =	sbr.rel @p0 .LBB2_4-.Ltmp1, $4  }
0x81: {  	[spmem:s2] =	stream.indirect.scatter.add.f32 [tilespmem:s18], [sflag:$0x3], $0x80, s28, s16, $0xb8;
	[tilespmem:$0x1C400] =	vst v63  }
0x82: {  	_ =	swait.ge [sflag:s12], $0x4000  }
0x83: {  	[sflag:s12] =	ssyncset.done $0x0  }
0x84: {  	s26 =	sadd.s32 $0x180, s26;
	[sflag:s12] =	ssyncadd.s32 $0xFFFFC000  }
0x85: {  	[tilespmem:s18], [sflag:$0x2] =	stream.indirect.gather [hbm4b:s4+s16], $0x80, s26, s16, $0xb8;
	[tilespmem:$0x1C400] =	vst v63  }
0x86: {  	_ =	swait.ge [sflag:s19], $0x4000  }
0x87: {  	[sflag:s19] =	ssyncset.done $0x0  }
0x88: {  	[sflag:s19] =	ssyncadd.s32 $0xFFFFC000  }
0x89: {  	[spmem:s2] =	stream.indirect.scatter.add.f32 [tilespmem:s17], [sflag:$0x3], $0x80, s21, s16, $0xb8;
	[tilespmem:$0x1C400] =	vst v63  }
0x8a: {  	_ =	swait.ge [sflag:s12], $0x4000  }
0x8b: {  	[sflag:s12] =	ssyncset.done $0x0  }
0x8c: {  	[sflag:s12] =	ssyncadd.s32 $0xFFFFC000  }
0x8d: {  	_ =	swait.ge [sflag:s20], $0x4000  }
0x8e: {  	[sflag:s20] =	ssyncset.done $0x0  }
0x8f: {  	[sflag:s20] =	ssyncadd.s32 $0xFFFFC000  }
0x90: {  	[spmem:s2] =	stream.indirect.scatter.add.f32 [tilespmem:s18], [sflag:$0x3], $0x80, s22, s16, $0xb8;
	[tilespmem:$0x1C400] =	vst v63  }
0x91: {  	_ =	swait.ge [sflag:s12], $0x4000  }
0x92: {  	[sflag:s12] =	ssyncset.done $0x0  }
0x93: {  	s24 =	sadd.s32 $0x1, s24;
	[sflag:s12] =	ssyncadd.s32 $0xFFFFC000  }
0x94: {  	p0 =	sne.s32 s24, s11;
	[bflag:$0x0] =	sbarrier.arrive $0xFFFF  }
0x95: {  	[hbm:s10], [sflag:s13] =	dma.local [spmem:s23], $0x1400  }
.Ltmp2:
0x96: {  	_ =	swait.ge [sflag:s12], $0x1400;
	(pc) =	sbr.rel @p0 .LBB2_1-.Ltmp2, $3  }
0x97: {  	[sflag:s12] =	ssyncset.done $0x0  }
0x98: {  	[sflag:s12] =	ssyncadd.s32 $0xFFFFEC00  }
0x99: {  	[bflag:$0x0] =	sbarrier.arrive $0xFFFF;
	_ =	sdelay $0x1  }
0x9a: {  	_ =	sfence.sel $0x180000  }
0x9b: {  	[bflag:$0x0] =	sbarrier.arrive $0xFFFF  }
0x9c: {  	p0 =	sne.s32 s0, $0x0;
	_ =	strace $0x90000047  }
0x9d: {  	s0 =	sadd.s32 @!p0 $0x100000, s1;
	[bflag:$0x2] =	sbarrier.arrive $0xFFFF  }
0x9e: {  	[sflag:s0] =	ssyncadd.tile.s32 @!p0 $0x1;
	_ =	shalt  }
.Lfunc_end2:
_tile_overlayer_lowered:
.L_overlay_start_2:
0x9f: {  	(tag) =	ssettag $0x2  }
0xa0: {  	s0 =	rddreg [dreg:$0x0];
	s2 =	stileid.u32  }
0xa1: {  	s1 =	rddreg [dreg:$0x1];
	p0 =	sne.s32 s2, $0x0  }
0xa2: {  	s3 =	rddreg [dreg:$0x2];
	[bflag:$0x3] =	sbarrier.arrive $0xFFFF;
	s2 =	simm.s32 @!p0 $0x1C03  }
0xa3: {  	[timem:s3], [sflag:s2] =	dma.local @!p0 [hbm:s0], s1  }
0xa4: {  	s0 =	simm.s32 @!p0 $0x3  }
0xa5: {  	_ =	swait.ge @!p0 [sflag:s0], s1  }
0xa6: {  	s1 =	ssub.s32 @!p0 $0x0, s1;
	[sflag:s0] =	ssyncset.done @!p0 $0x0  }
0xa7: {  	[sflag:s0] =	ssyncadd.s32 @!p0 s1  }
0xa8: {  	[bflag:$0x3] =	sbarrier.arrive $0xFFFF  }
0xa9: {  	_ =	shalt  }

</sc_bundles>
